<compile_context>
chip_gen: v7x
topology: tpu7x:2x2x1
jax: 0.10.2.dev20260603
libtpu: 0.0.44.dev20260713+nightly
codegen_flags: <defaults>
</compile_context>

<pallas_src>
import functools

import jax
import jax.numpy as jnp
from jax import lax
from jax.experimental import pallas as pl
from jax.experimental.pallas import tpu as pltpu
from jax.experimental.pallas import tpu_sc as plsc

TYPE_VOCAB = 2
D = 1024
N_ROWS = 4 * 8192

_info = plsc.get_sparse_core_info()
NC, NS = _info.num_cores, _info.num_subcores
NW = NC * NS
ROWS_PER_W = N_ROWS // NW
SUPER_ROWS = 64
NSUPER = ROWS_PER_W // SUPER_ROWS


def _body(ids_hbm, table_hbm, out_hbm, idx_v, tbl_v, drain_v, sem):
    cid = lax.axis_index("c")
    sid = lax.axis_index("s")
    wid = sid * NC + cid
    base = wid * ROWS_PER_W

    pltpu.sync_copy(table_hbm, tbl_v)
    pltpu.sync_copy(ids_hbm.at[pl.ds(base, ROWS_PER_W)], idx_v)

    def super_body(sg, carry):
        for g in range(SUPER_ROWS // 16):
            gbase = sg * SUPER_ROWS + g * 16
            ivec = idx_v[pl.ds(gbase, 16)]
            for r in range(16):
                s = lax.squeeze(lax.slice(ivec, (r,), (r + 1,)), (0,))
                pltpu.async_copy(
                    tbl_v.at[pl.ds(s, 1)],
                    out_hbm.at[pl.ds(base + gbase + r, 1)], sem)

        @pl.when(sg >= 3)
        def _drain():
            pltpu.make_async_copy(
                out_hbm.at[pl.ds(base, SUPER_ROWS)], drain_v, sem).wait()

        return carry

    lax.fori_loop(0, NSUPER, super_body, 0)
    for _ in range(3):
        pltpu.make_async_copy(
            out_hbm.at[pl.ds(base, SUPER_ROWS)], drain_v, sem).wait()


@jax.jit
def _run(ids_flat, table):
    mesh = plsc.VectorSubcoreMesh(core_axis_name="c", subcore_axis_name="s")
    f = functools.partial(
        pl.kernel,
        mesh=mesh,
        out_type=jax.ShapeDtypeStruct((N_ROWS, D), jnp.float32),
        scratch_types=[
            pltpu.VMEM((ROWS_PER_W,), jnp.int32),
            pltpu.VMEM((TYPE_VOCAB, D), jnp.float32),
            pltpu.VMEM((SUPER_ROWS, D), jnp.float32),
            pltpu.SemaphoreType.DMA,
        ],
    )(_body)
    return f(ids_flat, table)


def kernel(token_type_ids, segment_embedding_weight):
    b, s = token_type_ids.shape
    ids_flat = token_type_ids.reshape(-1).astype(jnp.int32)
    out = _run(ids_flat, segment_embedding_weight)
    return out.reshape(b, s, D)

# --- scband reference (transcript-rebuilt; emitter-appended) ---
"""Pipeline reference for scband-segment-embedding-86844238725558 (READ-ONLY COPY).

The authoritative reference and input builder live on the scoring server;
editing this copy changes nothing except your own understanding.
"""

import jax, jax.numpy as jnp
import numpy as np

TYPE_VOCAB_SIZE = 2
D_MODEL = 1024
BATCH = 4
SEQ_LEN = 8192

def setup_inputs(seed: int = 0) -> dict:
    key = jax.random.key(seed)
    k_idx, k_w = jax.random.split(key)
    token_type_ids = jax.random.randint(k_idx, (BATCH, SEQ_LEN), 0, TYPE_VOCAB_SIZE, dtype=jnp.int64 if jax.config.jax_enable_x64 else jnp.int32)
    segment_embedding_weight = jax.random.normal(k_w, (TYPE_VOCAB_SIZE, D_MODEL), dtype=jnp.float32)
    return {"token_type_ids": token_type_ids, "segment_embedding_weight": segment_embedding_weight}

def reference(token_type_ids, segment_embedding_weight):
    # nn.Embedding lookup: gather rows of the table by index
    return jnp.take(segment_embedding_weight, token_type_ids, axis=0)

if __name__ == "__main__":
    import jax
    _d = setup_inputs()
    print(jax.jit(kernel)(*tuple(_d.values())))

</pallas_src>

<mosaic_0001>
#map = affine_map<(d0, d1) -> (0)>
#map1 = affine_map<(d0, d1) -> (0, 0)>
module attributes {stable_mosaic.version = 14 : i64} {
  func.func @_body(%arg0: i32, %arg1: i32, %arg2: memref<32768xi32, #tpu.memory_space<hbm>>, %arg3: memref<2x1024xf32, #tpu.memory_space<hbm>>, %arg4: memref<32768x1024xf32, #tpu.memory_space<hbm>>, %arg5: memref<1024xi32, #tpu.memory_space<vmem>>, %arg6: memref<2x1024xf32, #tpu.memory_space<vmem>>, %arg7: memref<64x1024xf32, #tpu.memory_space<vmem>>, %arg8: memref<!tpu.dma_semaphore, #tpu.memory_space<semaphore_mem>>) attributes {dimension_semantics = [#tpu.dimension_semantics<core_parallel>, #tpu.dimension_semantics<subcore_parallel>], iteration_bounds = array<i64: 2, 16>, scalar_prefetch = 0 : i64, scratch_operands = 4 : i64, tpu.core_type = #tpu.core_type<sc_vector_subcore>, window_params = [{transform_indices = #map}, {transform_indices = #map1}, {transform_indices = #map1}]} {
    %mul3A = arith.constant 2 : i32
    %mul3A_0 = arith.muli %arg1, %mul3A : i32
    %add3A = arith.addi %mul3A_0, %arg0 : i32
    %mul3A_1 = arith.constant 1024 : i32
    %mul3A_2 = arith.muli %add3A, %mul3A_1 : i32
    "tpu.region"() ({
      %run_scoped3A = tpu.sem_alloc : memref<!tpu.dma_semaphore, #tpu.memory_space<semaphore_mem>>
      tpu.enqueue_dma source(%arg3 : memref<2x1024xf32, #tpu.memory_space<hbm>>) target(%arg6 : memref<2x1024xf32, #tpu.memory_space<vmem>>) target_semaphore(%run_scoped3A : memref<!tpu.dma_semaphore, #tpu.memory_space<semaphore_mem>>)
      tpu.wait_dma2 semaphore(%run_scoped3A : memref<!tpu.dma_semaphore, #tpu.memory_space<semaphore_mem>>) src(%arg3 : memref<2x1024xf32, #tpu.memory_space<hbm>>) dst(%arg6 : memref<2x1024xf32, #tpu.memory_space<vmem>>)
      tpu.yield
    }) : () -> ()
    "tpu.region"() ({
      %run_scoped3A = tpu.sem_alloc : memref<!tpu.dma_semaphore, #tpu.memory_space<semaphore_mem>>
      %dma_start3A = tpu.memref_slice %arg2[%mul3A_2] : memref<32768xi32, #tpu.memory_space<hbm>> -> memref<1024xi32, #tpu.memory_space<hbm>>
      %dma_start3A_19 = tpu.memref_slice %arg2[%mul3A_2] : memref<32768xi32, #tpu.memory_space<hbm>> -> memref<1024xi32, #tpu.memory_space<hbm>>
      tpu.enqueue_dma source(%dma_start3A_19 : memref<1024xi32, #tpu.memory_space<hbm>>) target(%arg5 : memref<1024xi32, #tpu.memory_space<vmem>>) target_semaphore(%run_scoped3A : memref<!tpu.dma_semaphore, #tpu.memory_space<semaphore_mem>>)
      %dma_wait3A_20 = tpu.memref_slice %arg2[%mul3A_2] : memref<32768xi32, #tpu.memory_space<hbm>> -> memref<1024xi32, #tpu.memory_space<hbm>>
      %dma_wait3A_21 = tpu.memref_slice %arg2[%mul3A_2] : memref<32768xi32, #tpu.memory_space<hbm>> -> memref<1024xi32, #tpu.memory_space<hbm>>
      tpu.wait_dma2 semaphore(%run_scoped3A : memref<!tpu.dma_semaphore, #tpu.memory_space<semaphore_mem>>) src(%dma_wait3A_21 : memref<1024xi32, #tpu.memory_space<hbm>>) dst(%arg5 : memref<1024xi32, #tpu.memory_space<vmem>>)
      tpu.yield
    }) : () -> ()
    %scan3A = arith.constant 0 : i32
    %scan3A_3 = arith.constant 0 : i32
    %scan3A_4 = arith.constant 16 : i32
    %scan3A_5 = arith.addi %scan3A_3, %scan3A_4 : i32
    %scan3A_6 = arith.constant 1 : i32
    scf.for %scan3A_19 = %scan3A_3 to %scan3A_5 step %scan3A_6  : i32 {
      %mul3A_20 = arith.constant 64 : i32
      %mul3A_21 = arith.muli %scan3A_19, %mul3A_20 : i32
      %add3A_22 = arith.constant 0 : i32
      %add3A_23 = arith.addi %mul3A_21, %add3A_22 : i32
      %get3A = arith.index_cast %add3A_23 : i32 to index
      %get3A_24 = tpu.vector_load %arg5[%get3A] {strides = array<i32>} : memref<1024xi32, #tpu.memory_space<vmem>>, vector<16xi32>,
      %get3A_25 = vector.shape_cast %get3A_24 : vector<16xi32> to vector<16xi32>
      %slice3A = vector.extract_strided_slice %get3A_25 {offsets = [0], sizes = [1], strides = [1]} : vector<16xi32> to vector<1xi32>
      %squeeze3A = vector.extract %slice3A[0] : i32 from vector<1xi32>
      %add3A_26 = arith.addi %mul3A_2, %add3A_23 : i32
      %add3A_27 = arith.constant 0 : i32
      %add3A_28 = arith.addi %add3A_26, %add3A_27 : i32
      %dma_start3A = arith.constant 0 : i32
      %dma_start3A_29 = tpu.memref_slice %arg6[%squeeze3A, %dma_start3A] : memref<2x1024xf32, #tpu.memory_space<vmem>> -> memref<1x1024xf32, #tpu.memory_space<vmem>>
      %dma_start3A_30 = arith.constant 0 : i32
      %dma_start3A_31 = tpu.memref_slice %arg4[%add3A_28, %dma_start3A_30] : memref<32768x1024xf32, #tpu.memory_space<hbm>> -> memref<1x1024xf32, #tpu.memory_space<hbm>>
      %dma_start3A_32 = arith.constant 0 : i32
      %dma_start3A_33 = tpu.memref_slice %arg4[%add3A_28, %dma_start3A_32] : memref<32768x1024xf32, #tpu.memory_space<hbm>> -> memref<1x1024xf32, #tpu.memory_space<hbm>>
      %dma_start3A_34 = arith.constant 0 : i32
      %dma_start3A_35 = tpu.memref_slice %arg6[%squeeze3A, %dma_start3A_34] : memref<2x1024xf32, #tpu.memory_space<vmem>> -> memref<1x1024xf32, #tpu.memory_space<vmem>>
      tpu.enqueue_dma source(%dma_start3A_35 : memref<1x1024xf32, #tpu.memory_space<vmem>>) target(%dma_start3A_33 : memref<1x1024xf32, #tpu.memory_space<hbm>>) target_semaphore(%arg8 : memref<!tpu.dma_semaphore, #tpu.memory_space<semaphore_mem>>)
      %slice3A_36 = vector.extract_strided_slice %get3A_25 {offsets = [1], sizes = [1], strides = [1]} : vector<16xi32> to vector<1xi32>
      %squeeze3A_37 = vector.extract %slice3A_36[0] : i32 from vector<1xi32>
      %add3A_38 = arith.addi %mul3A_2, %add3A_23 : i32
      %add3A_39 = arith.constant 1 : i32
      %add3A_40 = arith.addi %add3A_38, %add3A_39 : i32
      %dma_start3A_41 = arith.constant 0 : i32
      %dma_start3A_42 = tpu.memref_slice %arg6[%squeeze3A_37, %dma_start3A_41] : memref<2x1024xf32, #tpu.memory_space<vmem>> -> memref<1x1024xf32, #tpu.memory_space<vmem>>
      %dma_start3A_43 = arith.constant 0 : i32
      %dma_start3A_44 = tpu.memref_slice %arg4[%add3A_40, %dma_start3A_43] : memref<32768x1024xf32, #tpu.memory_space<hbm>> -> memref<1x1024xf32, #tpu.memory_space<hbm>>
      %dma_start3A_45 = arith.constant 0 : i32
      %dma_start3A_46 = tpu.memref_slice %arg4[%add3A_40, %dma_start3A_45] : memref<32768x1024xf32, #tpu.memory_space<hbm>> -> memref<1x1024xf32, #tpu.memory_space<hbm>>
      %dma_start3A_47 = arith.constant 0 : i32
      %dma_start3A_48 = tpu.memref_slice %arg6[%squeeze3A_37, %dma_start3A_47] : memref<2x1024xf32, #tpu.memory_space<vmem>> -> memref<1x1024xf32, #tpu.memory_space<vmem>>
      tpu.enqueue_dma source(%dma_start3A_48 : memref<1x1024xf32, #tpu.memory_space<vmem>>) target(%dma_start3A_46 : memref<1x1024xf32, #tpu.memory_space<hbm>>) target_semaphore(%arg8 : memref<!tpu.dma_semaphore, #tpu.memory_space<semaphore_mem>>)
      %slice3A_49 = vector.extract_strided_slice %get3A_25 {offsets = [2], sizes = [1], strides = [1]} : vector<16xi32> to vector<1xi32>
      %squeeze3A_50 = vector.extract %slice3A_49[0] : i32 from vector<1xi32>
      %add3A_51 = arith.addi %mul3A_2, %add3A_23 : i32
      %add3A_52 = arith.constant 2 : i32
      %add3A_53 = arith.addi %add3A_51, %add3A_52 : i32
      %dma_start3A_54 = arith.constant 0 : i32
      %dma_start3A_55 = tpu.memref_slice %arg6[%squeeze3A_50, %dma_start3A_54] : memref<2x1024xf32, #tpu.memory_space<vmem>> -> memref<1x1024xf32, #tpu.memory_space<vmem>>
      %dma_start3A_56 = arith.constant 0 : i32
      %dma_start3A_57 = tpu.memref_slice %arg4[%add3A_53, %dma_start3A_56] : memref<32768x1024xf32, #tpu.memory_space<hbm>> -> memref<1x1024xf32, #tpu.memory_space<hbm>>
      %dma_start3A_58 = arith.constant 0 : i32
      %dma_start3A_59 = tpu.memref_slice %arg4[%add3A_53, %dma_start3A_58] : memref<32768x1024xf32, #tpu.memory_space<hbm>> -> memref<1x1024xf32, #tpu.memory_space<hbm>>
      %dma_start3A_60 = arith.constant 0 : i32
      %dma_start3A_61 = tpu.memref_slice %arg6[%squeeze3A_50, %dma_start3A_60] : memref<2x1024xf32, #tpu.memory_space<vmem>> -> memref<1x1024xf32, #tpu.memory_space<vmem>>
      tpu.enqueue_dma source(%dma_start3A_61 : memref<1x1024xf32, #tpu.memory_space<vmem>>) target(%dma_start3A_59 : memref<1x1024xf32, #tpu.memory_space<hbm>>) target_semaphore(%arg8 : memref<!tpu.dma_semaphore, #tpu.memory_space<semaphore_mem>>)
      %slice3A_62 = vector.extract_strided_slice %get3A_25 {offsets = [3], sizes = [1], strides = [1]} : vector<16xi32> to vector<1xi32>
      %squeeze3A_63 = vector.extract %slice3A_62[0] : i32 from vector<1xi32>
      %add3A_64 = arith.addi %mul3A_2, %add3A_23 : i32
      %add3A_65 = arith.constant 3 : i32
      %add3A_66 = arith.addi %add3A_64, %add3A_65 : i32
      %dma_start3A_67 = arith.constant 0 : i32
      %dma_start3A_68 = tpu.memref_slice %arg6[%squeeze3A_63, %dma_start3A_67] : memref<2x1024xf32, #tpu.memory_space<vmem>> -> memref<1x1024xf32, #tpu.memory_space<vmem>>
      %dma_start3A_69 = arith.constant 0 : i32
      %dma_start3A_70 = tpu.memref_slice %arg4[%add3A_66, %dma_start3A_69] : memref<32768x1024xf32, #tpu.memory_space<hbm>> -> memref<1x1024xf32, #tpu.memory_space<hbm>>
      %dma_start3A_71 = arith.constant 0 : i32
      %dma_start3A_72 = tpu.memref_slice %arg4[%add3A_66, %dma_start3A_71] : memref<32768x1024xf32, #tpu.memory_space<hbm>> -> memref<1x1024xf32, #tpu.memory_space<hbm>>
      %dma_start3A_73 = arith.constant 0 : i32
      %dma_start3A_74 = tpu.memref_slice %arg6[%squeeze3A_63, %dma_start3A_73] : memref<2x1024xf32, #tpu.memory_space<vmem>> -> memref<1x1024xf32, #tpu.memory_space<vmem>>
      tpu.enqueue_dma source(%dma_start3A_74 : memref<1x1024xf32, #tpu.memory_space<vmem>>) target(%dma_start3A_72 : memref<1x1024xf32, #tpu.memory_space<hbm>>) target_semaphore(%arg8 : memref<!tpu.dma_semaphore, #tpu.memory_space<semaphore_mem>>)
      %slice3A_75 = vector.extract_strided_slice %get3A_25 {offsets = [4], sizes = [1], strides = [1]} : vector<16xi32> to vector<1xi32>
      %squeeze3A_76 = vector.extract %slice3A_75[0] : i32 from vector<1xi32>
      %add3A_77 = arith.addi %mul3A_2, %add3A_23 : i32
      %add3A_78 = arith.constant 4 : i32
      %add3A_79 = arith.addi %add3A_77, %add3A_78 : i32
      %dma_start3A_80 = arith.constant 0 : i32
      %dma_start3A_81 = tpu.memref_slice %arg6[%squeeze3A_76, %dma_start3A_80] : memref<2x1024xf32, #tpu.memory_space<vmem>> -> memref<1x1024xf32, #tpu.memory_space<vmem>>
      %dma_start3A_82 = arith.constant 0 : i32
      %dma_start3A_83 = tpu.memref_slice %arg4[%add3A_79, %dma_start3A_82] : memref<32768x1024xf32, #tpu.memory_space<hbm>> -> memref<1x1024xf32, #tpu.memory_space<hbm>>
      %dma_start3A_84 = arith.constant 0 : i32
      %dma_start3A_85 = tpu.memref_slice %arg4[%add3A_79, %dma_start3A_84] : memref<32768x1024xf32, #tpu.memory_space<hbm>> -> memref<1x1024xf32, #tpu.memory_space<hbm>>
      %dma_start3A_86 = arith.constant 0 : i32
      %dma_start3A_87 = tpu.memref_slice %arg6[%squeeze3A_76, %dma_start3A_86] : memref<2x1024xf32, #tpu.memory_space<vmem>> -> memref<1x1024xf32, #tpu.memory_space<vmem>>
      tpu.enqueue_dma source(%dma_start3A_87 : memref<1x1024xf32, #tpu.memory_space<vmem>>) target(%dma_start3A_85 : memref<1x1024xf32, #tpu.memory_space<hbm>>) target_semaphore(%arg8 : memref<!tpu.dma_semaphore, #tpu.memory_space<semaphore_mem>>)
      %slice3A_88 = vector.extract_strided_slice %get3A_25 {offsets = [5], sizes = [1], strides = [1]} : vector<16xi32> to vector<1xi32>
      %squeeze3A_89 = vector.extract %slice3A_88[0] : i32 from vector<1xi32>
      %add3A_90 = arith.addi %mul3A_2, %add3A_23 : i32
      %add3A_91 = arith.constant 5 : i32
      %add3A_92 = arith.addi %add3A_90, %add3A_91 : i32
      %dma_start3A_93 = arith.constant 0 : i32
      %dma_start3A_94 = tpu.memref_slice %arg6[%squeeze3A_89, %dma_start3A_93] : memref<2x1024xf32, #tpu.memory_space<vmem>> -> memref<1x1024xf32, #tpu.memory_space<vmem>>
      %dma_start3A_95 = arith.constant 0 : i32
      %dma_start3A_96 = tpu.memref_slice %arg4[%add3A_92, %dma_start3A_95] : memref<32768x1024xf32, #tpu.memory_space<hbm>> -> memref<1x1024xf32, #tpu.memory_space<hbm>>
      %dma_start3A_97 = arith.constant 0 : i32
      %dma_start3A_98 = tpu.memref_slice %arg4[%add3A_92, %dma_start3A_97] : memref<32768x1024xf32, #tpu.memory_space<hbm>> -> memref<1x1024xf32, #tpu.memory_space<hbm>>
      %dma_start3A_99 = arith.constant 0 : i32
      %dma_start3A_100 = tpu.memref_slice %arg6[%squeeze3A_89, %dma_start3A_99] : memref<2x1024xf32, #tpu.memory_space<vmem>> -> memref<1x1024xf32, #tpu.memory_space<vmem>>
      tpu.enqueue_dma source(%dma_start3A_100 : memref<1x1024xf32, #tpu.memory_space<vmem>>) target(%dma_start3A_98 : memref<1x1024xf32, #tpu.memory_space<hbm>>) target_semaphore(%arg8 : memref<!tpu.dma_semaphore, #tpu.memory_space<semaphore_mem>>)
      %slice3A_101 = vector.extract_strided_slice %get3A_25 {offsets = [6], sizes = [1], strides = [1]} : vector<16xi32> to vector<1xi32>
      %squeeze3A_102 = vector.extract %slice3A_101[0] : i32 from vector<1xi32>
      %add3A_103 = arith.addi %mul3A_2, %add3A_23 : i32
      %add3A_104 = arith.constant 6 : i32
      %add3A_105 = arith.addi %add3A_103, %add3A_104 : i32
      %dma_start3A_106 = arith.constant 0 : i32
      %dma_start3A_107 = tpu.memref_slice %arg6[%squeeze3A_102, %dma_start3A_106] : memref<2x1024xf32, #tpu.memory_space<vmem>> -> memref<1x1024xf32, #tpu.memory_space<vmem>>
      %dma_start3A_108 = arith.constant 0 : i32
      %dma_start3A_109 = tpu.memref_slice %arg4[%add3A_105, %dma_start3A_108] : memref<32768x1024xf32, #tpu.memory_space<hbm>> -> memref<1x1024xf32, #tpu.memory_space<hbm>>
      %dma_start3A_110 = arith.constant 0 : i32
      %dma_start3A_111 = tpu.memref_slice %arg4[%add3A_105, %dma_start3A_110] : memref<32768x1024xf32, #tpu.memory_space<hbm>> -> memref<1x1024xf32, #tpu.memory_space<hbm>>
      %dma_start3A_112 = arith.constant 0 : i32
      %dma_start3A_113 = tpu.memref_slice %arg6[%squeeze3A_102, %dma_start3A_112] : memref<2x1024xf32, #tpu.memory_space<vmem>> -> memref<1x1024xf32, #tpu.memory_space<vmem>>
      tpu.enqueue_dma source(%dma_start3A_113 : memref<1x1024xf32, #tpu.memory_space<vmem>>) target(%dma_start3A_111 : memref<1x1024xf32, #tpu.memory_space<hbm>>) target_semaphore(%arg8 : memref<!tpu.dma_semaphore, #tpu.memory_space<semaphore_mem>>)
      %slice3A_114 = vector.extract_strided_slice %get3A_25 {offsets = [7], sizes = [1], strides = [1]} : vector<16xi32> to vector<1xi32>
      %squeeze3A_115 = vector.extract %slice3A_114[0] : i32 from vector<1xi32>
      %add3A_116 = arith.addi %mul3A_2, %add3A_23 : i32
      %add3A_117 = arith.constant 7 : i32
      %add3A_118 = arith.addi %add3A_116, %add3A_117 : i32
      %dma_start3A_119 = arith.constant 0 : i32
      %dma_start3A_120 = tpu.memref_slice %arg6[%squeeze3A_115, %dma_start3A_119] : memref<2x1024xf32, #tpu.memory_space<vmem>> -> memref<1x1024xf32, #tpu.memory_space<vmem>>
      %dma_start3A_121 = arith.constant 0 : i32
      %dma_start3A_122 = tpu.memref_slice %arg4[%add3A_118, %dma_start3A_121] : memref<32768x1024xf32, #tpu.memory_space<hbm>> -> memref<1x1024xf32, #tpu.memory_space<hbm>>
      %dma_start3A_123 = arith.constant 0 : i32
      %dma_start3A_124 = tpu.memref_slice %arg4[%add3A_118, %dma_start3A_123] : memref<32768x1024xf32, #tpu.memory_space<hbm>> -> memref<1x1024xf32, #tpu.memory_space<hbm>>
      %dma_start3A_125 = arith.constant 0 : i32
      %dma_start3A_126 = tpu.memref_slice %arg6[%squeeze3A_115, %dma_start3A_125] : memref<2x1024xf32, #tpu.memory_space<vmem>> -> memref<1x1024xf32, #tpu.memory_space<vmem>>
      tpu.enqueue_dma source(%dma_start3A_126 : memref<1x1024xf32, #tpu.memory_space<vmem>>) target(%dma_start3A_124 : memref<1x1024xf32, #tpu.memory_space<hbm>>) target_semaphore(%arg8 : memref<!tpu.dma_semaphore, #tpu.memory_space<semaphore_mem>>)
      %slice3A_127 = vector.extract_strided_slice %get3A_25 {offsets = [8], sizes = [1], strides = [1]} : vector<16xi32> to vector<1xi32>
      %squeeze3A_128 = vector.extract %slice3A_127[0] : i32 from vector<1xi32>
      %add3A_129 = arith.addi %mul3A_2, %add3A_23 : i32
      %add3A_130 = arith.constant 8 : i32
      %add3A_131 = arith.addi %add3A_129, %add3A_130 : i32
      %dma_start3A_132 = arith.constant 0 : i32
      %dma_start3A_133 = tpu.memref_slice %arg6[%squeeze3A_128, %dma_start3A_132] : memref<2x1024xf32, #tpu.memory_space<vmem>> -> memref<1x1024xf32, #tpu.memory_space<vmem>>
      %dma_start3A_134 = arith.constant 0 : i32
      %dma_start3A_135 = tpu.memref_slice %arg4[%add3A_131, %dma_start3A_134] : memref<32768x1024xf32, #tpu.memory_space<hbm>> -> memref<1x1024xf32, #tpu.memory_space<hbm>>
      %dma_start3A_136 = arith.constant 0 : i32
      %dma_start3A_137 = tpu.memref_slice %arg4[%add3A_131, %dma_start3A_136] : memref<32768x1024xf32, #tpu.memory_space<hbm>> -> memref<1x1024xf32, #tpu.memory_space<hbm>>
      %dma_start3A_138 = arith.constant 0 : i32
      %dma_start3A_139 = tpu.memref_slice %arg6[%squeeze3A_128, %dma_start3A_138] : memref<2x1024xf32, #tpu.memory_space<vmem>> -> memref<1x1024xf32, #tpu.memory_space<vmem>>
      tpu.enqueue_dma source(%dma_start3A_139 : memref<1x1024xf32, #tpu.memory_space<vmem>>) target(%dma_start3A_137 : memref<1x1024xf32, #tpu.memory_space<hbm>>) target_semaphore(%arg8 : memref<!tpu.dma_semaphore, #tpu.memory_space<semaphore_mem>>)
      %slice3A_140 = vector.extract_strided_slice %get3A_25 {offsets = [9], sizes = [1], strides = [1]} : vector<16xi32> to vector<1xi32>
      %squeeze3A_141 = vector.extract %slice3A_140[0] : i32 from vector<1xi32>
      %add3A_142 = arith.addi %mul3A_2, %add3A_23 : i32
      %add3A_143 = arith.constant 9 : i32
      %add3A_144 = arith.addi %add3A_142, %add3A_143 : i32
      %dma_start3A_145 = arith.constant 0 : i32
      %dma_start3A_146 = tpu.memref_slice %arg6[%squeeze3A_141, %dma_start3A_145] : memref<2x1024xf32, #tpu.memory_space<vmem>> -> memref<1x1024xf32, #tpu.memory_space<vmem>>
      %dma_start3A_147 = arith.constant 0 : i32
      %dma_start3A_148 = tpu.memref_slice %arg4[%add3A_144, %dma_start3A_147] : memref<32768x1024xf32, #tpu.memory_space<hbm>> -> memref<1x1024xf32, #tpu.memory_space<hbm>>
      %dma_start3A_149 = arith.constant 0 : i32
      %dma_start3A_150 = tpu.memref_slice %arg4[%add3A_144, %dma_start3A_149] : memref<32768x1024xf32, #tpu.memory_space<hbm>> -> memref<1x1024xf32, #tpu.memory_space<hbm>>
      %dma_start3A_151 = arith.constant 0 : i32
      %dma_start3A_152 = tpu.memref_slice %arg6[%squeeze3A_141, %dma_start3A_151] : memref<2x1024xf32, #tpu.memory_space<vmem>> -> memref<1x1024xf32, #tpu.memory_space<vmem>>
      tpu.enqueue_dma source(%dma_start3A_152 : memref<1x1024xf32, #tpu.memory_space<vmem>>) target(%dma_start3A_150 : memref<1x1024xf32, #tpu.memory_space<hbm>>) target_semaphore(%arg8 : memref<!tpu.dma_semaphore, #tpu.memory_space<semaphore_mem>>)
      %slice3A_153 = vector.extract_strided_slice %get3A_25 {offsets = [10], sizes = [1], strides = [1]} : vector<16xi32> to vector<1xi32>
      %squeeze3A_154 = vector.extract %slice3A_153[0] : i32 from vector<1xi32>
      %add3A_155 = arith.addi %mul3A_2, %add3A_23 : i32
      %add3A_156 = arith.constant 10 : i32
      %add3A_157 = arith.addi %add3A_155, %add3A_156 : i32
      %dma_start3A_158 = arith.constant 0 : i32
      %dma_start3A_159 = tpu.memref_slice %arg6[%squeeze3A_154, %dma_start3A_158] : memref<2x1024xf32, #tpu.memory_space<vmem>> -> memref<1x1024xf32, #tpu.memory_space<vmem>>
      %dma_start3A_160 = arith.constant 0 : i32
      %dma_start3A_161 = tpu.memref_slice %arg4[%add3A_157, %dma_start3A_160] : memref<32768x1024xf32, #tpu.memory_space<hbm>> -> memref<1x1024xf32, #tpu.memory_space<hbm>>
      %dma_start3A_162 = arith.constant 0 : i32
      %dma_start3A_163 = tpu.memref_slice %arg4[%add3A_157, %dma_start3A_162] : memref<32768x1024xf32, #tpu.memory_space<hbm>> -> memref<1x1024xf32, #tpu.memory_space<hbm>>
      %dma_start3A_164 = arith.constant 0 : i32
      %dma_start3A_165 = tpu.memref_slice %arg6[%squeeze3A_154, %dma_start3A_164] : memref<2x1024xf32, #tpu.memory_space<vmem>> -> memref<1x1024xf32, #tpu.memory_space<vmem>>
      tpu.enqueue_dma source(%dma_start3A_165 : memref<1x1024xf32, #tpu.memory_space<vmem>>) target(%dma_start3A_163 : memref<1x1024xf32, #tpu.memory_space<hbm>>) target_semaphore(%arg8 : memref<!tpu.dma_semaphore, #tpu.memory_space<semaphore_mem>>)
      %slice3A_166 = vector.extract_strided_slice %get3A_25 {offsets = [11], sizes = [1], strides = [1]} : vector<16xi32> to vector<1xi32>
      %squeeze3A_167 = vector.extract %slice3A_166[0] : i32 from vector<1xi32>
      %add3A_168 = arith.addi %mul3A_2, %add3A_23 : i32
      %add3A_169 = arith.constant 11 : i32
      %add3A_170 = arith.addi %add3A_168, %add3A_169 : i32
      %dma_start3A_171 = arith.constant 0 : i32
      %dma_start3A_172 = tpu.memref_slice %arg6[%squeeze3A_167, %dma_start3A_171] : memref<2x1024xf32, #tpu.memory_space<vmem>> -> memref<1x1024xf32, #tpu.memory_space<vmem>>
      %dma_start3A_173 = arith.constant 0 : i32
      %dma_start3A_174 = tpu.memref_slice %arg4[%add3A_170, %dma_start3A_173] : memref<32768x1024xf32, #tpu.memory_space<hbm>> -> memref<1x1024xf32, #tpu.memory_space<hbm>>
      %dma_start3A_175 = arith.constant 0 : i32
      %dma_start3A_176 = tpu.memref_slice %arg4[%add3A_170, %dma_start3A_175] : memref<32768x1024xf32, #tpu.memory_space<hbm>> -> memref<1x1024xf32, #tpu.memory_space<hbm>>
      %dma_start3A_177 = arith.constant 0 : i32
      %dma_start3A_178 = tpu.memref_slice %arg6[%squeeze3A_167, %dma_start3A_177] : memref<2x1024xf32, #tpu.memory_space<vmem>> -> memref<1x1024xf32, #tpu.memory_space<vmem>>
      tpu.enqueue_dma source(%dma_start3A_178 : memref<1x1024xf32, #tpu.memory_space<vmem>>) target(%dma_start3A_176 : memref<1x1024xf32, #tpu.memory_space<hbm>>) target_semaphore(%arg8 : memref<!tpu.dma_semaphore, #tpu.memory_space<semaphore_mem>>)
      %slice3A_179 = vector.extract_strided_slice %get3A_25 {offsets = [12], sizes = [1], strides = [1]} : vector<16xi32> to vector<1xi32>
      %squeeze3A_180 = vector.extract %slice3A_179[0] : i32 from vector<1xi32>
      %add3A_181 = arith.addi %mul3A_2, %add3A_23 : i32
      %add3A_182 = arith.constant 12 : i32
      %add3A_183 = arith.addi %add3A_181, %add3A_182 : i32
      %dma_start3A_184 = arith.constant 0 : i32
      %dma_start3A_185 = tpu.memref_slice %arg6[%squeeze3A_180, %dma_start3A_184] : memref<2x1024xf32, #tpu.memory_space<vmem>> -> memref<1x1024xf32, #tpu.memory_space<vmem>>
      %dma_start3A_186 = arith.constant 0 : i32
      %dma_start3A_187 = tpu.memref_slice %arg4[%add3A_183, %dma_start3A_186] : memref<32768x1024xf32, #tpu.memory_space<hbm>> -> memref<1x1024xf32, #tpu.memory_space<hbm>>
      %dma_start3A_188 = arith.constant 0 : i32
      %dma_start3A_189 = tpu.memref_slice %arg4[%add3A_183, %dma_start3A_188] : memref<32768x1024xf32, #tpu.memory_space<hbm>> -> memref<1x1024xf32, #tpu.memory_space<hbm>>
      %dma_start3A_190 = arith.constant 0 : i32
      %dma_start3A_191 = tpu.memref_slice %arg6[%squeeze3A_180, %dma_start3A_190] : memref<2x1024xf32, #tpu.memory_space<vmem>> -> memref<1x1024xf32, #tpu.memory_space<vmem>>
      tpu.enqueue_dma source(%dma_start3A_191 : memref<1x1024xf32, #tpu.memory_space<vmem>>) target(%dma_start3A_189 : memref<1x1024xf32, #tpu.memory_space<hbm>>) target_semaphore(%arg8 : memref<!tpu.dma_semaphore, #tpu.memory_space<semaphore_mem>>)
      %slice3A_192 = vector.extract_strided_slice %get3A_25 {offsets = [13], sizes = [1], strides = [1]} : vector<16xi32> to vector<1xi32>
      %squeeze3A_193 = vector.extract %slice3A_192[0] : i32 from vector<1xi32>
      %add3A_194 = arith.addi %mul3A_2, %add3A_23 : i32
      %add3A_195 = arith.constant 13 : i32
      %add3A_196 = arith.addi %add3A_194, %add3A_195 : i32
      %dma_start3A_197 = arith.constant 0 : i32
      %dma_start3A_198 = tpu.memref_slice %arg6[%squeeze3A_193, %dma_start3A_197] : memref<2x1024xf32, #tpu.memory_space<vmem>> -> memref<1x1024xf32, #tpu.memory_space<vmem>>
      %dma_start3A_199 = arith.constant 0 : i32
      %dma_start3A_200 = tpu.memref_slice %arg4[%add3A_196, %dma_start3A_199] : memref<32768x1024xf32, #tpu.memory_space<hbm>> -> memref<1x1024xf32, #tpu.memory_space<hbm>>
      %dma_start3A_201 = arith.constant 0 : i32
      %dma_start3A_202 = tpu.memref_slice %arg4[%add3A_196, %dma_start3A_201] : memref<32768x1024xf32, #tpu.memory_space<hbm>> -> memref<1x1024xf32, #tpu.memory_space<hbm>>
      %dma_start3A_203 = arith.constant 0 : i32
      %dma_start3A_204 = tpu.memref_slice %arg6[%squeeze3A_193, %dma_start3A_203] : memref<2x1024xf32, #tpu.memory_space<vmem>> -> memref<1x1024xf32, #tpu.memory_space<vmem>>
      tpu.enqueue_dma source(%dma_start3A_204 : memref<1x1024xf32, #tpu.memory_space<vmem>>) target(%dma_start3A_202 : memref<1x1024xf32, #tpu.memory_space<hbm>>) target_semaphore(%arg8 : memref<!tpu.dma_semaphore, #tpu.memory_space<semaphore_mem>>)
      %slice3A_205 = vector.extract_strided_slice %get3A_25 {offsets = [14], sizes = [1], strides = [1]} : vector<16xi32> to vector<1xi32>
      %squeeze3A_206 = vector.extract %slice3A_205[0] : i32 from vector<1xi32>
      %add3A_207 = arith.addi %mul3A_2, %add3A_23 : i32
      %add3A_208 = arith.constant 14 : i32
      %add3A_209 = arith.addi %add3A_207, %add3A_208 : i32
      %dma_start3A_210 = arith.constant 0 : i32
      %dma_start3A_211 = tpu.memref_slice %arg6[%squeeze3A_206, %dma_start3A_210] : memref<2x1024xf32, #tpu.memory_space<vmem>> -> memref<1x1024xf32, #tpu.memory_space<vmem>>
      %dma_start3A_212 = arith.constant 0 : i32
      %dma_start3A_213 = tpu.memref_slice %arg4[%add3A_209, %dma_start3A_212] : memref<32768x1024xf32, #tpu.memory_space<hbm>> -> memref<1x1024xf32, #tpu.memory_space<hbm>>
      %dma_start3A_214 = arith.constant 0 : i32
      %dma_start3A_215 = tpu.memref_slice %arg4[%add3A_209, %dma_start3A_214] : memref<32768x1024xf32, #tpu.memory_space<hbm>> -> memref<1x1024xf32, #tpu.memory_space<hbm>>
      %dma_start3A_216 = arith.constant 0 : i32
      %dma_start3A_217 = tpu.memref_slice %arg6[%squeeze3A_206, %dma_start3A_216] : memref<2x1024xf32, #tpu.memory_space<vmem>> -> memref<1x1024xf32, #tpu.memory_space<vmem>>
      tpu.enqueue_dma source(%dma_start3A_217 : memref<1x1024xf32, #tpu.memory_space<vmem>>) target(%dma_start3A_215 : memref<1x1024xf32, #tpu.memory_space<hbm>>) target_semaphore(%arg8 : memref<!tpu.dma_semaphore, #tpu.memory_space<semaphore_mem>>)
      %slice3A_218 = vector.extract_strided_slice %get3A_25 {offsets = [15], sizes = [1], strides = [1]} : vector<16xi32> to vector<1xi32>
      %squeeze3A_219 = vector.extract %slice3A_218[0] : i32 from vector<1xi32>
      %add3A_220 = arith.addi %mul3A_2, %add3A_23 : i32
      %add3A_221 = arith.constant 15 : i32
      %add3A_222 = arith.addi %add3A_220, %add3A_221 : i32
      %dma_start3A_223 = arith.constant 0 : i32
      %dma_start3A_224 = tpu.memref_slice %arg6[%squeeze3A_219, %dma_start3A_223] : memref<2x1024xf32, #tpu.memory_space<vmem>> -> memref<1x1024xf32, #tpu.memory_space<vmem>>
      %dma_start3A_225 = arith.constant 0 : i32
      %dma_start3A_226 = tpu.memref_slice %arg4[%add3A_222, %dma_start3A_225] : memref<32768x1024xf32, #tpu.memory_space<hbm>> -> memref<1x1024xf32, #tpu.memory_space<hbm>>
      %dma_start3A_227 = arith.constant 0 : i32
      %dma_start3A_228 = tpu.memref_slice %arg4[%add3A_222, %dma_start3A_227] : memref<32768x1024xf32, #tpu.memory_space<hbm>> -> memref<1x1024xf32, #tpu.memory_space<hbm>>
      %dma_start3A_229 = arith.constant 0 : i32
      %dma_start3A_230 = tpu.memref_slice %arg6[%squeeze3A_219, %dma_start3A_229] : memref<2x1024xf32, #tpu.memory_space<vmem>> -> memref<1x1024xf32, #tpu.memory_space<vmem>>
      tpu.enqueue_dma source(%dma_start3A_230 : memref<1x1024xf32, #tpu.memory_space<vmem>>) target(%dma_start3A_228 : memref<1x1024xf32, #tpu.memory_space<hbm>>) target_semaphore(%arg8 : memref<!tpu.dma_semaphore, #tpu.memory_space<semaphore_mem>>)
      %mul3A_231 = arith.constant 64 : i32
      %mul3A_232 = arith.muli %scan3A_19, %mul3A_231 : i32
      %add3A_233 = arith.constant 16 : i32
      %add3A_234 = arith.addi %mul3A_232, %add3A_233 : i32
      %get3A_235 = arith.index_cast %add3A_234 : i32 to index
      %get3A_236 = tpu.vector_load %arg5[%get3A_235] {strides = array<i32>} : memref<1024xi32, #tpu.memory_space<vmem>>, vector<16xi32>,
      %get3A_237 = vector.shape_cast %get3A_236 : vector<16xi32> to vector<16xi32>
      %slice3A_238 = vector.extract_strided_slice %get3A_237 {offsets = [0], sizes = [1], strides = [1]} : vector<16xi32> to vector<1xi32>
      %squeeze3A_239 = vector.extract %slice3A_238[0] : i32 from vector<1xi32>
      %add3A_240 = arith.addi %mul3A_2, %add3A_234 : i32
      %add3A_241 = arith.constant 0 : i32
      %add3A_242 = arith.addi %add3A_240, %add3A_241 : i32
      %dma_start3A_243 = arith.constant 0 : i32
      %dma_start3A_244 = tpu.memref_slice %arg6[%squeeze3A_239, %dma_start3A_243] : memref<2x1024xf32, #tpu.memory_space<vmem>> -> memref<1x1024xf32, #tpu.memory_space<vmem>>
      %dma_start3A_245 = arith.constant 0 : i32
      %dma_start3A_246 = tpu.memref_slice %arg4[%add3A_242, %dma_start3A_245] : memref<32768x1024xf32, #tpu.memory_space<hbm>> -> memref<1x1024xf32, #tpu.memory_space<hbm>>
      %dma_start3A_247 = arith.constant 0 : i32
      %dma_start3A_248 = tpu.memref_slice %arg4[%add3A_242, %dma_start3A_247] : memref<32768x1024xf32, #tpu.memory_space<hbm>> -> memref<1x1024xf32, #tpu.memory_space<hbm>>
      %dma_start3A_249 = arith.constant 0 : i32
      %dma_start3A_250 = tpu.memref_slice %arg6[%squeeze3A_239, %dma_start3A_249] : memref<2x1024xf32, #tpu.memory_space<vmem>> -> memref<1x1024xf32, #tpu.memory_space<vmem>>
      tpu.enqueue_dma source(%dma_start3A_250 : memref<1x1024xf32, #tpu.memory_space<vmem>>) target(%dma_start3A_248 : memref<1x1024xf32, #tpu.memory_space<hbm>>) target_semaphore(%arg8 : memref<!tpu.dma_semaphore, #tpu.memory_space<semaphore_mem>>)
      %slice3A_251 = vector.extract_strided_slice %get3A_237 {offsets = [1], sizes = [1], strides = [1]} : vector<16xi32> to vector<1xi32>
      %squeeze3A_252 = vector.extract %slice3A_251[0] : i32 from vector<1xi32>
      %add3A_253 = arith.addi %mul3A_2, %add3A_234 : i32
      %add3A_254 = arith.constant 1 : i32
      %add3A_255 = arith.addi %add3A_253, %add3A_254 : i32
      %dma_start3A_256 = arith.constant 0 : i32
      %dma_start3A_257 = tpu.memref_slice %arg6[%squeeze3A_252, %dma_start3A_256] : memref<2x1024xf32, #tpu.memory_space<vmem>> -> memref<1x1024xf32, #tpu.memory_space<vmem>>
      %dma_start3A_258 = arith.constant 0 : i32
      %dma_start3A_259 = tpu.memref_slice %arg4[%add3A_255, %dma_start3A_258] : memref<32768x1024xf32, #tpu.memory_space<hbm>> -> memref<1x1024xf32, #tpu.memory_space<hbm>>
      %dma_start3A_260 = arith.constant 0 : i32
      %dma_start3A_261 = tpu.memref_slice %arg4[%add3A_255, %dma_start3A_260] : memref<32768x1024xf32, #tpu.memory_space<hbm>> -> memref<1x1024xf32, #tpu.memory_space<hbm>>
      %dma_start3A_262 = arith.constant 0 : i32
      %dma_start3A_263 = tpu.memref_slice %arg6[%squeeze3A_252, %dma_start3A_262] : memref<2x1024xf32, #tpu.memory_space<vmem>> -> memref<1x1024xf32, #tpu.memory_space<vmem>>
      tpu.enqueue_dma source(%dma_start3A_263 : memref<1x1024xf32, #tpu.memory_space<vmem>>) target(%dma_start3A_261 : memref<1x1024xf32, #tpu.memory_space<hbm>>) target_semaphore(%arg8 : memref<!tpu.dma_semaphore, #tpu.memory_space<semaphore_mem>>)
      %slice3A_264 = vector.extract_strided_slice %get3A_237 {offsets = [2], sizes = [1], strides = [1]} : vector<16xi32> to vector<1xi32>
      %squeeze3A_265 = vector.extract %slice3A_264[0] : i32 from vector<1xi32>
      %add3A_266 = arith.addi %mul3A_2, %add3A_234 : i32
      %add3A_267 = arith.constant 2 : i32
      %add3A_268 = arith.addi %add3A_266, %add3A_267 : i32
      %dma_start3A_269 = arith.constant 0 : i32
      %dma_start3A_270 = tpu.memref_slice %arg6[%squeeze3A_265, %dma_start3A_269] : memref<2x1024xf32, #tpu.memory_space<vmem>> -> memref<1x1024xf32, #tpu.memory_space<vmem>>
      %dma_start3A_271 = arith.constant 0 : i32
      %dma_start3A_272 = tpu.memref_slice %arg4[%add3A_268, %dma_start3A_271] : memref<32768x1024xf32, #tpu.memory_space<hbm>> -> memref<1x1024xf32, #tpu.memory_space<hbm>>
      %dma_start3A_273 = arith.constant 0 : i32
      %dma_start3A_274 = tpu.memref_slice %arg4[%add3A_268, %dma_start3A_273] : memref<32768x1024xf32, #tpu.memory_space<hbm>> -> memref<1x1024xf32, #tpu.memory_space<hbm>>
      %dma_start3A_275 = arith.constant 0 : i32
      %dma_start3A_276 = tpu.memref_slice %arg6[%squeeze3A_265, %dma_start3A_275] : memref<2x1024xf32, #tpu.memory_space<vmem>> -> memref<1x1024xf32, #tpu.memory_space<vmem>>
      tpu.enqueue_dma source(%dma_start3A_276 : memref<1x1024xf32, #tpu.memory_space<vmem>>) target(%dma_start3A_274 : memref<1x1024xf32, #tpu.memory_space<hbm>>) target_semaphore(%arg8 : memref<!tpu.dma_semaphore, #tpu.memory_space<semaphore_mem>>)
      %slice3A_277 = vector.extract_strided_slice %get3A_237 {offsets = [3], sizes = [1], strides = [1]} : vector<16xi32> to vector<1xi32>
      %squeeze3A_278 = vector.extract %slice3A_277[0] : i32 from vector<1xi32>
      %add3A_279 = arith.addi %mul3A_2, %add3A_234 : i32
      %add3A_280 = arith.constant 3 : i32
      %add3A_281 = arith.addi %add3A_279, %add3A_280 : i32
      %dma_start3A_282 = arith.constant 0 : i32
      %dma_start3A_283 = tpu.memref_slice %arg6[%squeeze3A_278, %dma_start3A_282] : memref<2x1024xf32, #tpu.memory_space<vmem>> -> memref<1x1024xf32, #tpu.memory_space<vmem>>
      %dma_start3A_284 = arith.constant 0 : i32
      %dma_start3A_285 = tpu.memref_slice %arg4[%add3A_281, %dma_start3A_284] : memref<32768x1024xf32, #tpu.memory_space<hbm>> -> memref<1x1024xf32, #tpu.memory_space<hbm>>
      %dma_start3A_286 = arith.constant 0 : i32
      %dma_start3A_287 = tpu.memref_slice %arg4[%add3A_281, %dma_start3A_286] : memref<32768x1024xf32, #tpu.memory_space<hbm>> -> memref<1x1024xf32, #tpu.memory_space<hbm>>
      %dma_start3A_288 = arith.constant 0 : i32
      %dma_start3A_289 = tpu.memref_slice %arg6[%squeeze3A_278, %dma_start3A_288] : memref<2x1024xf32, #tpu.memory_space<vmem>> -> memref<1x1024xf32, #tpu.memory_space<vmem>>
      tpu.enqueue_dma source(%dma_start3A_289 : memref<1x1024xf32, #tpu.memory_space<vmem>>) target(%dma_start3A_287 : memref<1x1024xf32, #tpu.memory_space<hbm>>) target_semaphore(%arg8 : memref<!tpu.dma_semaphore, #tpu.memory_space<semaphore_mem>>)
      %slice3A_290 = vector.extract_strided_slice %get3A_237 {offsets = [4], sizes = [1], strides = [1]} : vector<16xi32> to vector<1xi32>
      %squeeze3A_291 = vector.extract %slice3A_290[0] : i32 from vector<1xi32>
      %add3A_292 = arith.addi %mul3A_2, %add3A_234 : i32
      %add3A_293 = arith.constant 4 : i32
      %add3A_294 = arith.addi %add3A_292, %add3A_293 : i32
      %dma_start3A_295 = arith.constant 0 : i32
      %dma_start3A_296 = tpu.memref_slice %arg6[%squeeze3A_291, %dma_start3A_295] : memref<2x1024xf32, #tpu.memory_space<vmem>> -> memref<1x1024xf32, #tpu.memory_space<vmem>>
      %dma_start3A_297 = arith.constant 0 : i32
      %dma_start3A_298 = tpu.memref_slice %arg4[%add3A_294, %dma_start3A_297] : memref<32768x1024xf32, #tpu.memory_space<hbm>> -> memref<1x1024xf32, #tpu.memory_space<hbm>>
      %dma_start3A_299 = arith.constant 0 : i32
      %dma_start3A_300 = tpu.memref_slice %arg4[%add3A_294, %dma_start3A_299] : memref<32768x1024xf32, #tpu.memory_space<hbm>> -> memref<1x1024xf32, #tpu.memory_space<hbm>>
      %dma_start3A_301 = arith.constant 0 : i32
      %dma_start3A_302 = tpu.memref_slice %arg6[%squeeze3A_291, %dma_start3A_301] : memref<2x1024xf32, #tpu.memory_space<vmem>> -> memref<1x1024xf32, #tpu.memory_space<vmem>>
      tpu.enqueue_dma source(%dma_start3A_302 : memref<1x1024xf32, #tpu.memory_space<vmem>>) target(%dma_start3A_300 : memref<1x1024xf32, #tpu.memory_space<hbm>>) target_semaphore(%arg8 : memref<!tpu.dma_semaphore, #tpu.memory_space<semaphore_mem>>)
      %slice3A_303 = vector.extract_strided_slice %get3A_237 {offsets = [5], sizes = [1], strides = [1]} : vector<16xi32> to vector<1xi32>
      %squeeze3A_304 = vector.extract %slice3A_303[0] : i32 from vector<1xi32>
      %add3A_305 = arith.addi %mul3A_2, %add3A_234 : i32
      %add3A_306 = arith.constant 5 : i32
      %add3A_307 = arith.addi %add3A_305, %add3A_306 : i32
      %dma_start3A_308 = arith.constant 0 : i32
      %dma_start3A_309 = tpu.memref_slice %arg6[%squeeze3A_304, %dma_start3A_308] : memref<2x1024xf32, #tpu.memory_space<vmem>> -> memref<1x1024xf32, #tpu.memory_space<vmem>>
      %dma_start3A_310 = arith.constant 0 : i32
      %dma_start3A_311 = tpu.memref_slice %arg4[%add3A_307, %dma_start3A_310] : memref<32768x1024xf32, #tpu.memory_space<hbm>> -> memref<1x1024xf32, #tpu.memory_space<hbm>>
      %dma_start3A_312 = arith.constant 0 : i32
      %dma_start3A_313 = tpu.memref_slice %arg4[%add3A_307, %dma_start3A_312] : memref<32768x1024xf32, #tpu.memory_space<hbm>> -> memref<1x1024xf32, #tpu.memory_space<hbm>>
      %dma_start3A_314 = arith.constant 0 : i32
      %dma_start3A_315 = tpu.memref_slice %arg6[%squeeze3A_304, %dma_start3A_314] : memref<2x1024xf32, #tpu.memory_space<vmem>> -> memref<1x1024xf32, #tpu.memory_space<vmem>>
      tpu.enqueue_dma source(%dma_start3A_315 : memref<1x1024xf32, #tpu.memory_space<vmem>>) target(%dma_start3A_313 : memref<1x1024xf32, #tpu.memory_space<hbm>>) target_semaphore(%arg8 : memref<!tpu.dma_semaphore, #tpu.memory_space<semaphore_mem>>)
      %slice3A_316 = vector.extract_strided_slice %get3A_237 {offsets = [6], sizes = [1], strides = [1]} : vector<16xi32> to vector<1xi32>
      %squeeze3A_317 = vector.extract %slice3A_316[0] : i32 from vector<1xi32>
      %add3A_318 = arith.addi %mul3A_2, %add3A_234 : i32
      %add3A_319 = arith.constant 6 : i32
      %add3A_320 = arith.addi %add3A_318, %add3A_319 : i32
      %dma_start3A_321 = arith.constant 0 : i32
      %dma_start3A_322 = tpu.memref_slice %arg6[%squeeze3A_317, %dma_start3A_321] : memref<2x1024xf32, #tpu.memory_space<vmem>> -> memref<1x1024xf32, #tpu.memory_space<vmem>>
      %dma_start3A_323 = arith.constant 0 : i32
      %dma_start3A_324 = tpu.memref_slice %arg4[%add3A_320, %dma_start3A_323] : memref<32768x1024xf32, #tpu.memory_space<hbm>> -> memref<1x1024xf32, #tpu.memory_space<hbm>>
      %dma_start3A_325 = arith.constant 0 : i32
      %dma_start3A_326 = tpu.memref_slice %arg4[%add3A_320, %dma_start3A_325] : memref<32768x1024xf32, #tpu.memory_space<hbm>> -> memref<1x1024xf32, #tpu.memory_space<hbm>>
      %dma_start3A_327 = arith.constant 0 : i32
      %dma_start3A_328 = tpu.memref_slice %arg6[%squeeze3A_317, %dma_start3A_327] : memref<2x1024xf32, #tpu.memory_space<vmem>> -> memref<1x1024xf32, #tpu.memory_space<vmem>>
      tpu.enqueue_dma source(%dma_start3A_328 : memref<1x1024xf32, #tpu.memory_space<vmem>>) target(%dma_start3A_326 : memref<1x1024xf32, #tpu.memory_space<hbm>>) target_semaphore(%arg8 : memref<!tpu.dma_semaphore, #tpu.memory_space<semaphore_mem>>)
      %slice3A_329 = vector.extract_strided_slice %get3A_237 {offsets = [7], sizes = [1], strides = [1]} : vector<16xi32> to vector<1xi32>
      %squeeze3A_330 = vector.extract %slice3A_329[0] : i32 from vector<1xi32>
      %add3A_331 = arith.addi %mul3A_2, %add3A_234 : i32
      %add3A_332 = arith.constant 7 : i32
      %add3A_333 = arith.addi %add3A_331, %add3A_332 : i32
      %dma_start3A_334 = arith.constant 0 : i32
      %dma_start3A_335 = tpu.memref_slice %arg6[%squeeze3A_330, %dma_start3A_334] : memref<2x1024xf32, #tpu.memory_space<vmem>> -> memref<1x1024xf32, #tpu.memory_space<vmem>>
      %dma_start3A_336 = arith.constant 0 : i32
      %dma_start3A_337 = tpu.memref_slice %arg4[%add3A_333, %dma_start3A_336] : memref<32768x1024xf32, #tpu.memory_space<hbm>> -> memref<1x1024xf32, #tpu.memory_space<hbm>>
      %dma_start3A_338 = arith.constant 0 : i32
      %dma_start3A_339 = tpu.memref_slice %arg4[%add3A_333, %dma_start3A_338] : memref<32768x1024xf32, #tpu.memory_space<hbm>> -> memref<1x1024xf32, #tpu.memory_space<hbm>>
      %dma_start3A_340 = arith.constant 0 : i32
      %dma_start3A_341 = tpu.memref_slice %arg6[%squeeze3A_330, %dma_start3A_340] : memref<2x1024xf32, #tpu.memory_space<vmem>> -> memref<1x1024xf32, #tpu.memory_space<vmem>>
      tpu.enqueue_dma source(%dma_start3A_341 : memref<1x1024xf32, #tpu.memory_space<vmem>>) target(%dma_start3A_339 : memref<1x1024xf32, #tpu.memory_space<hbm>>) target_semaphore(%arg8 : memref<!tpu.dma_semaphore, #tpu.memory_space<semaphore_mem>>)
      %slice3A_342 = vector.extract_strided_slice %get3A_237 {offsets = [8], sizes = [1], strides = [1]} : vector<16xi32> to vector<1xi32>
      %squeeze3A_343 = vector.extract %slice3A_342[0] : i32 from vector<1xi32>
      %add3A_344 = arith.addi %mul3A_2, %add3A_234 : i32
      %add3A_345 = arith.constant 8 : i32
      %add3A_346 = arith.addi %add3A_344, %add3A_345 : i32
      %dma_start3A_347 = arith.constant 0 : i32
      %dma_start3A_348 = tpu.memref_slice %arg6[%squeeze3A_343, %dma_start3A_347] : memref<2x1024xf32, #tpu.memory_space<vmem>> -> memref<1x1024xf32, #tpu.memory_space<vmem>>
      %dma_start3A_349 = arith.constant 0 : i32
      %dma_start3A_350 = tpu.memref_slice %arg4[%add3A_346, %dma_start3A_349] : memref<32768x1024xf32, #tpu.memory_space<hbm>> -> memref<1x1024xf32, #tpu.memory_space<hbm>>
      %dma_start3A_351 = arith.constant 0 : i32
      %dma_start3A_352 = tpu.memref_slice %arg4[%add3A_346, %dma_start3A_351] : memref<32768x1024xf32, #tpu.memory_space<hbm>> -> memref<1x1024xf32, #tpu.memory_space<hbm>>
      %dma_start3A_353 = arith.constant 0 : i32
      %dma_start3A_354 = tpu.memref_slice %arg6[%squeeze3A_343, %dma_start3A_353] : memref<2x1024xf32, #tpu.memory_space<vmem>> -> memref<1x1024xf32, #tpu.memory_space<vmem>>
      tpu.enqueue_dma source(%dma_start3A_354 : memref<1x1024xf32, #tpu.memory_space<vmem>>) target(%dma_start3A_352 : memref<1x1024xf32, #tpu.memory_space<hbm>>) target_semaphore(%arg8 : memref<!tpu.dma_semaphore, #tpu.memory_space<semaphore_mem>>)
      %slice3A_355 = vector.extract_strided_slice %get3A_237 {offsets = [9], sizes = [1], strides = [1]} : vector<16xi32> to vector<1xi32>
      %squeeze3A_356 = vector.extract %slice3A_355[0] : i32 from vector<1xi32>
      %add3A_357 = arith.addi %mul3A_2, %add3A_234 : i32
      %add3A_358 = arith.constant 9 : i32
      %add3A_359 = arith.addi %add3A_357, %add3A_358 : i32
      %dma_start3A_360 = arith.constant 0 : i32
      %dma_start3A_361 = tpu.memref_slice %arg6[%squeeze3A_356, %dma_start3A_360] : memref<2x1024xf32, #tpu.memory_space<vmem>> -> memref<1x1024xf32, #tpu.memory_space<vmem>>
      %dma_start3A_362 = arith.constant 0 : i32
      %dma_start3A_363 = tpu.memref_slice %arg4[%add3A_359, %dma_start3A_362] : memref<32768x1024xf32, #tpu.memory_space<hbm>> -> memref<1x1024xf32, #tpu.memory_space<hbm>>
      %dma_start3A_364 = arith.constant 0 : i32
      %dma_start3A_365 = tpu.memref_slice %arg4[%add3A_359, %dma_start3A_364] : memref<32768x1024xf32, #tpu.memory_space<hbm>> -> memref<1x1024xf32, #tpu.memory_space<hbm>>
      %dma_start3A_366 = arith.constant 0 : i32
      %dma_start3A_367 = tpu.memref_slice %arg6[%squeeze3A_356, %dma_start3A_366] : memref<2x1024xf32, #tpu.memory_space<vmem>> -> memref<1x1024xf32, #tpu.memory_space<vmem>>
      tpu.enqueue_dma source(%dma_start3A_367 : memref<1x1024xf32, #tpu.memory_space<vmem>>) target(%dma_start3A_365 : memref<1x1024xf32, #tpu.memory_space<hbm>>) target_semaphore(%arg8 : memref<!tpu.dma_semaphore, #tpu.memory_space<semaphore_mem>>)
      %slice3A_368 = vector.extract_strided_slice %get3A_237 {offsets = [10], sizes = [1], strides = [1]} : vector<16xi32> to vector<1xi32>
      %squeeze3A_369 = vector.extract %slice3A_368[0] : i32 from vector<1xi32>
      %add3A_370 = arith.addi %mul3A_2, %add3A_234 : i32
      %add3A_371 = arith.constant 10 : i32
      %add3A_372 = arith.addi %add3A_370, %add3A_371 : i32
      %dma_start3A_373 = arith.constant 0 : i32
      %dma_start3A_374 = tpu.memref_slice %arg6[%squeeze3A_369, %dma_start3A_373] : memref<2x1024xf32, #tpu.memory_space<vmem>> -> memref<1x1024xf32, #tpu.memory_space<vmem>>
      %dma_start3A_375 = arith.constant 0 : i32
      %dma_start3A_376 = tpu.memref_slice %arg4[%add3A_372, %dma_start3A_375] : memref<32768x1024xf32, #tpu.memory_space<hbm>> -> memref<1x1024xf32, #tpu.memory_space<hbm>>
      %dma_start3A_377 = arith.constant 0 : i32
      %dma_start3A_378 = tpu.memref_slice %arg4[%add3A_372, %dma_start3A_377] : memref<32768x1024xf32, #tpu.memory_space<hbm>> -> memref<1x1024xf32, #tpu.memory_space<hbm>>
      %dma_start3A_379 = arith.constant 0 : i32
      %dma_start3A_380 = tpu.memref_slice %arg6[%squeeze3A_369, %dma_start3A_379] : memref<2x1024xf32, #tpu.memory_space<vmem>> -> memref<1x1024xf32, #tpu.memory_space<vmem>>
      tpu.enqueue_dma source(%dma_start3A_380 : memref<1x1024xf32, #tpu.memory_space<vmem>>) target(%dma_start3A_378 : memref<1x1024xf32, #tpu.memory_space<hbm>>) target_semaphore(%arg8 : memref<!tpu.dma_semaphore, #tpu.memory_space<semaphore_mem>>)
      %slice3A_381 = vector.extract_strided_slice %get3A_237 {offsets = [11], sizes = [1], strides = [1]} : vector<16xi32> to vector<1xi32>
      %squeeze3A_382 = vector.extract %slice3A_381[0] : i32 from vector<1xi32>
      %add3A_383 = arith.addi %mul3A_2, %add3A_234 : i32
      %add3A_384 = arith.constant 11 : i32
      %add3A_385 = arith.addi %add3A_383, %add3A_384 : i32
      %dma_start3A_386 = arith.constant 0 : i32
      %dma_start3A_387 = tpu.memref_slice %arg6[%squeeze3A_382, %dma_start3A_386] : memref<2x1024xf32, #tpu.memory_space<vmem>> -> memref<1x1024xf32, #tpu.memory_space<vmem>>
      %dma_start3A_388 = arith.constant 0 : i32
      %dma_start3A_389 = tpu.memref_slice %arg4[%add3A_385, %dma_start3A_388] : memref<32768x1024xf32, #tpu.memory_space<hbm>> -> memref<1x1024xf32, #tpu.memory_space<hbm>>
      %dma_start3A_390 = arith.constant 0 : i32
      %dma_start3A_391 = tpu.memref_slice %arg4[%add3A_385, %dma_start3A_390] : memref<32768x1024xf32, #tpu.memory_space<hbm>> -> memref<1x1024xf32, #tpu.memory_space<hbm>>
      %dma_start3A_392 = arith.constant 0 : i32
      %dma_start3A_393 = tpu.memref_slice %arg6[%squeeze3A_382, %dma_start3A_392] : memref<2x1024xf32, #tpu.memory_space<vmem>> -> memref<1x1024xf32, #tpu.memory_space<vmem>>
      tpu.enqueue_dma source(%dma_start3A_393 : memref<1x1024xf32, #tpu.memory_space<vmem>>) target(%dma_start3A_391 : memref<1x1024xf32, #tpu.memory_space<hbm>>) target_semaphore(%arg8 : memref<!tpu.dma_semaphore, #tpu.memory_space<semaphore_mem>>)
      %slice3A_394 = vector.extract_strided_slice %get3A_237 {offsets = [12], sizes = [1], strides = [1]} : vector<16xi32> to vector<1xi32>
      %squeeze3A_395 = vector.extract %slice3A_394[0] : i32 from vector<1xi32>
      %add3A_396 = arith.addi %mul3A_2, %add3A_234 : i32
      %add3A_397 = arith.constant 12 : i32
      %add3A_398 = arith.addi %add3A_396, %add3A_397 : i32
      %dma_start3A_399 = arith.constant 0 : i32
      %dma_start3A_400 = tpu.memref_slice %arg6[%squeeze3A_395, %dma_start3A_399] : memref<2x1024xf32, #tpu.memory_space<vmem>> -> memref<1x1024xf32, #tpu.memory_space<vmem>>
      %dma_start3A_401 = arith.constant 0 : i32
      %dma_start3A_402 = tpu.memref_slice %arg4[%add3A_398, %dma_start3A_401] : memref<32768x1024xf32, #tpu.memory_space<hbm>> -> memref<1x1024xf32, #tpu.memory_space<hbm>>
      %dma_start3A_403 = arith.constant 0 : i32
      %dma_start3A_404 = tpu.memref_slice %arg4[%add3A_398, %dma_start3A_403] : memref<32768x1024xf32, #tpu.memory_space<hbm>> -> memref<1x1024xf32, #tpu.memory_space<hbm>>
      %dma_start3A_405 = arith.constant 0 : i32
      %dma_start3A_406 = tpu.memref_slice %arg6[%squeeze3A_395, %dma_start3A_405] : memref<2x1024xf32, #tpu.memory_space<vmem>> -> memref<1x1024xf32, #tpu.memory_space<vmem>>
      tpu.enqueue_dma source(%dma_start3A_406 : memref<1x1024xf32, #tpu.memory_space<vmem>>) target(%dma_start3A_404 : memref<1x1024xf32, #tpu.memory_space<hbm>>) target_semaphore(%arg8 : memref<!tpu.dma_semaphore, #tpu.memory_space<semaphore_mem>>)
      %slice3A_407 = vector.extract_strided_slice %get3A_237 {offsets = [13], sizes = [1], strides = [1]} : vector<16xi32> to vector<1xi32>
      %squeeze3A_408 = vector.extract %slice3A_407[0] : i32 from vector<1xi32>
      %add3A_409 = arith.addi %mul3A_2, %add3A_234 : i32
      %add3A_410 = arith.constant 13 : i32
      %add3A_411 = arith.addi %add3A_409, %add3A_410 : i32
      %dma_start3A_412 = arith.constant 0 : i32
      %dma_start3A_413 = tpu.memref_slice %arg6[%squeeze3A_408, %dma_start3A_412] : memref<2x1024xf32, #tpu.memory_space<vmem>> -> memref<1x1024xf32, #tpu.memory_space<vmem>>
      %dma_start3A_414 = arith.constant 0 : i32
      %dma_start3A_415 = tpu.memref_slice %arg4[%add3A_411, %dma_start3A_414] : memref<32768x1024xf32, #tpu.memory_space<hbm>> -> memref<1x1024xf32, #tpu.memory_space<hbm>>
      %dma_start3A_416 = arith.constant 0 : i32
      %dma_start3A_417 = tpu.memref_slice %arg4[%add3A_411, %dma_start3A_416] : memref<32768x1024xf32, #tpu.memory_space<hbm>> -> memref<1x1024xf32, #tpu.memory_space<hbm>>
      %dma_start3A_418 = arith.constant 0 : i32
      %dma_start3A_419 = tpu.memref_slice %arg6[%squeeze3A_408, %dma_start3A_418] : memref<2x1024xf32, #tpu.memory_space<vmem>> -> memref<1x1024xf32, #tpu.memory_space<vmem>>
      tpu.enqueue_dma source(%dma_start3A_419 : memref<1x1024xf32, #tpu.memory_space<vmem>>) target(%dma_start3A_417 : memref<1x1024xf32, #tpu.memory_space<hbm>>) target_semaphore(%arg8 : memref<!tpu.dma_semaphore, #tpu.memory_space<semaphore_mem>>)
      %slice3A_420 = vector.extract_strided_slice %get3A_237 {offsets = [14], sizes = [1], strides = [1]} : vector<16xi32> to vector<1xi32>
      %squeeze3A_421 = vector.extract %slice3A_420[0] : i32 from vector<1xi32>
      %add3A_422 = arith.addi %mul3A_2, %add3A_234 : i32
      %add3A_423 = arith.constant 14 : i32
      %add3A_424 = arith.addi %add3A_422, %add3A_423 : i32
      %dma_start3A_425 = arith.constant 0 : i32
      %dma_start3A_426 = tpu.memref_slice %arg6[%squeeze3A_421, %dma_start3A_425] : memref<2x1024xf32, #tpu.memory_space<vmem>> -> memref<1x1024xf32, #tpu.memory_space<vmem>>
      %dma_start3A_427 = arith.constant 0 : i32
      %dma_start3A_428 = tpu.memref_slice %arg4[%add3A_424, %dma_start3A_427] : memref<32768x1024xf32, #tpu.memory_space<hbm>> -> memref<1x1024xf32, #tpu.memory_space<hbm>>
      %dma_start3A_429 = arith.constant 0 : i32
      %dma_start3A_430 = tpu.memref_slice %arg4[%add3A_424, %dma_start3A_429] : memref<32768x1024xf32, #tpu.memory_space<hbm>> -> memref<1x1024xf32, #tpu.memory_space<hbm>>
      %dma_start3A_431 = arith.constant 0 : i32
      %dma_start3A_432 = tpu.memref_slice %arg6[%squeeze3A_421, %dma_start3A_431] : memref<2x1024xf32, #tpu.memory_space<vmem>> -> memref<1x1024xf32, #tpu.memory_space<vmem>>
      tpu.enqueue_dma source(%dma_start3A_432 : memref<1x1024xf32, #tpu.memory_space<vmem>>) target(%dma_start3A_430 : memref<1x1024xf32, #tpu.memory_space<hbm>>) target_semaphore(%arg8 : memref<!tpu.dma_semaphore, #tpu.memory_space<semaphore_mem>>)
      %slice3A_433 = vector.extract_strided_slice %get3A_237 {offsets = [15], sizes = [1], strides = [1]} : vector<16xi32> to vector<1xi32>
      %squeeze3A_434 = vector.extract %slice3A_433[0] : i32 from vector<1xi32>
      %add3A_435 = arith.addi %mul3A_2, %add3A_234 : i32
      %add3A_436 = arith.constant 15 : i32
      %add3A_437 = arith.addi %add3A_435, %add3A_436 : i32
      %dma_start3A_438 = arith.constant 0 : i32
      %dma_start3A_439 = tpu.memref_slice %arg6[%squeeze3A_434, %dma_start3A_438] : memref<2x1024xf32, #tpu.memory_space<vmem>> -> memref<1x1024xf32, #tpu.memory_space<vmem>>
      %dma_start3A_440 = arith.constant 0 : i32
      %dma_start3A_441 = tpu.memref_slice %arg4[%add3A_437, %dma_start3A_440] : memref<32768x1024xf32, #tpu.memory_space<hbm>> -> memref<1x1024xf32, #tpu.memory_space<hbm>>
      %dma_start3A_442 = arith.constant 0 : i32
      %dma_start3A_443 = tpu.memref_slice %arg4[%add3A_437, %dma_start3A_442] : memref<32768x1024xf32, #tpu.memory_space<hbm>> -> memref<1x1024xf32, #tpu.memory_space<hbm>>
      %dma_start3A_444 = arith.constant 0 : i32
      %dma_start3A_445 = tpu.memref_slice %arg6[%squeeze3A_434, %dma_start3A_444] : memref<2x1024xf32, #tpu.memory_space<vmem>> -> memref<1x1024xf32, #tpu.memory_space<vmem>>
      tpu.enqueue_dma source(%dma_start3A_445 : memref<1x1024xf32, #tpu.memory_space<vmem>>) target(%dma_start3A_443 : memref<1x1024xf32, #tpu.memory_space<hbm>>) target_semaphore(%arg8 : memref<!tpu.dma_semaphore, #tpu.memory_space<semaphore_mem>>)
      %mul3A_446 = arith.constant 64 : i32
      %mul3A_447 = arith.muli %scan3A_19, %mul3A_446 : i32
      %add3A_448 = arith.constant 32 : i32
      %add3A_449 = arith.addi %mul3A_447, %add3A_448 : i32
      %get3A_450 = arith.index_cast %add3A_449 : i32 to index
      %get3A_451 = tpu.vector_load %arg5[%get3A_450] {strides = array<i32>} : memref<1024xi32, #tpu.memory_space<vmem>>, vector<16xi32>,
      %get3A_452 = vector.shape_cast %get3A_451 : vector<16xi32> to vector<16xi32>
      %slice3A_453 = vector.extract_strided_slice %get3A_452 {offsets = [0], sizes = [1], strides = [1]} : vector<16xi32> to vector<1xi32>
      %squeeze3A_454 = vector.extract %slice3A_453[0] : i32 from vector<1xi32>
      %add3A_455 = arith.addi %mul3A_2, %add3A_449 : i32
      %add3A_456 = arith.constant 0 : i32
      %add3A_457 = arith.addi %add3A_455, %add3A_456 : i32
      %dma_start3A_458 = arith.constant 0 : i32
      %dma_start3A_459 = tpu.memref_slice %arg6[%squeeze3A_454, %dma_start3A_458] : memref<2x1024xf32, #tpu.memory_space<vmem>> -> memref<1x1024xf32, #tpu.memory_space<vmem>>
      %dma_start3A_460 = arith.constant 0 : i32
      %dma_start3A_461 = tpu.memref_slice %arg4[%add3A_457, %dma_start3A_460] : memref<32768x1024xf32, #tpu.memory_space<hbm>> -> memref<1x1024xf32, #tpu.memory_space<hbm>>
      %dma_start3A_462 = arith.constant 0 : i32
      %dma_start3A_463 = tpu.memref_slice %arg4[%add3A_457, %dma_start3A_462] : memref<32768x1024xf32, #tpu.memory_space<hbm>> -> memref<1x1024xf32, #tpu.memory_space<hbm>>
      %dma_start3A_464 = arith.constant 0 : i32
      %dma_start3A_465 = tpu.memref_slice %arg6[%squeeze3A_454, %dma_start3A_464] : memref<2x1024xf32, #tpu.memory_space<vmem>> -> memref<1x1024xf32, #tpu.memory_space<vmem>>
      tpu.enqueue_dma source(%dma_start3A_465 : memref<1x1024xf32, #tpu.memory_space<vmem>>) target(%dma_start3A_463 : memref<1x1024xf32, #tpu.memory_space<hbm>>) target_semaphore(%arg8 : memref<!tpu.dma_semaphore, #tpu.memory_space<semaphore_mem>>)
      %slice3A_466 = vector.extract_strided_slice %get3A_452 {offsets = [1], sizes = [1], strides = [1]} : vector<16xi32> to vector<1xi32>
      %squeeze3A_467 = vector.extract %slice3A_466[0] : i32 from vector<1xi32>
      %add3A_468 = arith.addi %mul3A_2, %add3A_449 : i32
      %add3A_469 = arith.constant 1 : i32
      %add3A_470 = arith.addi %add3A_468, %add3A_469 : i32
      %dma_start3A_471 = arith.constant 0 : i32
      %dma_start3A_472 = tpu.memref_slice %arg6[%squeeze3A_467, %dma_start3A_471] : memref<2x1024xf32, #tpu.memory_space<vmem>> -> memref<1x1024xf32, #tpu.memory_space<vmem>>
      %dma_start3A_473 = arith.constant 0 : i32
      %dma_start3A_474 = tpu.memref_slice %arg4[%add3A_470, %dma_start3A_473] : memref<32768x1024xf32, #tpu.memory_space<hbm>> -> memref<1x1024xf32, #tpu.memory_space<hbm>>
      %dma_start3A_475 = arith.constant 0 : i32
      %dma_start3A_476 = tpu.memref_slice %arg4[%add3A_470, %dma_start3A_475] : memref<32768x1024xf32, #tpu.memory_space<hbm>> -> memref<1x1024xf32, #tpu.memory_space<hbm>>
      %dma_start3A_477 = arith.constant 0 : i32
      %dma_start3A_478 = tpu.memref_slice %arg6[%squeeze3A_467, %dma_start3A_477] : memref<2x1024xf32, #tpu.memory_space<vmem>> -> memref<1x1024xf32, #tpu.memory_space<vmem>>
      tpu.enqueue_dma source(%dma_start3A_478 : memref<1x1024xf32, #tpu.memory_space<vmem>>) target(%dma_start3A_476 : memref<1x1024xf32, #tpu.memory_space<hbm>>) target_semaphore(%arg8 : memref<!tpu.dma_semaphore, #tpu.memory_space<semaphore_mem>>)
      %slice3A_479 = vector.extract_strided_slice %get3A_452 {offsets = [2], sizes = [1], strides = [1]} : vector<16xi32> to vector<1xi32>
      %squeeze3A_480 = vector.extract %slice3A_479[0] : i32 from vector<1xi32>
      %add3A_481 = arith.addi %mul3A_2, %add3A_449 : i32
      %add3A_482 = arith.constant 2 : i32
      %add3A_483 = arith.addi %add3A_481, %add3A_482 : i32
      %dma_start3A_484 = arith.constant 0 : i32
      %dma_start3A_485 = tpu.memref_slice %arg6[%squeeze3A_480, %dma_start3A_484] : memref<2x1024xf32, #tpu.memory_space<vmem>> -> memref<1x1024xf32, #tpu.memory_space<vmem>>
      %dma_start3A_486 = arith.constant 0 : i32
      %dma_start3A_487 = tpu.memref_slice %arg4[%add3A_483, %dma_start3A_486] : memref<32768x1024xf32, #tpu.memory_space<hbm>> -> memref<1x1024xf32, #tpu.memory_space<hbm>>
      %dma_start3A_488 = arith.constant 0 : i32
      %dma_start3A_489 = tpu.memref_slice %arg4[%add3A_483, %dma_start3A_488] : memref<32768x1024xf32, #tpu.memory_space<hbm>> -> memref<1x1024xf32, #tpu.memory_space<hbm>>
      %dma_start3A_490 = arith.constant 0 : i32
      %dma_start3A_491 = tpu.memref_slice %arg6[%squeeze3A_480, %dma_start3A_490] : memref<2x1024xf32, #tpu.memory_space<vmem>> -> memref<1x1024xf32, #tpu.memory_space<vmem>>
      tpu.enqueue_dma source(%dma_start3A_491 : memref<1x1024xf32, #tpu.memory_space<vmem>>) target(%dma_start3A_489 : memref<1x1024xf32, #tpu.memory_space<hbm>>) target_semaphore(%arg8 : memref<!tpu.dma_semaphore, #tpu.memory_space<semaphore_mem>>)
      %slice3A_492 = vector.extract_strided_slice %get3A_452 {offsets = [3], sizes = [1], strides = [1]} : vector<16xi32> to vector<1xi32>
      %squeeze3A_493 = vector.extract %slice3A_492[0] : i32 from vector<1xi32>
      %add3A_494 = arith.addi %mul3A_2, %add3A_449 : i32
      %add3A_495 = arith.constant 3 : i32
      %add3A_496 = arith.addi %add3A_494, %add3A_495 : i32
      %dma_start3A_497 = arith.constant 0 : i32
      %dma_start3A_498 = tpu.memref_slice %arg6[%squeeze3A_493, %dma_start3A_497] : memref<2x1024xf32, #tpu.memory_space<vmem>> -> memref<1x1024xf32, #tpu.memory_space<vmem>>
      %dma_start3A_499 = arith.constant 0 : i32
      %dma_start3A_500 = tpu.memref_slice %arg4[%add3A_496, %dma_start3A_499] : memref<32768x1024xf32, #tpu.memory_space<hbm>> -> memref<1x1024xf32, #tpu.memory_space<hbm>>
      %dma_start3A_501 = arith.constant 0 : i32
      %dma_start3A_502 = tpu.memref_slice %arg4[%add3A_496, %dma_start3A_501] : memref<32768x1024xf32, #tpu.memory_space<hbm>> -> memref<1x1024xf32, #tpu.memory_space<hbm>>
      %dma_start3A_503 = arith.constant 0 : i32
      %dma_start3A_504 = tpu.memref_slice %arg6[%squeeze3A_493, %dma_start3A_503] : memref<2x1024xf32, #tpu.memory_space<vmem>> -> memref<1x1024xf32, #tpu.memory_space<vmem>>
      tpu.enqueue_dma source(%dma_start3A_504 : memref<1x1024xf32, #tpu.memory_space<vmem>>) target(%dma_start3A_502 : memref<1x1024xf32, #tpu.memory_space<hbm>>) target_semaphore(%arg8 : memref<!tpu.dma_semaphore, #tpu.memory_space<semaphore_mem>>)
      %slice3A_505 = vector.extract_strided_slice %get3A_452 {offsets = [4], sizes = [1], strides = [1]} : vector<16xi32> to vector<1xi32>
      %squeeze3A_506 = vector.extract %slice3A_505[0] : i32 from vector<1xi32>
      %add3A_507 = arith.addi %mul3A_2, %add3A_449 : i32
      %add3A_508 = arith.constant 4 : i32
      %add3A_509 = arith.addi %add3A_507, %add3A_508 : i32
      %dma_start3A_510 = arith.constant 0 : i32
      %dma_start3A_511 = tpu.memref_slice %arg6[%squeeze3A_506, %dma_start3A_510] : memref<2x1024xf32, #tpu.memory_space<vmem>> -> memref<1x1024xf32, #tpu.memory_space<vmem>>
      %dma_start3A_512 = arith.constant 0 : i32
      %dma_start3A_513 = tpu.memref_slice %arg4[%add3A_509, %dma_start3A_512] : memref<32768x1024xf32, #tpu.memory_space<hbm>> -> memref<1x1024xf32, #tpu.memory_space<hbm>>
      %dma_start3A_514 = arith.constant 0 : i32
      %dma_start3A_515 = tpu.memref_slice %arg4[%add3A_509, %dma_start3A_514] : memref<32768x1024xf32, #tpu.memory_space<hbm>> -> memref<1x1024xf32, #tpu.memory_space<hbm>>
      %dma_start3A_516 = arith.constant 0 : i32
      %dma_start3A_517 = tpu.memref_slice %arg6[%squeeze3A_506, %dma_start3A_516] : memref<2x1024xf32, #tpu.memory_space<vmem>> -> memref<1x1024xf32, #tpu.memory_space<vmem>>
      tpu.enqueue_dma source(%dma_start3A_517 : memref<1x1024xf32, #tpu.memory_space<vmem>>) target(%dma_start3A_515 : memref<1x1024xf32, #tpu.memory_space<hbm>>) target_semaphore(%arg8 : memref<!tpu.dma_semaphore, #tpu.memory_space<semaphore_mem>>)
      %slice3A_518 = vector.extract_strided_slice %get3A_452 {offsets = [5], sizes = [1], strides = [1]} : vector<16xi32> to vector<1xi32>
      %squeeze3A_519 = vector.extract %slice3A_518[0] : i32 from vector<1xi32>
      %add3A_520 = arith.addi %mul3A_2, %add3A_449 : i32
      %add3A_521 = arith.constant 5 : i32
      %add3A_522 = arith.addi %add3A_520, %add3A_521 : i32
      %dma_start3A_523 = arith.constant 0 : i32
      %dma_start3A_524 = tpu.memref_slice %arg6[%squeeze3A_519, %dma_start3A_523] : memref<2x1024xf32, #tpu.memory_space<vmem>> -> memref<1x1024xf32, #tpu.memory_space<vmem>>
      %dma_start3A_525 = arith.constant 0 : i32
      %dma_start3A_526 = tpu.memref_slice %arg4[%add3A_522, %dma_start3A_525] : memref<32768x1024xf32, #tpu.memory_space<hbm>> -> memref<1x1024xf32, #tpu.memory_space<hbm>>
      %dma_start3A_527 = arith.constant 0 : i32
      %dma_start3A_528 = tpu.memref_slice %arg4[%add3A_522, %dma_start3A_527] : memref<32768x1024xf32, #tpu.memory_space<hbm>> -> memref<1x1024xf32, #tpu.memory_space<hbm>>
      %dma_start3A_529 = arith.constant 0 : i32
      %dma_start3A_530 = tpu.memref_slice %arg6[%squeeze3A_519, %dma_start3A_529] : memref<2x1024xf32, #tpu.memory_space<vmem>> -> memref<1x1024xf32, #tpu.memory_space<vmem>>
      tpu.enqueue_dma source(%dma_start3A_530 : memref<1x1024xf32, #tpu.memory_space<vmem>>) target(%dma_start3A_528 : memref<1x1024xf32, #tpu.memory_space<hbm>>) target_semaphore(%arg8 : memref<!tpu.dma_semaphore, #tpu.memory_space<semaphore_mem>>)
      %slice3A_531 = vector.extract_strided_slice %get3A_452 {offsets = [6], sizes = [1], strides = [1]} : vector<16xi32> to vector<1xi32>
      %squeeze3A_532 = vector.extract %slice3A_531[0] : i32 from vector<1xi32>
      %add3A_533 = arith.addi %mul3A_2, %add3A_449 : i32
      %add3A_534 = arith.constant 6 : i32
      %add3A_535 = arith.addi %add3A_533, %add3A_534 : i32
      %dma_start3A_536 = arith.constant 0 : i32
      %dma_start3A_537 = tpu.memref_slice %arg6[%squeeze3A_532, %dma_start3A_536] : memref<2x1024xf32, #tpu.memory_space<vmem>> -> memref<1x1024xf32, #tpu.memory_space<vmem>>
      %dma_start3A_538 = arith.constant 0 : i32
      %dma_start3A_539 = tpu.memref_slice %arg4[%add3A_535, %dma_start3A_538] : memref<32768x1024xf32, #tpu.memory_space<hbm>> -> memref<1x1024xf32, #tpu.memory_space<hbm>>
      %dma_start3A_540 = arith.constant 0 : i32
      %dma_start3A_541 = tpu.memref_slice %arg4[%add3A_535, %dma_start3A_540] : memref<32768x1024xf32, #tpu.memory_space<hbm>> -> memref<1x1024xf32, #tpu.memory_space<hbm>>
      %dma_start3A_542 = arith.constant 0 : i32
      %dma_start3A_543 = tpu.memref_slice %arg6[%squeeze3A_532, %dma_start3A_542] : memref<2x1024xf32, #tpu.memory_space<vmem>> -> memref<1x1024xf32, #tpu.memory_space<vmem>>
      tpu.enqueue_dma source(%dma_start3A_543 : memref<1x1024xf32, #tpu.memory_space<vmem>>) target(%dma_start3A_541 : memref<1x1024xf32, #tpu.memory_space<hbm>>) target_semaphore(%arg8 : memref<!tpu.dma_semaphore, #tpu.memory_space<semaphore_mem>>)
      %slice3A_544 = vector.extract_strided_slice %get3A_452 {offsets = [7], sizes = [1], strides = [1]} : vector<16xi32> to vector<1xi32>
      %squeeze3A_545 = vector.extract %slice3A_544[0] : i32 from vector<1xi32>
      %add3A_546 = arith.addi %mul3A_2, %add3A_449 : i32
      %add3A_547 = arith.constant 7 : i32
      %add3A_548 = arith.addi %add3A_546, %add3A_547 : i32
      %dma_start3A_549 = arith.constant 0 : i32
      %dma_start3A_550 = tpu.memref_slice %arg6[%squeeze3A_545, %dma_start3A_549] : memref<2x1024xf32, #tpu.memory_space<vmem>> -> memref<1x1024xf32, #tpu.memory_space<vmem>>
      %dma_start3A_551 = arith.constant 0 : i32
      %dma_start3A_552 = tpu.memref_slice %arg4[%add3A_548, %dma_start3A_551] : memref<32768x1024xf32, #tpu.memory_space<hbm>> -> memref<1x1024xf32, #tpu.memory_space<hbm>>
      %dma_start3A_553 = arith.constant 0 : i32
      %dma_start3A_554 = tpu.memref_slice %arg4[%add3A_548, %dma_start3A_553] : memref<32768x1024xf32, #tpu.memory_space<hbm>> -> memref<1x1024xf32, #tpu.memory_space<hbm>>
      %dma_start3A_555 = arith.constant 0 : i32
      %dma_start3A_556 = tpu.memref_slice %arg6[%squeeze3A_545, %dma_start3A_555] : memref<2x1024xf32, #tpu.memory_space<vmem>> -> memref<1x1024xf32, #tpu.memory_space<vmem>>
      tpu.enqueue_dma source(%dma_start3A_556 : memref<1x1024xf32, #tpu.memory_space<vmem>>) target(%dma_start3A_554 : memref<1x1024xf32, #tpu.memory_space<hbm>>) target_semaphore(%arg8 : memref<!tpu.dma_semaphore, #tpu.memory_space<semaphore_mem>>)
      %slice3A_557 = vector.extract_strided_slice %get3A_452 {offsets = [8], sizes = [1], strides = [1]} : vector<16xi32> to vector<1xi32>
      %squeeze3A_558 = vector.extract %slice3A_557[0] : i32 from vector<1xi32>
      %add3A_559 = arith.addi %mul3A_2, %add3A_449 : i32
      %add3A_560 = arith.constant 8 : i32
      %add3A_561 = arith.addi %add3A_559, %add3A_560 : i32
      %dma_start3A_562 = arith.constant 0 : i32
      %dma_start3A_563 = tpu.memref_slice %arg6[%squeeze3A_558, %dma_start3A_562] : memref<2x1024xf32, #tpu.memory_space<vmem>> -> memref<1x1024xf32, #tpu.memory_space<vmem>>
      %dma_start3A_564 = arith.constant 0 : i32
      %dma_start3A_565 = tpu.memref_slice %arg4[%add3A_561, %dma_start3A_564] : memref<32768x1024xf32, #tpu.memory_space<hbm>> -> memref<1x1024xf32, #tpu.memory_space<hbm>>
      %dma_start3A_566 = arith.constant 0 : i32
      %dma_start3A_567 = tpu.memref_slice %arg4[%add3A_561, %dma_start3A_566] : memref<32768x1024xf32, #tpu.memory_space<hbm>> -> memref<1x1024xf32, #tpu.memory_space<hbm>>
      %dma_start3A_568 = arith.constant 0 : i32
      %dma_start3A_569 = tpu.memref_slice %arg6[%squeeze3A_558, %dma_start3A_568] : memref<2x1024xf32, #tpu.memory_space<vmem>> -> memref<1x1024xf32, #tpu.memory_space<vmem>>
      tpu.enqueue_dma source(%dma_start3A_569 : memref<1x1024xf32, #tpu.memory_space<vmem>>) target(%dma_start3A_567 : memref<1x1024xf32, #tpu.memory_space<hbm>>) target_semaphore(%arg8 : memref<!tpu.dma_semaphore, #tpu.memory_space<semaphore_mem>>)
      %slice3A_570 = vector.extract_strided_slice %get3A_452 {offsets = [9], sizes = [1], strides = [1]} : vector<16xi32> to vector<1xi32>
      %squeeze3A_571 = vector.extract %slice3A_570[0] : i32 from vector<1xi32>
      %add3A_572 = arith.addi %mul3A_2, %add3A_449 : i32
      %add3A_573 = arith.constant 9 : i32
      %add3A_574 = arith.addi %add3A_572, %add3A_573 : i32
      %dma_start3A_575 = arith.constant 0 : i32
      %dma_start3A_576 = tpu.memref_slice %arg6[%squeeze3A_571, %dma_start3A_575] : memref<2x1024xf32, #tpu.memory_space<vmem>> -> memref<1x1024xf32, #tpu.memory_space<vmem>>
      %dma_start3A_577 = arith.constant 0 : i32
      %dma_start3A_578 = tpu.memref_slice %arg4[%add3A_574, %dma_start3A_577] : memref<32768x1024xf32, #tpu.memory_space<hbm>> -> memref<1x1024xf32, #tpu.memory_space<hbm>>
      %dma_start3A_579 = arith.constant 0 : i32
      %dma_start3A_580 = tpu.memref_slice %arg4[%add3A_574, %dma_start3A_579] : memref<32768x1024xf32, #tpu.memory_space<hbm>> -> memref<1x1024xf32, #tpu.memory_space<hbm>>
      %dma_start3A_581 = arith.constant 0 : i32
      %dma_start3A_582 = tpu.memref_slice %arg6[%squeeze3A_571, %dma_start3A_581] : memref<2x1024xf32, #tpu.memory_space<vmem>> -> memref<1x1024xf32, #tpu.memory_space<vmem>>
      tpu.enqueue_dma source(%dma_start3A_582 : memref<1x1024xf32, #tpu.memory_space<vmem>>) target(%dma_start3A_580 : memref<1x1024xf32, #tpu.memory_space<hbm>>) target_semaphore(%arg8 : memref<!tpu.dma_semaphore, #tpu.memory_space<semaphore_mem>>)
      %slice3A_583 = vector.extract_strided_slice %get3A_452 {offsets = [10], sizes = [1], strides = [1]} : vector<16xi32> to vector<1xi32>
      %squeeze3A_584 = vector.extract %slice3A_583[0] : i32 from vector<1xi32>
      %add3A_585 = arith.addi %mul3A_2, %add3A_449 : i32
      %add3A_586 = arith.constant 10 : i32
      %add3A_587 = arith.addi %add3A_585, %add3A_586 : i32
      %dma_start3A_588 = arith.constant 0 : i32
      %dma_start3A_589 = tpu.memref_slice %arg6[%squeeze3A_584, %dma_start3A_588] : memref<2x1024xf32, #tpu.memory_space<vmem>> -> memref<1x1024xf32, #tpu.memory_space<vmem>>
      %dma_start3A_590 = arith.constant 0 : i32
      %dma_start3A_591 = tpu.memref_slice %arg4[%add3A_587, %dma_start3A_590] : memref<32768x1024xf32, #tpu.memory_space<hbm>> -> memref<1x1024xf32, #tpu.memory_space<hbm>>
      %dma_start3A_592 = arith.constant 0 : i32
      %dma_start3A_593 = tpu.memref_slice %arg4[%add3A_587, %dma_start3A_592] : memref<32768x1024xf32, #tpu.memory_space<hbm>> -> memref<1x1024xf32, #tpu.memory_space<hbm>>
      %dma_start3A_594 = arith.constant 0 : i32
      %dma_start3A_595 = tpu.memref_slice %arg6[%squeeze3A_584, %dma_start3A_594] : memref<2x1024xf32, #tpu.memory_space<vmem>> -> memref<1x1024xf32, #tpu.memory_space<vmem>>
      tpu.enqueue_dma source(%dma_start3A_595 : memref<1x1024xf32, #tpu.memory_space<vmem>>) target(%dma_start3A_593 : memref<1x1024xf32, #tpu.memory_space<hbm>>) target_semaphore(%arg8 : memref<!tpu.dma_semaphore, #tpu.memory_space<semaphore_mem>>)
      %slice3A_596 = vector.extract_strided_slice %get3A_452 {offsets = [11], sizes = [1], strides = [1]} : vector<16xi32> to vector<1xi32>
      %squeeze3A_597 = vector.extract %slice3A_596[0] : i32 from vector<1xi32>
      %add3A_598 = arith.addi %mul3A_2, %add3A_449 : i32
      %add3A_599 = arith.constant 11 : i32
      %add3A_600 = arith.addi %add3A_598, %add3A_599 : i32
      %dma_start3A_601 = arith.constant 0 : i32
      %dma_start3A_602 = tpu.memref_slice %arg6[%squeeze3A_597, %dma_start3A_601] : memref<2x1024xf32, #tpu.memory_space<vmem>> -> memref<1x1024xf32, #tpu.memory_space<vmem>>
      %dma_start3A_603 = arith.constant 0 : i32
      %dma_start3A_604 = tpu.memref_slice %arg4[%add3A_600, %dma_start3A_603] : memref<32768x1024xf32, #tpu.memory_space<hbm>> -> memref<1x1024xf32, #tpu.memory_space<hbm>>
      %dma_start3A_605 = arith.constant 0 : i32
      %dma_start3A_606 = tpu.memref_slice %arg4[%add3A_600, %dma_start3A_605] : memref<32768x1024xf32, #tpu.memory_space<hbm>> -> memref<1x1024xf32, #tpu.memory_space<hbm>>
      %dma_start3A_607 = arith.constant 0 : i32
      %dma_start3A_608 = tpu.memref_slice %arg6[%squeeze3A_597, %dma_start3A_607] : memref<2x1024xf32, #tpu.memory_space<vmem>> -> memref<1x1024xf32, #tpu.memory_space<vmem>>
      tpu.enqueue_dma source(%dma_start3A_608 : memref<1x1024xf32, #tpu.memory_space<vmem>>) target(%dma_start3A_606 : memref<1x1024xf32, #tpu.memory_space<hbm>>) target_semaphore(%arg8 : memref<!tpu.dma_semaphore, #tpu.memory_space<semaphore_mem>>)
      %slice3A_609 = vector.extract_strided_slice %get3A_452 {offsets = [12], sizes = [1], strides = [1]} : vector<16xi32> to vector<1xi32>
      %squeeze3A_610 = vector.extract %slice3A_609[0] : i32 from vector<1xi32>
      %add3A_611 = arith.addi %mul3A_2, %add3A_449 : i32
      %add3A_612 = arith.constant 12 : i32
      %add3A_613 = arith.addi %add3A_611, %add3A_612 : i32
      %dma_start3A_614 = arith.constant 0 : i32
      %dma_start3A_615 = tpu.memref_slice %arg6[%squeeze3A_610, %dma_start3A_614] : memref<2x1024xf32, #tpu.memory_space<vmem>> -> memref<1x1024xf32, #tpu.memory_space<vmem>>
      %dma_start3A_616 = arith.constant 0 : i32
      %dma_start3A_617 = tpu.memref_slice %arg4[%add3A_613, %dma_start3A_616] : memref<32768x1024xf32, #tpu.memory_space<hbm>> -> memref<1x1024xf32, #tpu.memory_space<hbm>>
      %dma_start3A_618 = arith.constant 0 : i32
      %dma_start3A_619 = tpu.memref_slice %arg4[%add3A_613, %dma_start3A_618] : memref<32768x1024xf32, #tpu.memory_space<hbm>> -> memref<1x1024xf32, #tpu.memory_space<hbm>>
      %dma_start3A_620 = arith.constant 0 : i32
      %dma_start3A_621 = tpu.memref_slice %arg6[%squeeze3A_610, %dma_start3A_620] : memref<2x1024xf32, #tpu.memory_space<vmem>> -> memref<1x1024xf32, #tpu.memory_space<vmem>>
      tpu.enqueue_dma source(%dma_start3A_621 : memref<1x1024xf32, #tpu.memory_space<vmem>>) target(%dma_start3A_619 : memref<1x1024xf32, #tpu.memory_space<hbm>>) target_semaphore(%arg8 : memref<!tpu.dma_semaphore, #tpu.memory_space<semaphore_mem>>)
      %slice3A_622 = vector.extract_strided_slice %get3A_452 {offsets = [13], sizes = [1], strides = [1]} : vector<16xi32> to vector<1xi32>
      %squeeze3A_623 = vector.extract %slice3A_622[0] : i32 from vector<1xi32>
      %add3A_624 = arith.addi %mul3A_2, %add3A_449 : i32
      %add3A_625 = arith.constant 13 : i32
      %add3A_626 = arith.addi %add3A_624, %add3A_625 : i32
      %dma_start3A_627 = arith.constant 0 : i32
      %dma_start3A_628 = tpu.memref_slice %arg6[%squeeze3A_623, %dma_start3A_627] : memref<2x1024xf32, #tpu.memory_space<vmem>> -> memref<1x1024xf32, #tpu.memory_space<vmem>>
      %dma_start3A_629 = arith.constant 0 : i32
      %dma_start3A_630 = tpu.memref_slice %arg4[%add3A_626, %dma_start3A_629] : memref<32768x1024xf32, #tpu.memory_space<hbm>> -> memref<1x1024xf32, #tpu.memory_space<hbm>>
      %dma_start3A_631 = arith.constant 0 : i32
      %dma_start3A_632 = tpu.memref_slice %arg4[%add3A_626, %dma_start3A_631] : memref<32768x1024xf32, #tpu.memory_space<hbm>> -> memref<1x1024xf32, #tpu.memory_space<hbm>>
      %dma_start3A_633 = arith.constant 0 : i32
      %dma_start3A_634 = tpu.memref_slice %arg6[%squeeze3A_623, %dma_start3A_633] : memref<2x1024xf32, #tpu.memory_space<vmem>> -> memref<1x1024xf32, #tpu.memory_space<vmem>>
      tpu.enqueue_dma source(%dma_start3A_634 : memref<1x1024xf32, #tpu.memory_space<vmem>>) target(%dma_start3A_632 : memref<1x1024xf32, #tpu.memory_space<hbm>>) target_semaphore(%arg8 : memref<!tpu.dma_semaphore, #tpu.memory_space<semaphore_mem>>)
      %slice3A_635 = vector.extract_strided_slice %get3A_452 {offsets = [14], sizes = [1], strides = [1]} : vector<16xi32> to vector<1xi32>
      %squeeze3A_636 = vector.extract %slice3A_635[0] : i32 from vector<1xi32>
      %add3A_637 = arith.addi %mul3A_2, %add3A_449 : i32
      %add3A_638 = arith.constant 14 : i32
      %add3A_639 = arith.addi %add3A_637, %add3A_638 : i32
      %dma_start3A_640 = arith.constant 0 : i32
      %dma_start3A_641 = tpu.memref_slice %arg6[%squeeze3A_636, %dma_start3A_640] : memref<2x1024xf32, #tpu.memory_space<vmem>> -> memref<1x1024xf32, #tpu.memory_space<vmem>>
      %dma_start3A_642 = arith.constant 0 : i32
      %dma_start3A_643 = tpu.memref_slice %arg4[%add3A_639, %dma_start3A_642] : memref<32768x1024xf32, #tpu.memory_space<hbm>> -> memref<1x1024xf32, #tpu.memory_space<hbm>>
      %dma_start3A_644 = arith.constant 0 : i32
      %dma_start3A_645 = tpu.memref_slice %arg4[%add3A_639, %dma_start3A_644] : memref<32768x1024xf32, #tpu.memory_space<hbm>> -> memref<1x1024xf32, #tpu.memory_space<hbm>>
      %dma_start3A_646 = arith.constant 0 : i32
      %dma_start3A_647 = tpu.memref_slice %arg6[%squeeze3A_636, %dma_start3A_646] : memref<2x1024xf32, #tpu.memory_space<vmem>> -> memref<1x1024xf32, #tpu.memory_space<vmem>>
      tpu.enqueue_dma source(%dma_start3A_647 : memref<1x1024xf32, #tpu.memory_space<vmem>>) target(%dma_start3A_645 : memref<1x1024xf32, #tpu.memory_space<hbm>>) target_semaphore(%arg8 : memref<!tpu.dma_semaphore, #tpu.memory_space<semaphore_mem>>)
      %slice3A_648 = vector.extract_strided_slice %get3A_452 {offsets = [15], sizes = [1], strides = [1]} : vector<16xi32> to vector<1xi32>
      %squeeze3A_649 = vector.extract %slice3A_648[0] : i32 from vector<1xi32>
      %add3A_650 = arith.addi %mul3A_2, %add3A_449 : i32
      %add3A_651 = arith.constant 15 : i32
      %add3A_652 = arith.addi %add3A_650, %add3A_651 : i32
      %dma_start3A_653 = arith.constant 0 : i32
      %dma_start3A_654 = tpu.memref_slice %arg6[%squeeze3A_649, %dma_start3A_653] : memref<2x1024xf32, #tpu.memory_space<vmem>> -> memref<1x1024xf32, #tpu.memory_space<vmem>>
      %dma_start3A_655 = arith.constant 0 : i32
      %dma_start3A_656 = tpu.memref_slice %arg4[%add3A_652, %dma_start3A_655] : memref<32768x1024xf32, #tpu.memory_space<hbm>> -> memref<1x1024xf32, #tpu.memory_space<hbm>>
      %dma_start3A_657 = arith.constant 0 : i32
      %dma_start3A_658 = tpu.memref_slice %arg4[%add3A_652, %dma_start3A_657] : memref<32768x1024xf32, #tpu.memory_space<hbm>> -> memref<1x1024xf32, #tpu.memory_space<hbm>>
      %dma_start3A_659 = arith.constant 0 : i32
      %dma_start3A_660 = tpu.memref_slice %arg6[%squeeze3A_649, %dma_start3A_659] : memref<2x1024xf32, #tpu.memory_space<vmem>> -> memref<1x1024xf32, #tpu.memory_space<vmem>>
      tpu.enqueue_dma source(%dma_start3A_660 : memref<1x1024xf32, #tpu.memory_space<vmem>>) target(%dma_start3A_658 : memref<1x1024xf32, #tpu.memory_space<hbm>>) target_semaphore(%arg8 : memref<!tpu.dma_semaphore, #tpu.memory_space<semaphore_mem>>)
      %mul3A_661 = arith.constant 64 : i32
      %mul3A_662 = arith.muli %scan3A_19, %mul3A_661 : i32
      %add3A_663 = arith.constant 48 : i32
      %add3A_664 = arith.addi %mul3A_662, %add3A_663 : i32
      %get3A_665 = arith.index_cast %add3A_664 : i32 to index
      %get3A_666 = tpu.vector_load %arg5[%get3A_665] {strides = array<i32>} : memref<1024xi32, #tpu.memory_space<vmem>>, vector<16xi32>,
      %get3A_667 = vector.shape_cast %get3A_666 : vector<16xi32> to vector<16xi32>
      %slice3A_668 = vector.extract_strided_slice %get3A_667 {offsets = [0], sizes = [1], strides = [1]} : vector<16xi32> to vector<1xi32>
      %squeeze3A_669 = vector.extract %slice3A_668[0] : i32 from vector<1xi32>
      %add3A_670 = arith.addi %mul3A_2, %add3A_664 : i32
      %add3A_671 = arith.constant 0 : i32
      %add3A_672 = arith.addi %add3A_670, %add3A_671 : i32
      %dma_start3A_673 = arith.constant 0 : i32
      %dma_start3A_674 = tpu.memref_slice %arg6[%squeeze3A_669, %dma_start3A_673] : memref<2x1024xf32, #tpu.memory_space<vmem>> -> memref<1x1024xf32, #tpu.memory_space<vmem>>
      %dma_start3A_675 = arith.constant 0 : i32
      %dma_start3A_676 = tpu.memref_slice %arg4[%add3A_672, %dma_start3A_675] : memref<32768x1024xf32, #tpu.memory_space<hbm>> -> memref<1x1024xf32, #tpu.memory_space<hbm>>
      %dma_start3A_677 = arith.constant 0 : i32
      %dma_start3A_678 = tpu.memref_slice %arg4[%add3A_672, %dma_start3A_677] : memref<32768x1024xf32, #tpu.memory_space<hbm>> -> memref<1x1024xf32, #tpu.memory_space<hbm>>
      %dma_start3A_679 = arith.constant 0 : i32
      %dma_start3A_680 = tpu.memref_slice %arg6[%squeeze3A_669, %dma_start3A_679] : memref<2x1024xf32, #tpu.memory_space<vmem>> -> memref<1x1024xf32, #tpu.memory_space<vmem>>
      tpu.enqueue_dma source(%dma_start3A_680 : memref<1x1024xf32, #tpu.memory_space<vmem>>) target(%dma_start3A_678 : memref<1x1024xf32, #tpu.memory_space<hbm>>) target_semaphore(%arg8 : memref<!tpu.dma_semaphore, #tpu.memory_space<semaphore_mem>>)
      %slice3A_681 = vector.extract_strided_slice %get3A_667 {offsets = [1], sizes = [1], strides = [1]} : vector<16xi32> to vector<1xi32>
      %squeeze3A_682 = vector.extract %slice3A_681[0] : i32 from vector<1xi32>
      %add3A_683 = arith.addi %mul3A_2, %add3A_664 : i32
      %add3A_684 = arith.constant 1 : i32
      %add3A_685 = arith.addi %add3A_683, %add3A_684 : i32
      %dma_start3A_686 = arith.constant 0 : i32
      %dma_start3A_687 = tpu.memref_slice %arg6[%squeeze3A_682, %dma_start3A_686] : memref<2x1024xf32, #tpu.memory_space<vmem>> -> memref<1x1024xf32, #tpu.memory_space<vmem>>
      %dma_start3A_688 = arith.constant 0 : i32
      %dma_start3A_689 = tpu.memref_slice %arg4[%add3A_685, %dma_start3A_688] : memref<32768x1024xf32, #tpu.memory_space<hbm>> -> memref<1x1024xf32, #tpu.memory_space<hbm>>
      %dma_start3A_690 = arith.constant 0 : i32
      %dma_start3A_691 = tpu.memref_slice %arg4[%add3A_685, %dma_start3A_690] : memref<32768x1024xf32, #tpu.memory_space<hbm>> -> memref<1x1024xf32, #tpu.memory_space<hbm>>
      %dma_start3A_692 = arith.constant 0 : i32
      %dma_start3A_693 = tpu.memref_slice %arg6[%squeeze3A_682, %dma_start3A_692] : memref<2x1024xf32, #tpu.memory_space<vmem>> -> memref<1x1024xf32, #tpu.memory_space<vmem>>
      tpu.enqueue_dma source(%dma_start3A_693 : memref<1x1024xf32, #tpu.memory_space<vmem>>) target(%dma_start3A_691 : memref<1x1024xf32, #tpu.memory_space<hbm>>) target_semaphore(%arg8 : memref<!tpu.dma_semaphore, #tpu.memory_space<semaphore_mem>>)
      %slice3A_694 = vector.extract_strided_slice %get3A_667 {offsets = [2], sizes = [1], strides = [1]} : vector<16xi32> to vector<1xi32>
      %squeeze3A_695 = vector.extract %slice3A_694[0] : i32 from vector<1xi32>
      %add3A_696 = arith.addi %mul3A_2, %add3A_664 : i32
      %add3A_697 = arith.constant 2 : i32
      %add3A_698 = arith.addi %add3A_696, %add3A_697 : i32
      %dma_start3A_699 = arith.constant 0 : i32
      %dma_start3A_700 = tpu.memref_slice %arg6[%squeeze3A_695, %dma_start3A_699] : memref<2x1024xf32, #tpu.memory_space<vmem>> -> memref<1x1024xf32, #tpu.memory_space<vmem>>
      %dma_start3A_701 = arith.constant 0 : i32
      %dma_start3A_702 = tpu.memref_slice %arg4[%add3A_698, %dma_start3A_701] : memref<32768x1024xf32, #tpu.memory_space<hbm>> -> memref<1x1024xf32, #tpu.memory_space<hbm>>
      %dma_start3A_703 = arith.constant 0 : i32
      %dma_start3A_704 = tpu.memref_slice %arg4[%add3A_698, %dma_start3A_703] : memref<32768x1024xf32, #tpu.memory_space<hbm>> -> memref<1x1024xf32, #tpu.memory_space<hbm>>
      %dma_start3A_705 = arith.constant 0 : i32
      %dma_start3A_706 = tpu.memref_slice %arg6[%squeeze3A_695, %dma_start3A_705] : memref<2x1024xf32, #tpu.memory_space<vmem>> -> memref<1x1024xf32, #tpu.memory_space<vmem>>
      tpu.enqueue_dma source(%dma_start3A_706 : memref<1x1024xf32, #tpu.memory_space<vmem>>) target(%dma_start3A_704 : memref<1x1024xf32, #tpu.memory_space<hbm>>) target_semaphore(%arg8 : memref<!tpu.dma_semaphore, #tpu.memory_space<semaphore_mem>>)
      %slice3A_707 = vector.extract_strided_slice %get3A_667 {offsets = [3], sizes = [1], strides = [1]} : vector<16xi32> to vector<1xi32>
      %squeeze3A_708 = vector.extract %slice3A_707[0] : i32 from vector<1xi32>
      %add3A_709 = arith.addi %mul3A_2, %add3A_664 : i32
      %add3A_710 = arith.constant 3 : i32
      %add3A_711 = arith.addi %add3A_709, %add3A_710 : i32
      %dma_start3A_712 = arith.constant 0 : i32
      %dma_start3A_713 = tpu.memref_slice %arg6[%squeeze3A_708, %dma_start3A_712] : memref<2x1024xf32, #tpu.memory_space<vmem>> -> memref<1x1024xf32, #tpu.memory_space<vmem>>
      %dma_start3A_714 = arith.constant 0 : i32
      %dma_start3A_715 = tpu.memref_slice %arg4[%add3A_711, %dma_start3A_714] : memref<32768x1024xf32, #tpu.memory_space<hbm>> -> memref<1x1024xf32, #tpu.memory_space<hbm>>
      %dma_start3A_716 = arith.constant 0 : i32
      %dma_start3A_717 = tpu.memref_slice %arg4[%add3A_711, %dma_start3A_716] : memref<32768x1024xf32, #tpu.memory_space<hbm>> -> memref<1x1024xf32, #tpu.memory_space<hbm>>
      %dma_start3A_718 = arith.constant 0 : i32
      %dma_start3A_719 = tpu.memref_slice %arg6[%squeeze3A_708, %dma_start3A_718] : memref<2x1024xf32, #tpu.memory_space<vmem>> -> memref<1x1024xf32, #tpu.memory_space<vmem>>
      tpu.enqueue_dma source(%dma_start3A_719 : memref<1x1024xf32, #tpu.memory_space<vmem>>) target(%dma_start3A_717 : memref<1x1024xf32, #tpu.memory_space<hbm>>) target_semaphore(%arg8 : memref<!tpu.dma_semaphore, #tpu.memory_space<semaphore_mem>>)
      %slice3A_720 = vector.extract_strided_slice %get3A_667 {offsets = [4], sizes = [1], strides = [1]} : vector<16xi32> to vector<1xi32>
      %squeeze3A_721 = vector.extract %slice3A_720[0] : i32 from vector<1xi32>
      %add3A_722 = arith.addi %mul3A_2, %add3A_664 : i32
      %add3A_723 = arith.constant 4 : i32
      %add3A_724 = arith.addi %add3A_722, %add3A_723 : i32
      %dma_start3A_725 = arith.constant 0 : i32
      %dma_start3A_726 = tpu.memref_slice %arg6[%squeeze3A_721, %dma_start3A_725] : memref<2x1024xf32, #tpu.memory_space<vmem>> -> memref<1x1024xf32, #tpu.memory_space<vmem>>
      %dma_start3A_727 = arith.constant 0 : i32
      %dma_start3A_728 = tpu.memref_slice %arg4[%add3A_724, %dma_start3A_727] : memref<32768x1024xf32, #tpu.memory_space<hbm>> -> memref<1x1024xf32, #tpu.memory_space<hbm>>
      %dma_start3A_729 = arith.constant 0 : i32
      %dma_start3A_730 = tpu.memref_slice %arg4[%add3A_724, %dma_start3A_729] : memref<32768x1024xf32, #tpu.memory_space<hbm>> -> memref<1x1024xf32, #tpu.memory_space<hbm>>
      %dma_start3A_731 = arith.constant 0 : i32
      %dma_start3A_732 = tpu.memref_slice %arg6[%squeeze3A_721, %dma_start3A_731] : memref<2x1024xf32, #tpu.memory_space<vmem>> -> memref<1x1024xf32, #tpu.memory_space<vmem>>
      tpu.enqueue_dma source(%dma_start3A_732 : memref<1x1024xf32, #tpu.memory_space<vmem>>) target(%dma_start3A_730 : memref<1x1024xf32, #tpu.memory_space<hbm>>) target_semaphore(%arg8 : memref<!tpu.dma_semaphore, #tpu.memory_space<semaphore_mem>>)
      %slice3A_733 = vector.extract_strided_slice %get3A_667 {offsets = [5], sizes = [1], strides = [1]} : vector<16xi32> to vector<1xi32>
      %squeeze3A_734 = vector.extract %slice3A_733[0] : i32 from vector<1xi32>
      %add3A_735 = arith.addi %mul3A_2, %add3A_664 : i32
      %add3A_736 = arith.constant 5 : i32
      %add3A_737 = arith.addi %add3A_735, %add3A_736 : i32
      %dma_start3A_738 = arith.constant 0 : i32
      %dma_start3A_739 = tpu.memref_slice %arg6[%squeeze3A_734, %dma_start3A_738] : memref<2x1024xf32, #tpu.memory_space<vmem>> -> memref<1x1024xf32, #tpu.memory_space<vmem>>
      %dma_start3A_740 = arith.constant 0 : i32
      %dma_start3A_741 = tpu.memref_slice %arg4[%add3A_737, %dma_start3A_740] : memref<32768x1024xf32, #tpu.memory_space<hbm>> -> memref<1x1024xf32, #tpu.memory_space<hbm>>
      %dma_start3A_742 = arith.constant 0 : i32
      %dma_start3A_743 = tpu.memref_slice %arg4[%add3A_737, %dma_start3A_742] : memref<32768x1024xf32, #tpu.memory_space<hbm>> -> memref<1x1024xf32, #tpu.memory_space<hbm>>
      %dma_start3A_744 = arith.constant 0 : i32
      %dma_start3A_745 = tpu.memref_slice %arg6[%squeeze3A_734, %dma_start3A_744] : memref<2x1024xf32, #tpu.memory_space<vmem>> -> memref<1x1024xf32, #tpu.memory_space<vmem>>
      tpu.enqueue_dma source(%dma_start3A_745 : memref<1x1024xf32, #tpu.memory_space<vmem>>) target(%dma_start3A_743 : memref<1x1024xf32, #tpu.memory_space<hbm>>) target_semaphore(%arg8 : memref<!tpu.dma_semaphore, #tpu.memory_space<semaphore_mem>>)
      %slice3A_746 = vector.extract_strided_slice %get3A_667 {offsets = [6], sizes = [1], strides = [1]} : vector<16xi32> to vector<1xi32>
      %squeeze3A_747 = vector.extract %slice3A_746[0] : i32 from vector<1xi32>
      %add3A_748 = arith.addi %mul3A_2, %add3A_664 : i32
      %add3A_749 = arith.constant 6 : i32
      %add3A_750 = arith.addi %add3A_748, %add3A_749 : i32
      %dma_start3A_751 = arith.constant 0 : i32
      %dma_start3A_752 = tpu.memref_slice %arg6[%squeeze3A_747, %dma_start3A_751] : memref<2x1024xf32, #tpu.memory_space<vmem>> -> memref<1x1024xf32, #tpu.memory_space<vmem>>
      %dma_start3A_753 = arith.constant 0 : i32
      %dma_start3A_754 = tpu.memref_slice %arg4[%add3A_750, %dma_start3A_753] : memref<32768x1024xf32, #tpu.memory_space<hbm>> -> memref<1x1024xf32, #tpu.memory_space<hbm>>
      %dma_start3A_755 = arith.constant 0 : i32
      %dma_start3A_756 = tpu.memref_slice %arg4[%add3A_750, %dma_start3A_755] : memref<32768x1024xf32, #tpu.memory_space<hbm>> -> memref<1x1024xf32, #tpu.memory_space<hbm>>
      %dma_start3A_757 = arith.constant 0 : i32
      %dma_start3A_758 = tpu.memref_slice %arg6[%squeeze3A_747, %dma_start3A_757] : memref<2x1024xf32, #tpu.memory_space<vmem>> -> memref<1x1024xf32, #tpu.memory_space<vmem>>
      tpu.enqueue_dma source(%dma_start3A_758 : memref<1x1024xf32, #tpu.memory_space<vmem>>) target(%dma_start3A_756 : memref<1x1024xf32, #tpu.memory_space<hbm>>) target_semaphore(%arg8 : memref<!tpu.dma_semaphore, #tpu.memory_space<semaphore_mem>>)
      %slice3A_759 = vector.extract_strided_slice %get3A_667 {offsets = [7], sizes = [1], strides = [1]} : vector<16xi32> to vector<1xi32>
      %squeeze3A_760 = vector.extract %slice3A_759[0] : i32 from vector<1xi32>
      %add3A_761 = arith.addi %mul3A_2, %add3A_664 : i32
      %add3A_762 = arith.constant 7 : i32
      %add3A_763 = arith.addi %add3A_761, %add3A_762 : i32
      %dma_start3A_764 = arith.constant 0 : i32
      %dma_start3A_765 = tpu.memref_slice %arg6[%squeeze3A_760, %dma_start3A_764] : memref<2x1024xf32, #tpu.memory_space<vmem>> -> memref<1x1024xf32, #tpu.memory_space<vmem>>
      %dma_start3A_766 = arith.constant 0 : i32
      %dma_start3A_767 = tpu.memref_slice %arg4[%add3A_763, %dma_start3A_766] : memref<32768x1024xf32, #tpu.memory_space<hbm>> -> memref<1x1024xf32, #tpu.memory_space<hbm>>
      %dma_start3A_768 = arith.constant 0 : i32
      %dma_start3A_769 = tpu.memref_slice %arg4[%add3A_763, %dma_start3A_768] : memref<32768x1024xf32, #tpu.memory_space<hbm>> -> memref<1x1024xf32, #tpu.memory_space<hbm>>
      %dma_start3A_770 = arith.constant 0 : i32
      %dma_start3A_771 = tpu.memref_slice %arg6[%squeeze3A_760, %dma_start3A_770] : memref<2x1024xf32, #tpu.memory_space<vmem>> -> memref<1x1024xf32, #tpu.memory_space<vmem>>
      tpu.enqueue_dma source(%dma_start3A_771 : memref<1x1024xf32, #tpu.memory_space<vmem>>) target(%dma_start3A_769 : memref<1x1024xf32, #tpu.memory_space<hbm>>) target_semaphore(%arg8 : memref<!tpu.dma_semaphore, #tpu.memory_space<semaphore_mem>>)
      %slice3A_772 = vector.extract_strided_slice %get3A_667 {offsets = [8], sizes = [1], strides = [1]} : vector<16xi32> to vector<1xi32>
      %squeeze3A_773 = vector.extract %slice3A_772[0] : i32 from vector<1xi32>
      %add3A_774 = arith.addi %mul3A_2, %add3A_664 : i32
      %add3A_775 = arith.constant 8 : i32
      %add3A_776 = arith.addi %add3A_774, %add3A_775 : i32
      %dma_start3A_777 = arith.constant 0 : i32
      %dma_start3A_778 = tpu.memref_slice %arg6[%squeeze3A_773, %dma_start3A_777] : memref<2x1024xf32, #tpu.memory_space<vmem>> -> memref<1x1024xf32, #tpu.memory_space<vmem>>
      %dma_start3A_779 = arith.constant 0 : i32
      %dma_start3A_780 = tpu.memref_slice %arg4[%add3A_776, %dma_start3A_779] : memref<32768x1024xf32, #tpu.memory_space<hbm>> -> memref<1x1024xf32, #tpu.memory_space<hbm>>
      %dma_start3A_781 = arith.constant 0 : i32
      %dma_start3A_782 = tpu.memref_slice %arg4[%add3A_776, %dma_start3A_781] : memref<32768x1024xf32, #tpu.memory_space<hbm>> -> memref<1x1024xf32, #tpu.memory_space<hbm>>
      %dma_start3A_783 = arith.constant 0 : i32
      %dma_start3A_784 = tpu.memref_slice %arg6[%squeeze3A_773, %dma_start3A_783] : memref<2x1024xf32, #tpu.memory_space<vmem>> -> memref<1x1024xf32, #tpu.memory_space<vmem>>
      tpu.enqueue_dma source(%dma_start3A_784 : memref<1x1024xf32, #tpu.memory_space<vmem>>) target(%dma_start3A_782 : memref<1x1024xf32, #tpu.memory_space<hbm>>) target_semaphore(%arg8 : memref<!tpu.dma_semaphore, #tpu.memory_space<semaphore_mem>>)
      %slice3A_785 = vector.extract_strided_slice %get3A_667 {offsets = [9], sizes = [1], strides = [1]} : vector<16xi32> to vector<1xi32>
      %squeeze3A_786 = vector.extract %slice3A_785[0] : i32 from vector<1xi32>
      %add3A_787 = arith.addi %mul3A_2, %add3A_664 : i32
      %add3A_788 = arith.constant 9 : i32
      %add3A_789 = arith.addi %add3A_787, %add3A_788 : i32
      %dma_start3A_790 = arith.constant 0 : i32
      %dma_start3A_791 = tpu.memref_slice %arg6[%squeeze3A_786, %dma_start3A_790] : memref<2x1024xf32, #tpu.memory_space<vmem>> -> memref<1x1024xf32, #tpu.memory_space<vmem>>
      %dma_start3A_792 = arith.constant 0 : i32
      %dma_start3A_793 = tpu.memref_slice %arg4[%add3A_789, %dma_start3A_792] : memref<32768x1024xf32, #tpu.memory_space<hbm>> -> memref<1x1024xf32, #tpu.memory_space<hbm>>
      %dma_start3A_794 = arith.constant 0 : i32
      %dma_start3A_795 = tpu.memref_slice %arg4[%add3A_789, %dma_start3A_794] : memref<32768x1024xf32, #tpu.memory_space<hbm>> -> memref<1x1024xf32, #tpu.memory_space<hbm>>
      %dma_start3A_796 = arith.constant 0 : i32
      %dma_start3A_797 = tpu.memref_slice %arg6[%squeeze3A_786, %dma_start3A_796] : memref<2x1024xf32, #tpu.memory_space<vmem>> -> memref<1x1024xf32, #tpu.memory_space<vmem>>
      tpu.enqueue_dma source(%dma_start3A_797 : memref<1x1024xf32, #tpu.memory_space<vmem>>) target(%dma_start3A_795 : memref<1x1024xf32, #tpu.memory_space<hbm>>) target_semaphore(%arg8 : memref<!tpu.dma_semaphore, #tpu.memory_space<semaphore_mem>>)
      %slice3A_798 = vector.extract_strided_slice %get3A_667 {offsets = [10], sizes = [1], strides = [1]} : vector<16xi32> to vector<1xi32>
      %squeeze3A_799 = vector.extract %slice3A_798[0] : i32 from vector<1xi32>
      %add3A_800 = arith.addi %mul3A_2, %add3A_664 : i32
      %add3A_801 = arith.constant 10 : i32
      %add3A_802 = arith.addi %add3A_800, %add3A_801 : i32
      %dma_start3A_803 = arith.constant 0 : i32
      %dma_start3A_804 = tpu.memref_slice %arg6[%squeeze3A_799, %dma_start3A_803] : memref<2x1024xf32, #tpu.memory_space<vmem>> -> memref<1x1024xf32, #tpu.memory_space<vmem>>
      %dma_start3A_805 = arith.constant 0 : i32
      %dma_start3A_806 = tpu.memref_slice %arg4[%add3A_802, %dma_start3A_805] : memref<32768x1024xf32, #tpu.memory_space<hbm>> -> memref<1x1024xf32, #tpu.memory_space<hbm>>
      %dma_start3A_807 = arith.constant 0 : i32
      %dma_start3A_808 = tpu.memref_slice %arg4[%add3A_802, %dma_start3A_807] : memref<32768x1024xf32, #tpu.memory_space<hbm>> -> memref<1x1024xf32, #tpu.memory_space<hbm>>
      %dma_start3A_809 = arith.constant 0 : i32
      %dma_start3A_810 = tpu.memref_slice %arg6[%squeeze3A_799, %dma_start3A_809] : memref<2x1024xf32, #tpu.memory_space<vmem>> -> memref<1x1024xf32, #tpu.memory_space<vmem>>
      tpu.enqueue_dma source(%dma_start3A_810 : memref<1x1024xf32, #tpu.memory_space<vmem>>) target(%dma_start3A_808 : memref<1x1024xf32, #tpu.memory_space<hbm>>) target_semaphore(%arg8 : memref<!tpu.dma_semaphore, #tpu.memory_space<semaphore_mem>>)
      %slice3A_811 = vector.extract_strided_slice %get3A_667 {offsets = [11], sizes = [1], strides = [1]} : vector<16xi32> to vector<1xi32>
      %squeeze3A_812 = vector.extract %slice3A_811[0] : i32 from vector<1xi32>
      %add3A_813 = arith.addi %mul3A_2, %add3A_664 : i32
      %add3A_814 = arith.constant 11 : i32
      %add3A_815 = arith.addi %add3A_813, %add3A_814 : i32
      %dma_start3A_816 = arith.constant 0 : i32
      %dma_start3A_817 = tpu.memref_slice %arg6[%squeeze3A_812, %dma_start3A_816] : memref<2x1024xf32, #tpu.memory_space<vmem>> -> memref<1x1024xf32, #tpu.memory_space<vmem>>
      %dma_start3A_818 = arith.constant 0 : i32
      %dma_start3A_819 = tpu.memref_slice %arg4[%add3A_815, %dma_start3A_818] : memref<32768x1024xf32, #tpu.memory_space<hbm>> -> memref<1x1024xf32, #tpu.memory_space<hbm>>
      %dma_start3A_820 = arith.constant 0 : i32
      %dma_start3A_821 = tpu.memref_slice %arg4[%add3A_815, %dma_start3A_820] : memref<32768x1024xf32, #tpu.memory_space<hbm>> -> memref<1x1024xf32, #tpu.memory_space<hbm>>
      %dma_start3A_822 = arith.constant 0 : i32
      %dma_start3A_823 = tpu.memref_slice %arg6[%squeeze3A_812, %dma_start3A_822] : memref<2x1024xf32, #tpu.memory_space<vmem>> -> memref<1x1024xf32, #tpu.memory_space<vmem>>
      tpu.enqueue_dma source(%dma_start3A_823 : memref<1x1024xf32, #tpu.memory_space<vmem>>) target(%dma_start3A_821 : memref<1x1024xf32, #tpu.memory_space<hbm>>) target_semaphore(%arg8 : memref<!tpu.dma_semaphore, #tpu.memory_space<semaphore_mem>>)
      %slice3A_824 = vector.extract_strided_slice %get3A_667 {offsets = [12], sizes = [1], strides = [1]} : vector<16xi32> to vector<1xi32>
      %squeeze3A_825 = vector.extract %slice3A_824[0] : i32 from vector<1xi32>
      %add3A_826 = arith.addi %mul3A_2, %add3A_664 : i32
      %add3A_827 = arith.constant 12 : i32
      %add3A_828 = arith.addi %add3A_826, %add3A_827 : i32
      %dma_start3A_829 = arith.constant 0 : i32
      %dma_start3A_830 = tpu.memref_slice %arg6[%squeeze3A_825, %dma_start3A_829] : memref<2x1024xf32, #tpu.memory_space<vmem>> -> memref<1x1024xf32, #tpu.memory_space<vmem>>
      %dma_start3A_831 = arith.constant 0 : i32
      %dma_start3A_832 = tpu.memref_slice %arg4[%add3A_828, %dma_start3A_831] : memref<32768x1024xf32, #tpu.memory_space<hbm>> -> memref<1x1024xf32, #tpu.memory_space<hbm>>
      %dma_start3A_833 = arith.constant 0 : i32
      %dma_start3A_834 = tpu.memref_slice %arg4[%add3A_828, %dma_start3A_833] : memref<32768x1024xf32, #tpu.memory_space<hbm>> -> memref<1x1024xf32, #tpu.memory_space<hbm>>
      %dma_start3A_835 = arith.constant 0 : i32
      %dma_start3A_836 = tpu.memref_slice %arg6[%squeeze3A_825, %dma_start3A_835] : memref<2x1024xf32, #tpu.memory_space<vmem>> -> memref<1x1024xf32, #tpu.memory_space<vmem>>
      tpu.enqueue_dma source(%dma_start3A_836 : memref<1x1024xf32, #tpu.memory_space<vmem>>) target(%dma_start3A_834 : memref<1x1024xf32, #tpu.memory_space<hbm>>) target_semaphore(%arg8 : memref<!tpu.dma_semaphore, #tpu.memory_space<semaphore_mem>>)
      %slice3A_837 = vector.extract_strided_slice %get3A_667 {offsets = [13], sizes = [1], strides = [1]} : vector<16xi32> to vector<1xi32>
      %squeeze3A_838 = vector.extract %slice3A_837[0] : i32 from vector<1xi32>
      %add3A_839 = arith.addi %mul3A_2, %add3A_664 : i32
      %add3A_840 = arith.constant 13 : i32
      %add3A_841 = arith.addi %add3A_839, %add3A_840 : i32
      %dma_start3A_842 = arith.constant 0 : i32
      %dma_start3A_843 = tpu.memref_slice %arg6[%squeeze3A_838, %dma_start3A_842] : memref<2x1024xf32, #tpu.memory_space<vmem>> -> memref<1x1024xf32, #tpu.memory_space<vmem>>
      %dma_start3A_844 = arith.constant 0 : i32
      %dma_start3A_845 = tpu.memref_slice %arg4[%add3A_841, %dma_start3A_844] : memref<32768x1024xf32, #tpu.memory_space<hbm>> -> memref<1x1024xf32, #tpu.memory_space<hbm>>
      %dma_start3A_846 = arith.constant 0 : i32
      %dma_start3A_847 = tpu.memref_slice %arg4[%add3A_841, %dma_start3A_846] : memref<32768x1024xf32, #tpu.memory_space<hbm>> -> memref<1x1024xf32, #tpu.memory_space<hbm>>
      %dma_start3A_848 = arith.constant 0 : i32
      %dma_start3A_849 = tpu.memref_slice %arg6[%squeeze3A_838, %dma_start3A_848] : memref<2x1024xf32, #tpu.memory_space<vmem>> -> memref<1x1024xf32, #tpu.memory_space<vmem>>
      tpu.enqueue_dma source(%dma_start3A_849 : memref<1x1024xf32, #tpu.memory_space<vmem>>) target(%dma_start3A_847 : memref<1x1024xf32, #tpu.memory_space<hbm>>) target_semaphore(%arg8 : memref<!tpu.dma_semaphore, #tpu.memory_space<semaphore_mem>>)
      %slice3A_850 = vector.extract_strided_slice %get3A_667 {offsets = [14], sizes = [1], strides = [1]} : vector<16xi32> to vector<1xi32>
      %squeeze3A_851 = vector.extract %slice3A_850[0] : i32 from vector<1xi32>
      %add3A_852 = arith.addi %mul3A_2, %add3A_664 : i32
      %add3A_853 = arith.constant 14 : i32
      %add3A_854 = arith.addi %add3A_852, %add3A_853 : i32
      %dma_start3A_855 = arith.constant 0 : i32
      %dma_start3A_856 = tpu.memref_slice %arg6[%squeeze3A_851, %dma_start3A_855] : memref<2x1024xf32, #tpu.memory_space<vmem>> -> memref<1x1024xf32, #tpu.memory_space<vmem>>
      %dma_start3A_857 = arith.constant 0 : i32
      %dma_start3A_858 = tpu.memref_slice %arg4[%add3A_854, %dma_start3A_857] : memref<32768x1024xf32, #tpu.memory_space<hbm>> -> memref<1x1024xf32, #tpu.memory_space<hbm>>
      %dma_start3A_859 = arith.constant 0 : i32
      %dma_start3A_860 = tpu.memref_slice %arg4[%add3A_854, %dma_start3A_859] : memref<32768x1024xf32, #tpu.memory_space<hbm>> -> memref<1x1024xf32, #tpu.memory_space<hbm>>
      %dma_start3A_861 = arith.constant 0 : i32
      %dma_start3A_862 = tpu.memref_slice %arg6[%squeeze3A_851, %dma_start3A_861] : memref<2x1024xf32, #tpu.memory_space<vmem>> -> memref<1x1024xf32, #tpu.memory_space<vmem>>
      tpu.enqueue_dma source(%dma_start3A_862 : memref<1x1024xf32, #tpu.memory_space<vmem>>) target(%dma_start3A_860 : memref<1x1024xf32, #tpu.memory_space<hbm>>) target_semaphore(%arg8 : memref<!tpu.dma_semaphore, #tpu.memory_space<semaphore_mem>>)
      %slice3A_863 = vector.extract_strided_slice %get3A_667 {offsets = [15], sizes = [1], strides = [1]} : vector<16xi32> to vector<1xi32>
      %squeeze3A_864 = vector.extract %slice3A_863[0] : i32 from vector<1xi32>
      %add3A_865 = arith.addi %mul3A_2, %add3A_664 : i32
      %add3A_866 = arith.constant 15 : i32
      %add3A_867 = arith.addi %add3A_865, %add3A_866 : i32
      %dma_start3A_868 = arith.constant 0 : i32
      %dma_start3A_869 = tpu.memref_slice %arg6[%squeeze3A_864, %dma_start3A_868] : memref<2x1024xf32, #tpu.memory_space<vmem>> -> memref<1x1024xf32, #tpu.memory_space<vmem>>
      %dma_start3A_870 = arith.constant 0 : i32
      %dma_start3A_871 = tpu.memref_slice %arg4[%add3A_867, %dma_start3A_870] : memref<32768x1024xf32, #tpu.memory_space<hbm>> -> memref<1x1024xf32, #tpu.memory_space<hbm>>
      %dma_start3A_872 = arith.constant 0 : i32
      %dma_start3A_873 = tpu.memref_slice %arg4[%add3A_867, %dma_start3A_872] : memref<32768x1024xf32, #tpu.memory_space<hbm>> -> memref<1x1024xf32, #tpu.memory_space<hbm>>
      %dma_start3A_874 = arith.constant 0 : i32
      %dma_start3A_875 = tpu.memref_slice %arg6[%squeeze3A_864, %dma_start3A_874] : memref<2x1024xf32, #tpu.memory_space<vmem>> -> memref<1x1024xf32, #tpu.memory_space<vmem>>
      tpu.enqueue_dma source(%dma_start3A_875 : memref<1x1024xf32, #tpu.memory_space<vmem>>) target(%dma_start3A_873 : memref<1x1024xf32, #tpu.memory_space<hbm>>) target_semaphore(%arg8 : memref<!tpu.dma_semaphore, #tpu.memory_space<semaphore_mem>>)
      %ge3A = arith.constant 3 : i32
      %ge3A_876 = arith.cmpi sge, %scan3A_19, %ge3A : i32
      %convert_element_type3A = arith.extui %ge3A_876 : i1 to i32
      %cond3A = arith.constant 0 : i32
      %cond3A_877 = arith.cmpi ne, %convert_element_type3A, %cond3A : i32
      scf.if %cond3A_877 {
        %dma_wait3A_878 = arith.constant 0 : i32
        %dma_wait3A_879 = tpu.memref_slice %arg4[%mul3A_2, %dma_wait3A_878] : memref<32768x1024xf32, #tpu.memory_space<hbm>> -> memref<64x1024xf32, #tpu.memory_space<hbm>>
        %dma_wait3A_880 = arith.constant 0 : i32
        %dma_wait3A_881 = tpu.memref_slice %arg4[%mul3A_2, %dma_wait3A_880] : memref<32768x1024xf32, #tpu.memory_space<hbm>> -> memref<64x1024xf32, #tpu.memory_space<hbm>>
        tpu.wait_dma2 semaphore(%arg8 : memref<!tpu.dma_semaphore, #tpu.memory_space<semaphore_mem>>) src(%dma_wait3A_881 : memref<64x1024xf32, #tpu.memory_space<hbm>>) dst(%arg7 : memref<64x1024xf32, #tpu.memory_space<vmem>>)
      } else {
      }
    }
    %scan3A_7 = arith.constant 16 : i32
    %dma_wait3A = arith.constant 0 : i32
    %dma_wait3A_8 = tpu.memref_slice %arg4[%mul3A_2, %dma_wait3A] : memref<32768x1024xf32, #tpu.memory_space<hbm>> -> memref<64x1024xf32, #tpu.memory_space<hbm>>
    %dma_wait3A_9 = arith.constant 0 : i32
    %dma_wait3A_10 = tpu.memref_slice %arg4[%mul3A_2, %dma_wait3A_9] : memref<32768x1024xf32, #tpu.memory_space<hbm>> -> memref<64x1024xf32, #tpu.memory_space<hbm>>
    tpu.wait_dma2 semaphore(%arg8 : memref<!tpu.dma_semaphore, #tpu.memory_space<semaphore_mem>>) src(%dma_wait3A_10 : memref<64x1024xf32, #tpu.memory_space<hbm>>) dst(%arg7 : memref<64x1024xf32, #tpu.memory_space<vmem>>)
    %dma_wait3A_11 = arith.constant 0 : i32
    %dma_wait3A_12 = tpu.memref_slice %arg4[%mul3A_2, %dma_wait3A_11] : memref<32768x1024xf32, #tpu.memory_space<hbm>> -> memref<64x1024xf32, #tpu.memory_space<hbm>>
    %dma_wait3A_13 = arith.constant 0 : i32
    %dma_wait3A_14 = tpu.memref_slice %arg4[%mul3A_2, %dma_wait3A_13] : memref<32768x1024xf32, #tpu.memory_space<hbm>> -> memref<64x1024xf32, #tpu.memory_space<hbm>>
    tpu.wait_dma2 semaphore(%arg8 : memref<!tpu.dma_semaphore, #tpu.memory_space<semaphore_mem>>) src(%dma_wait3A_14 : memref<64x1024xf32, #tpu.memory_space<hbm>>) dst(%arg7 : memref<64x1024xf32, #tpu.memory_space<vmem>>)
    %dma_wait3A_15 = arith.constant 0 : i32
    %dma_wait3A_16 = tpu.memref_slice %arg4[%mul3A_2, %dma_wait3A_15] : memref<32768x1024xf32, #tpu.memory_space<hbm>> -> memref<64x1024xf32, #tpu.memory_space<hbm>>
    %dma_wait3A_17 = arith.constant 0 : i32
    %dma_wait3A_18 = tpu.memref_slice %arg4[%mul3A_2, %dma_wait3A_17] : memref<32768x1024xf32, #tpu.memory_space<hbm>> -> memref<64x1024xf32, #tpu.memory_space<hbm>>
    tpu.wait_dma2 semaphore(%arg8 : memref<!tpu.dma_semaphore, #tpu.memory_space<semaphore_mem>>) src(%dma_wait3A_18 : memref<64x1024xf32, #tpu.memory_space<hbm>>) dst(%arg7 : memref<64x1024xf32, #tpu.memory_space<vmem>>)
    return
  }
}

</mosaic_0001>

<sc_bundles>
// kernel: _run.3.cloned.1.call-start
scs
__scs_entry_jumppad:
0x0: {  	(pc) =	sbr.rel $0x88, $3  }
0x1: {  	(tag) =	ssettag $0x0;
	lr =	simm.s32 $0x1  }
0x2: {  	[smem:$0x3F9F] =	sst lr;
	_ =	strace $0xD0000000  }
0x3: {  	_ = 	snop  }
0x4: {  	_ = 	snop  }
0x5: {  	_ = 	snop  }
0x6: {  	_ = 	snop  }
0x7: {  	_ = 	snop  }
__scs_overlays_trampoline_lowered:
0x8: {  	[smem:$0x3FAE] =	sst s0  }
0x9: {  	[smem:$0x3FAF] =	sst s1  }
0xa: {  	[smem:$0x3FB0] =	sst s2  }
0xb: {  	[smem:$0x3FB1] =	sst s3  }
0xc: {  	[smem:$0x3FB2] =	sst s4  }
0xd: {  	[smem:$0x3FB3] =	sst s5  }
0xe: {  	[smem:$0x3FB4] =	sst s6  }
0xf: {  	[smem:$0x3FB5] =	sst s7  }
0x10: {  	[smem:$0x3FB6] =	sst s8  }
0x11: {  	[smem:$0x3FB7] =	sst s9;
	s0 =	simm.s32 @!p0 $0x0  }
0x12: {  	s1 =	sld [smem:$0x3F9D];
	s0 =	simm.s32 @p0 $0x1  }
0x13: {  	[smem:$0x3FB8] =	sst s0;
	s0 =	simm.s32 @!p1 $0x0  }
0x14: {  	s2 =	sld [smem:$0x3F9C];
	s0 =	simm.s32 @p1 $0x1  }
0x15: {  	[smem:$0x3FB9] =	sst s0;
	s0 =	simm.s32 @!p2 $0x0  }
0x16: {  	s3 =	sld [smem:$0x3FDB];
	s0 =	simm.s32 @p2 $0x1  }
0x17: {  	s4 =	simm.s32 $0x1BF5;
	[smem:$0x3FBB] =	sst s0  }
0x18: {  	s0 =	sld [smem:$0x3F9E];
	_ =	swait.ge [sflag:s4], $0x0  }
0x19: {  	s7 =	sld [smem:$0x3F9F]  }
0x1a: {  	s8 =	sadd.s32 $0xFFFFE003, lr  }
0x1b: {  	s9 =	sadd.s32 $0xFFFFFEF7, lr;
	s5 =	simm.s32 $0xFFFFFFFF;
	p2 =	slt.u32 s8, $0xFFFFF086  }
0x1c: {  	p1 =	slt.u32 s9, $0xF7A;
	s5 =	simm.s32 @!p2 $0x0  }
0x1d: {  	s5 =	simm.s32 @p1 $0x1;
	p0 =	seq.s32 s7, s2  }
0x1e: {  	s7 =	smul.u32 @!p0 $0xF7A, s2;
	p2 =	seq.s32 @!p0 s5, $0x0  }
0x1f: {  	s9 =	smul.u32 $0xF7A, s1;
	s8 =	simm.s32 @!p0 $0x1BF5;
	p2 =	por !p2, p0  }
0x20: {  	[sflag:s8] =	ssyncset.s32 @!p0 $0xFFFFF086;
	s6 =	sadd.s32 @!p0 s3, s7;
	s7 =	simm.s32 @!p0 $0x108  }
0x21: {  	s3 =	sadd.s32 s3, s9;
	s6 =	sadd.s32 @!p0 $0x88, s6;
	s7 =	simm.s32 @p2 $0x1082  }
0x22: {  	[simem:s7], [sflag:s8] =	dma.local @!p0 [hbm:s6], $0xF7A  }
0x23: {  	s9 =	sor.u32 $0xD0000000, s2;
	s6 =	simm.s32 $0x108;
	_ =	swait.ge @!p0 [sflag:s8], $0x0  }
0x24: {  	s3 =	sadd.s32 $0x88, s3;
	s6 =	simm.s32 @!p1 $0x1082;
	[sflag:s4] =	ssyncset.s32 $0xFFFFF086  }
0x25: {  	[simem:s6], [sflag:s4] =	dma.local [hbm:s3], $0xF7A  }
0x26: {  	[smem:$0x3F9F] =	sst s1;
	(tag) =	ssettag s2;
	_ =	strace s9  }
0x27: {  	s1 =	sld [smem:$0x3FAF]  }
0x28: {  	s2 =	sld [smem:$0x3FB0]  }
0x29: {  	s4 =	sld [smem:$0x3FB2]  }
0x2a: {  	p0 =	seq.s32 s5, $0x0;
	s5 =	sld [smem:$0x3FB3]  }
0x2b: {  	s6 =	sld [smem:$0x3FB4]  }
0x2c: {  	s7 =	sld [smem:$0x3FB5]  }
0x2d: {  	s3 =	simm.s32 $0x108;
	s8 =	sld [smem:$0x3FB6]  }
0x2e: {  	s3 =	simm.s32 @!p0 $0x1082;
	s9 =	sld [smem:$0x3FB7]  }
0x2f: {  	lr =	sadd.s32 s0, s3;
	s0 =	sld [smem:$0x3FAE]  }
0x30: {  	s3 =	sld [smem:$0x3FB1]  }
0x31: {  	[smem:$0x3FBA] =	sst s10  }
0x32: {  	s10 =	sld [smem:$0x3FB8];
	_ =	sdelay $0x3  }
0x33: {  	p0 =	seq.s32 s10, $0x1;
	s10 =	sld [smem:$0x3FBA];
	_ =	sdelay $0x3  }
0x34: {  	[smem:$0x3FBA] =	sst s10  }
0x35: {  	s10 =	sld [smem:$0x3FB9];
	_ =	sdelay $0x3  }
0x36: {  	p1 =	seq.s32 s10, $0x1;
	s10 =	sld [smem:$0x3FBA];
	_ =	sdelay $0x3  }
0x37: {  	[smem:$0x3FBA] =	sst s10  }
0x38: {  	s10 =	sld [smem:$0x3FBB]  }
0x39: {  	_ = 	snop;
	(pc) =	sbr.ind lr, $3  }
0x3a: {  	_ = 	snop  }
0x3b: {  	_ = 	snop  }
0x3c: {  	p2 =	seq.s32 s10, $0x1;
	s10 =	sld [smem:$0x3FBA]  }
0x3d: {  	_ =	shalt  }
0x3e: {  	_ =	shalt  }
0x3f: {  	_ =	shalt  }
0x40: {  	_ =	shalt  }
0x41: {  	_ =	shalt  }
0x42: {  	_ =	shalt  }
0x43: {  	_ =	shalt  }
0x44: {  	_ =	shalt  }
0x45: {  	_ =	shalt  }
0x46: {  	_ =	shalt  }
0x47: {  	_ =	shalt  }
0x48: {  	_ =	shalt  }
0x49: {  	_ =	shalt  }
0x4a: {  	_ =	shalt  }
0x4b: {  	_ =	shalt  }
0x4c: {  	_ =	shalt  }
0x4d: {  	_ =	shalt  }
0x4e: {  	_ =	shalt  }
0x4f: {  	_ =	shalt  }
0x50: {  	_ =	shalt  }
0x51: {  	_ =	shalt  }
0x52: {  	_ =	shalt  }
0x53: {  	_ =	shalt  }
0x54: {  	_ =	shalt  }
0x55: {  	_ =	shalt  }
0x56: {  	_ =	shalt  }
0x57: {  	_ =	shalt  }
0x58: {  	_ =	shalt  }
0x59: {  	_ =	shalt  }
0x5a: {  	_ =	shalt  }
0x5b: {  	_ =	shalt  }
0x5c: {  	_ =	shalt  }
0x5d: {  	_ =	shalt  }
0x5e: {  	_ =	shalt  }
0x5f: {  	_ =	shalt  }
0x60: {  	_ =	shalt  }
0x61: {  	_ =	shalt  }
0x62: {  	_ =	shalt  }
0x63: {  	_ =	shalt  }
0x64: {  	_ =	shalt  }
0x65: {  	_ =	shalt  }
0x66: {  	_ =	shalt  }
0x67: {  	_ =	shalt  }
0x68: {  	_ =	shalt  }
0x69: {  	_ =	shalt  }
0x6a: {  	_ =	shalt  }
0x6b: {  	_ =	shalt  }
0x6c: {  	_ =	shalt  }
0x6d: {  	_ =	shalt  }
0x6e: {  	_ =	shalt  }
0x6f: {  	_ =	shalt  }
0x70: {  	_ =	shalt  }
0x71: {  	_ =	shalt  }
0x72: {  	_ =	shalt  }
0x73: {  	_ =	shalt  }
0x74: {  	_ =	shalt  }
0x75: {  	_ =	shalt  }
0x76: {  	_ =	shalt  }
0x77: {  	_ =	shalt  }
0x78: {  	_ =	shalt  }
0x79: {  	_ =	shalt  }
0x7a: {  	_ =	shalt  }
0x7b: {  	_ =	shalt  }
0x7c: {  	_ =	shalt  }
0x7d: {  	_ =	shalt  }
0x7e: {  	_ =	shalt  }
0x7f: {  	_ =	shalt  }
0x80: {  	_ =	shalt  }
0x81: {  	_ =	shalt  }
0x82: {  	_ =	shalt  }
0x83: {  	_ =	shalt  }
0x84: {  	_ =	shalt  }
0x85: {  	_ =	shalt  }
0x86: {  	_ =	shalt  }
0x87: {  	_ =	shalt  }
.Lfunc_end0:
.L_simem_size_0:
called_computation_lowered:
.L_overlay_start_0:
0x88: {  	s2 =	sld [smem:$0x3FD9]  }
0x89: {  	s3 =	sld [smem:$0x3FFE];
	_ =	sdelay $0x1  }
0x8a: {  	s1 =	srdreg.scid  }
0x8b: {  	s0 =	sand.u32 $0x1, s1  }
0x8c: {  	s18 =	sshll.u32 s0, $0xA;
	s2 =	sadd.s32 s3, s2  }
0x8d: {  	s2 =	sadd.s32 s2, s18  }
0x8e: {  	[smem:$0x3FC6] =	sst s2  }
0x8f: {  	_ = 	snop  }
0x90: {  	s2 =	sld [smem:$0x3FC9]  }
0x91: {  	s19 =	sld [smem:$0x3FC8]  }
0x92: {  	s4 =	sld [smem:$0x3FD0];
	(tm) =	ssettm $0x1  }
0x93: {  	s5 =	sld [smem:$0x3FFB];
	_ =	sdelay $0x3  }
0x94: {  	_ =	strace s5  }
0x95: {  	s5 =	sld [smem:$0x3FFC];
	_ =	sdelay $0x3  }
0x96: {  	_ =	strace s5  }
0x97: {  	s5 =	sld [smem:$0x3FFD];
	_ =	sdelay $0x3  }
0x98: {  	_ =	strace s5  }
0x99: {  	_ =	strace $0x8FFFFFFF  }
0x9a: {  	s20 =	sld [smem:$0x3FDB];
	_ =	sdelay $0x1  }
0x9b: {  	s6 =	simm.s32 $_scs_section_size  }
0x9c: {  	s7 =	simm.s32 $_size__tile_overlayer_lowered;
	s8 =	simm.s32 $_tile_overlayer_lowered  }
0x9d: {  	s23 =	simm.s32 $0x1BFF;
	s22 =	sshll.u32 s8, $0x1;
	s5 =	sadd.s32 s6, s20  }
0x9e: {  	s9 =	simm.s32 $0x0;
	s21 =	sshll.u32 s7, $0x1;
	s7 =	sadd.s32 s22, s5  }
0x9f: {  	[timem:s9], [sflag:s23] =	dma.local [hbm:s7], s21  }
0xa0: {  	_ =	swait.ge [sflag:s23], s21  }
0xa1: {  	s6 =	ssub.s32 $0x0, s21;
	[sflag:s23] =	ssyncset.done $0x0  }
0xa2: {  	[sflag:s23] =	ssyncadd.s32 s6;
	_ =	sdelay $0x1  }
0xa3: {  	s24 =	simm.s32 $0x1B8B  }
0xa4: {  	_ =	swait.ge [sflag:s24], $0x1  }
0xa5: {  	[sflag:s24] =	ssyncset.done $0x0  }
0xa6: {  	s25 =	simm.s32 $0x1B8E;
	[sflag:s24] =	ssyncadd.s32 $0xFFFFFFFF  }
0xa7: {  	s26 =	simm.s32 $execute0_lowered;
	[smem:$0x3FD2] =	sst s25  }
0xa8: {  	s6 =	sshll.u32 s26, $0x1;
	_ =	strace $0x80000046;
	[dreg:$0x1] =	wrdreg $0xFFFFFFFF  }
0xa9: {  	s28 =	simm.s32 $_size_execute0_lowered;
	s5 =	sadd.s32 s5, s6;
	[dreg:$0x0] =	wrdreg $0x0  }
0xaa: {  	s6 =	sshll.u32 s28, $0x1;
	[dreg:$0x2] =	wrdreg s5  }
0xab: {  	[dreg:$0x3] =	wrdreg s6  }
0xac: {  	[dreg:$0x4] =	wrdreg $0xC0  }
0xad: {  	_ =	task [dreg:s9], $0x5FFFF  }
0xae: {  	[dreg:$0x1] =	wrdreg $0xFFFFFFFF  }
0xaf: {  	[dreg:$0x0] =	wrdreg $0x60  }
0xb0: {  	[dreg:$0x2] =	wrdreg s2  }
0xb1: {  	[dreg:$0x3] =	wrdreg s19  }
0xb2: {  	[dreg:$0x4] =	wrdreg s4  }
0xb3: {  	[dreg:$0x5] =	wrdreg $0x9  }
0xb4: {  	_ =	task.clear_ibuf [dreg:s9], $0x6FFFF;
	_ =	strace $0x90000046  }
0xb5: {  	s29 =	simm.s32 $0x9;
	_ =	strace $0x80000048  }
0xb6: {  	_ =	swait.ge [sflag:s29], $0x1  }
0xb7: {  	[sflag:s29] =	ssyncadd.s32 $0xFFFFFFFF  }
0xb8: {  	_ =	strace $0x90000048  }
0xb9: {  	_ =	sfence  }
0xba: {  	s30 =	sld [smem:$0x0];
	_ =	sdelay $0x2  }
0xbb: {  	s31 =	sshll.u32 s1, $0xD;
	s1 =	sshrl.u32 s1, $0x2  }
0xbc: {  	s3 =	sand.u32 $0x4000, s31;
	s1 =	sadd.s32 s1, s30  }
0xbd: {  	s0 =	sor.u32 s3, s0;
	s1 =	sshll.u32 s1, $0x11  }
0xbe: {  	s0 =	sor.u32 s1, s0  }
0xbf: {  	s0 =	sadd.s32 $0x8F2B, s0  }
0xc0: {  	[sflag:s0] =	ssyncadd.remote.s32 $0x1  }
0xc1: {  	_ =	sfence.sel $0xFFFF  }
0xc2: {  	[dreg:$0x0] =	wrdreg $0xFFFFFFFF;
	(pc) =	sbr.abs _section_cstart, $3  }
0xc3: {  	[dreg:$0x1] =	wrdreg $0xFFFFFFFF  }
0xc4: {  	_ =	task.clear_ibuf [dreg:s9], $0x2FFFF;
	_ =	strace $0x9FFFFFFF  }
0xc5: {  	(tm) =	ssettm $0x7FFFFFFF  }
tec
execute0_lowered:
.L_overlay_start_1:
0x0: {  	(tag) =	ssettag $0x1  }
0x1: {  	s4 =	rddreg [dreg:$0x0]  }
0x2: {  	s1 =	rddreg [dreg:$0x1]  }
0x3: {  	s5 =	rddreg [dreg:$0x2]  }
0x4: {  	s0 =	rddreg [dreg:$0x3]  }
0x5: {  	s3 =	simm.s32 $0x0;
	s6 =	srdreg.scid;
	s2 =	stileid.u32  }
0x6: {  	[smem:$0x7FF] =	sst s3;
	s6 =	sand.u32 $0x1, s6;
	s7 =	sshll.u32 s2, $0xB  }
0x7: {  	s9 =	sshll.u32 s2, $0x12;
	_ =	strace $0x80000047;
	s8 =	sshll.u32 s6, $0xA  }
0x8: {  	s30 =	ssub.s32 $0x2, s6;
	s5 =	sadd.s32 s9, s5;
	s6 =	sshll.u32 s6, $0x11  }
0x9: {  	s9 =	simm.s32 $0x0;
	s7 =	sor.u32 s8, s7;
	s31 =	sshrl.u32 s30, $0x1  }
0xa: {  	s6 =	sadd.s32 s6, s5;
	s7 =	sshrl.u32 s7, $0x3;
	s8 =	ssub.s32 s30, s31  }
0xb: {  	[dreg:$0x4] =	wrdreg s6;
	s6 =	simm.s32 $0x400;
	s4 =	sadd.s32 s4, s7  }
0xc: {  	s5 =	smax.u32 s8, $0x1;
	s7 =	simm.s32 $0x2;
	s8 =	simm.s32 $0x1  }
.LBB2_1:
0xd: {  	[tilespmem:s6], [sflag:$0x2] =	stream.linear.gather [hbm4b:s1+s3], $0x800, $0x38;
	[tilespmem:$0xC00] =	vst v63  }
0xe: {  	_ =	swait.ge [sflag:s7], $0x800  }
0xf: {  	[sflag:s7] =	ssyncset.done $0x0  }
0x10: {  	[sflag:s7] =	ssyncadd.s32 $0xFFFFF800  }
0x11: {  	[tilespmem:s3], [sflag:$0x2] =	stream.linear.gather [hbm4b:s4+s3], $0x400, $0x38;
	[tilespmem:$0xC00] =	vst v63  }
0x12: {  	_ =	swait.ge [sflag:s7], $0x400  }
0x13: {  	s10 =	simm.s32 $0x20;
	[sflag:s7] =	ssyncset.done $0x0  }
0x14: {  	s11 =	simm.s32 $0x0;
	s12 =	simm.s32 $0x0;
	[sflag:s7] =	ssyncadd.s32 $0xFFFFFC00  }
.LBB2_2:
0x15: {  	v0 =	vld [tilespmem:s10+$0xFFFFFFE0];
	_ =	sdelay $0x4  }
0x16: {  	(v2sf) =	vpush v0, $0x0;
	_ =	sdelay $0xe  }
0x17: {  	s13 =	spop (v2sf)  }
0x18: {  	(v2sf) =	vpush v0, $0x1;
	s14 =	sshll.u32 s13, $0x7  }
0x19: {  	s13 =	sshll.u32 s13, $0xA;
	s14 =	sand.u32 $0x80, s14  }
0x1a: {  	s15 =	rddreg [dreg:$0x4];
	s14 =	sor.u32 s14, s13  }
0x1b: {  	s13 =	sadd.s32 s11, s15;
	s16 =	sor.u32 $0x400, s14  }
0x1c: {  	[hbm4b:s13+s3] =	stream.linear.scatter [tilespmem:s16], [sflag:$0x1], $0x80, $0x38;
	[tilespmem:$0xC00] =	vst v63  }
0x1d: {  	s19 =	sor.u32 $0x500, s14;
	s17 =	sadd.s32 $0x80, s13  }
0x1e: {  	[hbm4b:s17+s3] =	stream.linear.scatter [tilespmem:s19], [sflag:$0x1], $0x80, $0x38;
	[tilespmem:$0xC00] =	vst v63  }
0x1f: {  	s20 =	sor.u32 $0x600, s14;
	s21 =	sadd.s32 $0x100, s13  }
0x20: {  	[hbm4b:s21+s3] =	stream.linear.scatter [tilespmem:s20], [sflag:$0x1], $0x80, $0x38;
	[tilespmem:$0xC00] =	vst v63  }
0x21: {  	s14 =	sor.u32 $0x700, s14;
	s22 =	sadd.s32 $0x180, s13  }
0x22: {  	[hbm4b:s22+s3] =	stream.linear.scatter [tilespmem:s14], [sflag:$0x1], $0x80, $0x38;
	[tilespmem:$0xC00] =	vst v63  }
0x23: {  	s24 =	sadd.s32 $0x200, s13;
	s23 =	sadd.s32 $0x400, s16  }
0x24: {  	[hbm4b:s24+s3] =	stream.linear.scatter [tilespmem:s23], [sflag:$0x1], $0x80, $0x38;
	[tilespmem:$0xC00] =	vst v63  }
0x25: {  	s26 =	sadd.s32 $0x280, s13;
	s25 =	sadd.s32 $0x500, s16  }
0x26: {  	[hbm4b:s26+s3] =	stream.linear.scatter [tilespmem:s25], [sflag:$0x1], $0x80, $0x38;
	[tilespmem:$0xC00] =	vst v63  }
0x27: {  	s29 =	sadd.s32 $0x300, s13;
	s15 =	spop (v2sf)  }
0x28: {  	s28 =	sadd.s32 $0x600, s16;
	s30 =	sadd.s32 $0x700, s16;
	(v2sf) =	vpush v0, $0x2;
	s16 =	sshll.u32 s15, $0x7  }
0x29: {  	[hbm4b:s29+s3] =	stream.linear.scatter [tilespmem:s28], [sflag:$0x1], $0x80, $0x38;
	[tilespmem:$0xC00] =	vst v63  }
0x2a: {  	s14 =	sshll.u32 s15, $0xA;
	s15 =	sand.u32 $0x80, s16  }
0x2b: {  	s31 =	sadd.s32 $0x380, s13;
	s14 =	sor.u32 s15, s14  }
0x2c: {  	[hbm4b:s31+s3] =	stream.linear.scatter [tilespmem:s30], [sflag:$0x1], $0x80, $0x38;
	[tilespmem:$0xC00] =	vst v63  }
0x2d: {  	s17 =	sadd.s32 $0x10, s13;
	s15 =	sor.u32 $0x400, s14  }
0x2e: {  	[hbm4b:s17+s3] =	stream.linear.scatter [tilespmem:s15], [sflag:$0x1], $0x80, $0x38;
	[tilespmem:$0xC00] =	vst v63  }
0x2f: {  	s19 =	sadd.s32 $0x90, s13;
	s18 =	sor.u32 $0x500, s14  }
0x30: {  	[hbm4b:s19+s3] =	stream.linear.scatter [tilespmem:s18], [sflag:$0x1], $0x80, $0x38;
	[tilespmem:$0xC00] =	vst v63  }
0x31: {  	s21 =	sadd.s32 $0x110, s13;
	s20 =	sor.u32 $0x600, s14  }
0x32: {  	[hbm4b:s21+s3] =	stream.linear.scatter [tilespmem:s20], [sflag:$0x1], $0x80, $0x38;
	[tilespmem:$0xC00] =	vst v63  }
0x33: {  	s22 =	sadd.s32 $0x190, s13;
	s24 =	sadd.s32 $0x210, s13;
	s14 =	sor.u32 $0x700, s14  }
0x34: {  	[hbm4b:s22+s3] =	stream.linear.scatter [tilespmem:s14], [sflag:$0x1], $0x80, $0x38;
	[tilespmem:$0xC00] =	vst v63  }
0x35: {  	s26 =	sadd.s32 $0x290, s13;
	s23 =	sadd.s32 $0x400, s15;
	s25 =	sadd.s32 $0x500, s15  }
0x36: {  	[hbm4b:s24+s3] =	stream.linear.scatter [tilespmem:s23], [sflag:$0x1], $0x80, $0x38;
	[tilespmem:$0xC00] =	vst v63  }
0x37: {  	s28 =	sadd.s32 $0x600, s15;
	s30 =	sadd.s32 $0x700, s15;
	s15 =	spop (v2sf)  }
0x38: {  	[hbm4b:s26+s3] =	stream.linear.scatter [tilespmem:s25], [sflag:$0x1], $0x80, $0x38;
	[tilespmem:$0xC00] =	vst v63  }
0x39: {  	(v2sf) =	vpush v0, $0x3;
	s16 =	sshll.u32 s15, $0x7  }
0x3a: {  	s29 =	sadd.s32 $0x310, s13;
	s14 =	sshll.u32 s15, $0xA;
	s15 =	sand.u32 $0x80, s16  }
0x3b: {  	[hbm4b:s29+s3] =	stream.linear.scatter [tilespmem:s28], [sflag:$0x1], $0x80, $0x38;
	[tilespmem:$0xC00] =	vst v63  }
0x3c: {  	s31 =	sadd.s32 $0x390, s13;
	s14 =	sor.u32 s15, s14  }
0x3d: {  	[hbm4b:s31+s3] =	stream.linear.scatter [tilespmem:s30], [sflag:$0x1], $0x80, $0x38;
	[tilespmem:$0xC00] =	vst v63  }
0x3e: {  	s17 =	sadd.s32 $0x20, s13;
	s15 =	sor.u32 $0x400, s14  }
0x3f: {  	[hbm4b:s17+s3] =	stream.linear.scatter [tilespmem:s15], [sflag:$0x1], $0x80, $0x38;
	[tilespmem:$0xC00] =	vst v63  }
0x40: {  	s19 =	sadd.s32 $0xA0, s13;
	s18 =	sor.u32 $0x500, s14  }
0x41: {  	[hbm4b:s19+s3] =	stream.linear.scatter [tilespmem:s18], [sflag:$0x1], $0x80, $0x38;
	[tilespmem:$0xC00] =	vst v63  }
0x42: {  	s21 =	sadd.s32 $0x120, s13;
	s20 =	sor.u32 $0x600, s14  }
0x43: {  	[hbm4b:s21+s3] =	stream.linear.scatter [tilespmem:s20], [sflag:$0x1], $0x80, $0x38;
	[tilespmem:$0xC00] =	vst v63  }
0x44: {  	s22 =	sadd.s32 $0x1A0, s13;
	s14 =	sor.u32 $0x700, s14  }
0x45: {  	[hbm4b:s22+s3] =	stream.linear.scatter [tilespmem:s14], [sflag:$0x1], $0x80, $0x38;
	[tilespmem:$0xC00] =	vst v63  }
0x46: {  	s24 =	sadd.s32 $0x220, s13;
	s23 =	sadd.s32 $0x400, s15;
	s25 =	sadd.s32 $0x500, s15  }
0x47: {  	[hbm4b:s24+s3] =	stream.linear.scatter [tilespmem:s23], [sflag:$0x1], $0x80, $0x38;
	[tilespmem:$0xC00] =	vst v63  }
0x48: {  	s28 =	sadd.s32 $0x600, s15;
	s30 =	sadd.s32 $0x700, s15;
	s15 =	spop (v2sf);
	(v2sf) =	vpush v0, $0x4  }
0x49: {  	s26 =	sadd.s32 $0x2A0, s13;
	s16 =	sshll.u32 s15, $0x7  }
0x4a: {  	[hbm4b:s26+s3] =	stream.linear.scatter [tilespmem:s25], [sflag:$0x1], $0x80, $0x38;
	[tilespmem:$0xC00] =	vst v63  }
0x4b: {  	s29 =	sadd.s32 $0x320, s13;
	s14 =	sshll.u32 s15, $0xA;
	s15 =	sand.u32 $0x80, s16  }
0x4c: {  	[hbm4b:s29+s3] =	stream.linear.scatter [tilespmem:s28], [sflag:$0x1], $0x80, $0x38;
	[tilespmem:$0xC00] =	vst v63  }
0x4d: {  	s31 =	sadd.s32 $0x3A0, s13;
	s14 =	sor.u32 s15, s14  }
0x4e: {  	[hbm4b:s31+s3] =	stream.linear.scatter [tilespmem:s30], [sflag:$0x1], $0x80, $0x38;
	[tilespmem:$0xC00] =	vst v63  }
0x4f: {  	s17 =	sadd.s32 $0x30, s13;
	s15 =	sor.u32 $0x400, s14  }
0x50: {  	[hbm4b:s17+s3] =	stream.linear.scatter [tilespmem:s15], [sflag:$0x1], $0x80, $0x38;
	[tilespmem:$0xC00] =	vst v63  }
0x51: {  	s19 =	sadd.s32 $0xB0, s13;
	s21 =	sadd.s32 $0x130, s13;
	s18 =	sor.u32 $0x500, s14  }
0x52: {  	[hbm4b:s19+s3] =	stream.linear.scatter [tilespmem:s18], [sflag:$0x1], $0x80, $0x38;
	[tilespmem:$0xC00] =	vst v63  }
0x53: {  	s22 =	sadd.s32 $0x1B0, s13;
	s24 =	sadd.s32 $0x230, s13;
	s20 =	sor.u32 $0x600, s14  }
0x54: {  	[hbm4b:s21+s3] =	stream.linear.scatter [tilespmem:s20], [sflag:$0x1], $0x80, $0x38;
	[tilespmem:$0xC00] =	vst v63  }
0x55: {  	s14 =	sor.u32 $0x700, s14;
	s23 =	sadd.s32 $0x400, s15;
	s25 =	sadd.s32 $0x500, s15  }
0x56: {  	[hbm4b:s22+s3] =	stream.linear.scatter [tilespmem:s14], [sflag:$0x1], $0x80, $0x38;
	[tilespmem:$0xC00] =	vst v63  }
0x57: {  	s28 =	sadd.s32 $0x600, s15;
	s30 =	sadd.s32 $0x700, s15;
	s15 =	spop (v2sf)  }
0x58: {  	(v2sf) =	vpush v0, $0x5;
	[hbm4b:s24+s3] =	stream.linear.scatter [tilespmem:s23], [sflag:$0x1], $0x80, $0x38;
	[tilespmem:$0xC00] =	vst v63  }
0x59: {  	s26 =	sadd.s32 $0x2B0, s13;
	s16 =	sshll.u32 s15, $0x7  }
0x5a: {  	[hbm4b:s26+s3] =	stream.linear.scatter [tilespmem:s25], [sflag:$0x1], $0x80, $0x38;
	[tilespmem:$0xC00] =	vst v63  }
0x5b: {  	s29 =	sadd.s32 $0x330, s13;
	s14 =	sshll.u32 s15, $0xA;
	s15 =	sand.u32 $0x80, s16  }
0x5c: {  	[hbm4b:s29+s3] =	stream.linear.scatter [tilespmem:s28], [sflag:$0x1], $0x80, $0x38;
	[tilespmem:$0xC00] =	vst v63  }
0x5d: {  	s31 =	sadd.s32 $0x3B0, s13;
	s14 =	sor.u32 s15, s14  }
0x5e: {  	[hbm4b:s31+s3] =	stream.linear.scatter [tilespmem:s30], [sflag:$0x1], $0x80, $0x38;
	[tilespmem:$0xC00] =	vst v63  }
0x5f: {  	s17 =	sadd.s32 $0x40, s13;
	s15 =	sor.u32 $0x400, s14  }
0x60: {  	[hbm4b:s17+s3] =	stream.linear.scatter [tilespmem:s15], [sflag:$0x1], $0x80, $0x38;
	[tilespmem:$0xC00] =	vst v63  }
0x61: {  	s19 =	sadd.s32 $0xC0, s13;
	s21 =	sadd.s32 $0x140, s13;
	s18 =	sor.u32 $0x500, s14  }
0x62: {  	[hbm4b:s19+s3] =	stream.linear.scatter [tilespmem:s18], [sflag:$0x1], $0x80, $0x38;
	[tilespmem:$0xC00] =	vst v63  }
0x63: {  	s22 =	sadd.s32 $0x1C0, s13;
	s24 =	sadd.s32 $0x240, s13;
	s20 =	sor.u32 $0x600, s14  }
0x64: {  	[hbm4b:s21+s3] =	stream.linear.scatter [tilespmem:s20], [sflag:$0x1], $0x80, $0x38;
	[tilespmem:$0xC00] =	vst v63  }
0x65: {  	s14 =	sor.u32 $0x700, s14;
	s23 =	sadd.s32 $0x400, s15;
	s25 =	sadd.s32 $0x500, s15  }
0x66: {  	[hbm4b:s22+s3] =	stream.linear.scatter [tilespmem:s14], [sflag:$0x1], $0x80, $0x38;
	[tilespmem:$0xC00] =	vst v63  }
0x67: {  	s28 =	sadd.s32 $0x600, s15;
	s30 =	sadd.s32 $0x700, s15;
	s15 =	spop (v2sf)  }
0x68: {  	(v2sf) =	vpush v0, $0x6;
	[hbm4b:s24+s3] =	stream.linear.scatter [tilespmem:s23], [sflag:$0x1], $0x80, $0x38;
	[tilespmem:$0xC00] =	vst v63  }
0x69: {  	s26 =	sadd.s32 $0x2C0, s13;
	s16 =	sshll.u32 s15, $0x7  }
0x6a: {  	[hbm4b:s26+s3] =	stream.linear.scatter [tilespmem:s25], [sflag:$0x1], $0x80, $0x38;
	[tilespmem:$0xC00] =	vst v63  }
0x6b: {  	s29 =	sadd.s32 $0x340, s13;
	s14 =	sshll.u32 s15, $0xA;
	s15 =	sand.u32 $0x80, s16  }
0x6c: {  	[hbm4b:s29+s3] =	stream.linear.scatter [tilespmem:s28], [sflag:$0x1], $0x80, $0x38;
	[tilespmem:$0xC00] =	vst v63  }
0x6d: {  	s31 =	sadd.s32 $0x3C0, s13;
	s14 =	sor.u32 s15, s14  }
0x6e: {  	[hbm4b:s31+s3] =	stream.linear.scatter [tilespmem:s30], [sflag:$0x1], $0x80, $0x38;
	[tilespmem:$0xC00] =	vst v63  }
0x6f: {  	s17 =	sadd.s32 $0x50, s13;
	s15 =	sor.u32 $0x400, s14  }
0x70: {  	[hbm4b:s17+s3] =	stream.linear.scatter [tilespmem:s15], [sflag:$0x1], $0x80, $0x38;
	[tilespmem:$0xC00] =	vst v63  }
0x71: {  	s19 =	sadd.s32 $0xD0, s13;
	s21 =	sadd.s32 $0x150, s13;
	s18 =	sor.u32 $0x500, s14  }
0x72: {  	[hbm4b:s19+s3] =	stream.linear.scatter [tilespmem:s18], [sflag:$0x1], $0x80, $0x38;
	[tilespmem:$0xC00] =	vst v63  }
0x73: {  	s22 =	sadd.s32 $0x1D0, s13;
	s24 =	sadd.s32 $0x250, s13;
	s20 =	sor.u32 $0x600, s14  }
0x74: {  	[hbm4b:s21+s3] =	stream.linear.scatter [tilespmem:s20], [sflag:$0x1], $0x80, $0x38;
	[tilespmem:$0xC00] =	vst v63  }
0x75: {  	s14 =	sor.u32 $0x700, s14;
	s23 =	sadd.s32 $0x400, s15;
	s25 =	sadd.s32 $0x500, s15  }
0x76: {  	[hbm4b:s22+s3] =	stream.linear.scatter [tilespmem:s14], [sflag:$0x1], $0x80, $0x38;
	[tilespmem:$0xC00] =	vst v63  }
0x77: {  	s28 =	sadd.s32 $0x600, s15;
	s30 =	sadd.s32 $0x700, s15;
	s15 =	spop (v2sf)  }
0x78: {  	(v2sf) =	vpush v0, $0x7;
	[hbm4b:s24+s3] =	stream.linear.scatter [tilespmem:s23], [sflag:$0x1], $0x80, $0x38;
	[tilespmem:$0xC00] =	vst v63  }
0x79: {  	s26 =	sadd.s32 $0x2D0, s13;
	s16 =	sshll.u32 s15, $0x7  }
0x7a: {  	[hbm4b:s26+s3] =	stream.linear.scatter [tilespmem:s25], [sflag:$0x1], $0x80, $0x38;
	[tilespmem:$0xC00] =	vst v63  }
0x7b: {  	s29 =	sadd.s32 $0x350, s13;
	s14 =	sshll.u32 s15, $0xA;
	s15 =	sand.u32 $0x80, s16  }
0x7c: {  	[hbm4b:s29+s3] =	stream.linear.scatter [tilespmem:s28], [sflag:$0x1], $0x80, $0x38;
	[tilespmem:$0xC00] =	vst v63  }
0x7d: {  	s31 =	sadd.s32 $0x3D0, s13;
	s14 =	sor.u32 s15, s14  }
0x7e: {  	[hbm4b:s31+s3] =	stream.linear.scatter [tilespmem:s30], [sflag:$0x1], $0x80, $0x38;
	[tilespmem:$0xC00] =	vst v63  }
0x7f: {  	s17 =	sadd.s32 $0x60, s13;
	s15 =	sor.u32 $0x400, s14  }
0x80: {  	[hbm4b:s17+s3] =	stream.linear.scatter [tilespmem:s15], [sflag:$0x1], $0x80, $0x38;
	[tilespmem:$0xC00] =	vst v63  }
0x81: {  	s19 =	sadd.s32 $0xE0, s13;
	s21 =	sadd.s32 $0x160, s13;
	s18 =	sor.u32 $0x500, s14  }
0x82: {  	[hbm4b:s19+s3] =	stream.linear.scatter [tilespmem:s18], [sflag:$0x1], $0x80, $0x38;
	[tilespmem:$0xC00] =	vst v63  }
0x83: {  	s22 =	sadd.s32 $0x1E0, s13;
	s24 =	sadd.s32 $0x260, s13;
	s20 =	sor.u32 $0x600, s14  }
0x84: {  	[hbm4b:s21+s3] =	stream.linear.scatter [tilespmem:s20], [sflag:$0x1], $0x80, $0x38;
	[tilespmem:$0xC00] =	vst v63  }
0x85: {  	s14 =	sor.u32 $0x700, s14;
	s23 =	sadd.s32 $0x400, s15;
	s25 =	sadd.s32 $0x500, s15  }
0x86: {  	[hbm4b:s22+s3] =	stream.linear.scatter [tilespmem:s14], [sflag:$0x1], $0x80, $0x38;
	[tilespmem:$0xC00] =	vst v63  }
0x87: {  	s28 =	sadd.s32 $0x600, s15;
	s30 =	sadd.s32 $0x700, s15;
	s15 =	spop (v2sf)  }
0x88: {  	(v2sf) =	vpush v0, $0x8;
	[hbm4b:s24+s3] =	stream.linear.scatter [tilespmem:s23], [sflag:$0x1], $0x80, $0x38;
	[tilespmem:$0xC00] =	vst v63  }
0x89: {  	s26 =	sadd.s32 $0x2E0, s13;
	s16 =	sshll.u32 s15, $0x7  }
0x8a: {  	[hbm4b:s26+s3] =	stream.linear.scatter [tilespmem:s25], [sflag:$0x1], $0x80, $0x38;
	[tilespmem:$0xC00] =	vst v63  }
0x8b: {  	s29 =	sadd.s32 $0x360, s13;
	s14 =	sshll.u32 s15, $0xA;
	s15 =	sand.u32 $0x80, s16  }
0x8c: {  	[hbm4b:s29+s3] =	stream.linear.scatter [tilespmem:s28], [sflag:$0x1], $0x80, $0x38;
	[tilespmem:$0xC00] =	vst v63  }
0x8d: {  	s31 =	sadd.s32 $0x3E0, s13;
	s14 =	sor.u32 s15, s14  }
0x8e: {  	[hbm4b:s31+s3] =	stream.linear.scatter [tilespmem:s30], [sflag:$0x1], $0x80, $0x38;
	[tilespmem:$0xC00] =	vst v63  }
0x8f: {  	s17 =	sadd.s32 $0x70, s13;
	s15 =	sor.u32 $0x400, s14  }
0x90: {  	[hbm4b:s17+s3] =	stream.linear.scatter [tilespmem:s15], [sflag:$0x1], $0x80, $0x38;
	[tilespmem:$0xC00] =	vst v63  }
0x91: {  	s19 =	sadd.s32 $0xF0, s13;
	s21 =	sadd.s32 $0x170, s13;
	s18 =	sor.u32 $0x500, s14  }
0x92: {  	[hbm4b:s19+s3] =	stream.linear.scatter [tilespmem:s18], [sflag:$0x1], $0x80, $0x38;
	[tilespmem:$0xC00] =	vst v63  }
0x93: {  	s22 =	sadd.s32 $0x1F0, s13;
	s20 =	sor.u32 $0x600, s14;
	s14 =	sor.u32 $0x700, s14  }
0x94: {  	[hbm4b:s21+s3] =	stream.linear.scatter [tilespmem:s20], [sflag:$0x1], $0x80, $0x38;
	[tilespmem:$0xC00] =	vst v63  }
0x95: {  	s24 =	sadd.s32 $0x270, s13;
	s23 =	sadd.s32 $0x400, s15;
	s25 =	sadd.s32 $0x500, s15  }
0x96: {  	[hbm4b:s22+s3] =	stream.linear.scatter [tilespmem:s14], [sflag:$0x1], $0x80, $0x38;
	[tilespmem:$0xC00] =	vst v63  }
0x97: {  	s28 =	sadd.s32 $0x600, s15;
	s30 =	sadd.s32 $0x700, s15;
	s15 =	spop (v2sf)  }
0x98: {  	(v2sf) =	vpush v0, $0x9;
	[hbm4b:s24+s3] =	stream.linear.scatter [tilespmem:s23], [sflag:$0x1], $0x80, $0x38;
	[tilespmem:$0xC00] =	vst v63  }
0x99: {  	s26 =	sadd.s32 $0x2F0, s13;
	s16 =	sshll.u32 s15, $0x7  }
0x9a: {  	[hbm4b:s26+s3] =	stream.linear.scatter [tilespmem:s25], [sflag:$0x1], $0x80, $0x38;
	[tilespmem:$0xC00] =	vst v63  }
0x9b: {  	s29 =	sadd.s32 $0x370, s13;
	s14 =	sshll.u32 s15, $0xA;
	s15 =	sand.u32 $0x80, s16  }
0x9c: {  	[hbm4b:s29+s3] =	stream.linear.scatter [tilespmem:s28], [sflag:$0x1], $0x80, $0x38;
	[tilespmem:$0xC00] =	vst v63  }
0x9d: {  	s31 =	sadd.s32 $0x3F0, s13;
	s14 =	sor.u32 s15, s14  }
0x9e: {  	[hbm4b:s31+s3] =	stream.linear.scatter [tilespmem:s30], [sflag:$0x1], $0x80, $0x38;
	[tilespmem:$0xC00] =	vst v63  }
0x9f: {  	s17 =	sadd.s32 $0x400, s13;
	s15 =	sor.u32 $0x400, s14  }
0xa0: {  	[hbm4b:s17+s3] =	stream.linear.scatter [tilespmem:s15], [sflag:$0x1], $0x80, $0x38;
	[tilespmem:$0xC00] =	vst v63  }
0xa1: {  	s19 =	sadd.s32 $0x480, s13;
	s21 =	sadd.s32 $0x500, s13;
	s18 =	sor.u32 $0x500, s14  }
0xa2: {  	[hbm4b:s19+s3] =	stream.linear.scatter [tilespmem:s18], [sflag:$0x1], $0x80, $0x38;
	[tilespmem:$0xC00] =	vst v63  }
0xa3: {  	s22 =	sadd.s32 $0x580, s13;
	s20 =	sor.u32 $0x600, s14;
	s14 =	sor.u32 $0x700, s14  }
0xa4: {  	[hbm4b:s21+s3] =	stream.linear.scatter [tilespmem:s20], [sflag:$0x1], $0x80, $0x38;
	[tilespmem:$0xC00] =	vst v63  }
0xa5: {  	s24 =	sadd.s32 $0x600, s13;
	s23 =	sadd.s32 $0x400, s15;
	s25 =	sadd.s32 $0x500, s15  }
0xa6: {  	[hbm4b:s22+s3] =	stream.linear.scatter [tilespmem:s14], [sflag:$0x1], $0x80, $0x38;
	[tilespmem:$0xC00] =	vst v63  }
0xa7: {  	s28 =	sadd.s32 $0x600, s15;
	s30 =	sadd.s32 $0x700, s15;
	s15 =	spop (v2sf)  }
0xa8: {  	(v2sf) =	vpush v0, $0xA;
	[hbm4b:s24+s3] =	stream.linear.scatter [tilespmem:s23], [sflag:$0x1], $0x80, $0x38;
	[tilespmem:$0xC00] =	vst v63  }
0xa9: {  	s26 =	sadd.s32 $0x680, s13;
	s16 =	sshll.u32 s15, $0x7  }
0xaa: {  	[hbm4b:s26+s3] =	stream.linear.scatter [tilespmem:s25], [sflag:$0x1], $0x80, $0x38;
	[tilespmem:$0xC00] =	vst v63  }
0xab: {  	s29 =	sadd.s32 $0x700, s13;
	s14 =	sshll.u32 s15, $0xA;
	s15 =	sand.u32 $0x80, s16  }
0xac: {  	[hbm4b:s29+s3] =	stream.linear.scatter [tilespmem:s28], [sflag:$0x1], $0x80, $0x38;
	[tilespmem:$0xC00] =	vst v63  }
0xad: {  	s31 =	sadd.s32 $0x780, s13;
	s14 =	sor.u32 s15, s14  }
0xae: {  	[hbm4b:s31+s3] =	stream.linear.scatter [tilespmem:s30], [sflag:$0x1], $0x80, $0x38;
	[tilespmem:$0xC00] =	vst v63  }
0xaf: {  	s17 =	sadd.s32 $0x410, s13;
	s15 =	sor.u32 $0x400, s14  }
0xb0: {  	[hbm4b:s17+s3] =	stream.linear.scatter [tilespmem:s15], [sflag:$0x1], $0x80, $0x38;
	[tilespmem:$0xC00] =	vst v63  }
0xb1: {  	s19 =	sadd.s32 $0x490, s13;
	s21 =	sadd.s32 $0x510, s13;
	s18 =	sor.u32 $0x500, s14  }
0xb2: {  	[hbm4b:s19+s3] =	stream.linear.scatter [tilespmem:s18], [sflag:$0x1], $0x80, $0x38;
	[tilespmem:$0xC00] =	vst v63  }
0xb3: {  	s22 =	sadd.s32 $0x590, s13;
	s20 =	sor.u32 $0x600, s14;
	s14 =	sor.u32 $0x700, s14  }
0xb4: {  	[hbm4b:s21+s3] =	stream.linear.scatter [tilespmem:s20], [sflag:$0x1], $0x80, $0x38;
	[tilespmem:$0xC00] =	vst v63  }
0xb5: {  	s24 =	sadd.s32 $0x610, s13;
	s23 =	sadd.s32 $0x400, s15;
	s25 =	sadd.s32 $0x500, s15  }
0xb6: {  	[hbm4b:s22+s3] =	stream.linear.scatter [tilespmem:s14], [sflag:$0x1], $0x80, $0x38;
	[tilespmem:$0xC00] =	vst v63  }
0xb7: {  	s28 =	sadd.s32 $0x600, s15;
	s30 =	sadd.s32 $0x700, s15;
	s15 =	spop (v2sf)  }
0xb8: {  	(v2sf) =	vpush v0, $0xB;
	[hbm4b:s24+s3] =	stream.linear.scatter [tilespmem:s23], [sflag:$0x1], $0x80, $0x38;
	[tilespmem:$0xC00] =	vst v63  }
0xb9: {  	s26 =	sadd.s32 $0x690, s13;
	s16 =	sshll.u32 s15, $0x7  }
0xba: {  	[hbm4b:s26+s3] =	stream.linear.scatter [tilespmem:s25], [sflag:$0x1], $0x80, $0x38;
	[tilespmem:$0xC00] =	vst v63  }
0xbb: {  	s29 =	sadd.s32 $0x710, s13;
	s14 =	sshll.u32 s15, $0xA;
	s15 =	sand.u32 $0x80, s16  }
0xbc: {  	[hbm4b:s29+s3] =	stream.linear.scatter [tilespmem:s28], [sflag:$0x1], $0x80, $0x38;
	[tilespmem:$0xC00] =	vst v63  }
0xbd: {  	s31 =	sadd.s32 $0x790, s13;
	s14 =	sor.u32 s15, s14  }
0xbe: {  	[hbm4b:s31+s3] =	stream.linear.scatter [tilespmem:s30], [sflag:$0x1], $0x80, $0x38;
	[tilespmem:$0xC00] =	vst v63  }
0xbf: {  	s17 =	sadd.s32 $0x420, s13;
	s15 =	sor.u32 $0x400, s14  }
0xc0: {  	[hbm4b:s17+s3] =	stream.linear.scatter [tilespmem:s15], [sflag:$0x1], $0x80, $0x38;
	[tilespmem:$0xC00] =	vst v63  }
0xc1: {  	s19 =	sadd.s32 $0x4A0, s13;
	s21 =	sadd.s32 $0x520, s13;
	s18 =	sor.u32 $0x500, s14  }
0xc2: {  	[hbm4b:s19+s3] =	stream.linear.scatter [tilespmem:s18], [sflag:$0x1], $0x80, $0x38;
	[tilespmem:$0xC00] =	vst v63  }
0xc3: {  	s22 =	sadd.s32 $0x5A0, s13;
	s20 =	sor.u32 $0x600, s14;
	s14 =	sor.u32 $0x700, s14  }
0xc4: {  	[hbm4b:s21+s3] =	stream.linear.scatter [tilespmem:s20], [sflag:$0x1], $0x80, $0x38;
	[tilespmem:$0xC00] =	vst v63  }
0xc5: {  	s24 =	sadd.s32 $0x620, s13;
	s23 =	sadd.s32 $0x400, s15;
	s25 =	sadd.s32 $0x500, s15  }
0xc6: {  	[hbm4b:s22+s3] =	stream.linear.scatter [tilespmem:s14], [sflag:$0x1], $0x80, $0x38;
	[tilespmem:$0xC00] =	vst v63  }
0xc7: {  	s28 =	sadd.s32 $0x600, s15;
	s30 =	sadd.s32 $0x700, s15;
	s15 =	spop (v2sf)  }
0xc8: {  	(v2sf) =	vpush v0, $0xC;
	[hbm4b:s24+s3] =	stream.linear.scatter [tilespmem:s23], [sflag:$0x1], $0x80, $0x38;
	[tilespmem:$0xC00] =	vst v63  }
0xc9: {  	s26 =	sadd.s32 $0x6A0, s13;
	s16 =	sshll.u32 s15, $0x7  }
0xca: {  	[hbm4b:s26+s3] =	stream.linear.scatter [tilespmem:s25], [sflag:$0x1], $0x80, $0x38;
	[tilespmem:$0xC00] =	vst v63  }
0xcb: {  	s29 =	sadd.s32 $0x720, s13;
	s14 =	sshll.u32 s15, $0xA;
	s15 =	sand.u32 $0x80, s16  }
0xcc: {  	[hbm4b:s29+s3] =	stream.linear.scatter [tilespmem:s28], [sflag:$0x1], $0x80, $0x38;
	[tilespmem:$0xC00] =	vst v63  }
0xcd: {  	s31 =	sadd.s32 $0x7A0, s13;
	s14 =	sor.u32 s15, s14  }
0xce: {  	[hbm4b:s31+s3] =	stream.linear.scatter [tilespmem:s30], [sflag:$0x1], $0x80, $0x38;
	[tilespmem:$0xC00] =	vst v63  }
0xcf: {  	s17 =	sadd.s32 $0x430, s13;
	s15 =	sor.u32 $0x400, s14  }
0xd0: {  	[hbm4b:s17+s3] =	stream.linear.scatter [tilespmem:s15], [sflag:$0x1], $0x80, $0x38;
	[tilespmem:$0xC00] =	vst v63  }
0xd1: {  	s19 =	sadd.s32 $0x4B0, s13;
	s21 =	sadd.s32 $0x530, s13;
	s18 =	sor.u32 $0x500, s14  }
0xd2: {  	[hbm4b:s19+s3] =	stream.linear.scatter [tilespmem:s18], [sflag:$0x1], $0x80, $0x38;
	[tilespmem:$0xC00] =	vst v63  }
0xd3: {  	s22 =	sadd.s32 $0x5B0, s13;
	s20 =	sor.u32 $0x600, s14;
	s14 =	sor.u32 $0x700, s14  }
0xd4: {  	[hbm4b:s21+s3] =	stream.linear.scatter [tilespmem:s20], [sflag:$0x1], $0x80, $0x38;
	[tilespmem:$0xC00] =	vst v63  }
0xd5: {  	s24 =	sadd.s32 $0x630, s13;
	s23 =	sadd.s32 $0x400, s15;
	s25 =	sadd.s32 $0x500, s15  }
0xd6: {  	[hbm4b:s22+s3] =	stream.linear.scatter [tilespmem:s14], [sflag:$0x1], $0x80, $0x38;
	[tilespmem:$0xC00] =	vst v63  }
0xd7: {  	s28 =	sadd.s32 $0x600, s15;
	s30 =	sadd.s32 $0x700, s15;
	s15 =	spop (v2sf)  }
0xd8: {  	(v2sf) =	vpush v0, $0xD;
	[hbm4b:s24+s3] =	stream.linear.scatter [tilespmem:s23], [sflag:$0x1], $0x80, $0x38;
	[tilespmem:$0xC00] =	vst v63  }
0xd9: {  	s26 =	sadd.s32 $0x6B0, s13;
	s16 =	sshll.u32 s15, $0x7  }
0xda: {  	[hbm4b:s26+s3] =	stream.linear.scatter [tilespmem:s25], [sflag:$0x1], $0x80, $0x38;
	[tilespmem:$0xC00] =	vst v63  }
0xdb: {  	s29 =	sadd.s32 $0x730, s13;
	s14 =	sshll.u32 s15, $0xA;
	s15 =	sand.u32 $0x80, s16  }
0xdc: {  	[hbm4b:s29+s3] =	stream.linear.scatter [tilespmem:s28], [sflag:$0x1], $0x80, $0x38;
	[tilespmem:$0xC00] =	vst v63  }
0xdd: {  	s31 =	sadd.s32 $0x7B0, s13;
	s14 =	sor.u32 s15, s14  }
0xde: {  	[hbm4b:s31+s3] =	stream.linear.scatter [tilespmem:s30], [sflag:$0x1], $0x80, $0x38;
	[tilespmem:$0xC00] =	vst v63  }
0xdf: {  	s17 =	sadd.s32 $0x440, s13;
	s15 =	sor.u32 $0x400, s14  }
0xe0: {  	[hbm4b:s17+s3] =	stream.linear.scatter [tilespmem:s15], [sflag:$0x1], $0x80, $0x38;
	[tilespmem:$0xC00] =	vst v63  }
0xe1: {  	s19 =	sadd.s32 $0x4C0, s13;
	s21 =	sadd.s32 $0x540, s13;
	s18 =	sor.u32 $0x500, s14  }
0xe2: {  	[hbm4b:s19+s3] =	stream.linear.scatter [tilespmem:s18], [sflag:$0x1], $0x80, $0x38;
	[tilespmem:$0xC00] =	vst v63  }
0xe3: {  	s22 =	sadd.s32 $0x5C0, s13;
	s20 =	sor.u32 $0x600, s14;
	s14 =	sor.u32 $0x700, s14  }
0xe4: {  	[hbm4b:s21+s3] =	stream.linear.scatter [tilespmem:s20], [sflag:$0x1], $0x80, $0x38;
	[tilespmem:$0xC00] =	vst v63  }
0xe5: {  	s24 =	sadd.s32 $0x640, s13;
	s23 =	sadd.s32 $0x400, s15;
	s25 =	sadd.s32 $0x500, s15  }
0xe6: {  	[hbm4b:s22+s3] =	stream.linear.scatter [tilespmem:s14], [sflag:$0x1], $0x80, $0x38;
	[tilespmem:$0xC00] =	vst v63  }
0xe7: {  	s28 =	sadd.s32 $0x600, s15;
	s30 =	sadd.s32 $0x700, s15;
	s15 =	spop (v2sf)  }
0xe8: {  	(v2sf) =	vpush v0, $0xE;
	[hbm4b:s24+s3] =	stream.linear.scatter [tilespmem:s23], [sflag:$0x1], $0x80, $0x38;
	[tilespmem:$0xC00] =	vst v63  }
0xe9: {  	s26 =	sadd.s32 $0x6C0, s13;
	s16 =	sshll.u32 s15, $0x7  }
0xea: {  	[hbm4b:s26+s3] =	stream.linear.scatter [tilespmem:s25], [sflag:$0x1], $0x80, $0x38;
	[tilespmem:$0xC00] =	vst v63  }
0xeb: {  	s29 =	sadd.s32 $0x740, s13;
	s14 =	sshll.u32 s15, $0xA;
	s15 =	sand.u32 $0x80, s16  }
0xec: {  	[hbm4b:s29+s3] =	stream.linear.scatter [tilespmem:s28], [sflag:$0x1], $0x80, $0x38;
	[tilespmem:$0xC00] =	vst v63  }
0xed: {  	s31 =	sadd.s32 $0x7C0, s13;
	s14 =	sor.u32 s15, s14  }
0xee: {  	[hbm4b:s31+s3] =	stream.linear.scatter [tilespmem:s30], [sflag:$0x1], $0x80, $0x38;
	[tilespmem:$0xC00] =	vst v63  }
0xef: {  	s17 =	sadd.s32 $0x450, s13;
	s15 =	sor.u32 $0x400, s14  }
0xf0: {  	[hbm4b:s17+s3] =	stream.linear.scatter [tilespmem:s15], [sflag:$0x1], $0x80, $0x38;
	[tilespmem:$0xC00] =	vst v63  }
0xf1: {  	s19 =	sadd.s32 $0x4D0, s13;
	s21 =	sadd.s32 $0x550, s13;
	s18 =	sor.u32 $0x500, s14  }
0xf2: {  	[hbm4b:s19+s3] =	stream.linear.scatter [tilespmem:s18], [sflag:$0x1], $0x80, $0x38;
	[tilespmem:$0xC00] =	vst v63  }
0xf3: {  	s22 =	sadd.s32 $0x5D0, s13;
	s20 =	sor.u32 $0x600, s14;
	s14 =	sor.u32 $0x700, s14  }
0xf4: {  	[hbm4b:s21+s3] =	stream.linear.scatter [tilespmem:s20], [sflag:$0x1], $0x80, $0x38;
	[tilespmem:$0xC00] =	vst v63  }
0xf5: {  	s24 =	sadd.s32 $0x650, s13;
	s23 =	sadd.s32 $0x400, s15;
	s25 =	sadd.s32 $0x500, s15  }
0xf6: {  	[hbm4b:s22+s3] =	stream.linear.scatter [tilespmem:s14], [sflag:$0x1], $0x80, $0x38;
	[tilespmem:$0xC00] =	vst v63  }
0xf7: {  	s28 =	sadd.s32 $0x600, s15;
	s30 =	sadd.s32 $0x700, s15;
	s15 =	spop (v2sf)  }
0xf8: {  	[hbm4b:s24+s3] =	stream.linear.scatter [tilespmem:s23], [sflag:$0x1], $0x80, $0x38;
	[tilespmem:$0xC00] =	vst v63  }
0xf9: {  	s26 =	sadd.s32 $0x6D0, s13;
	s16 =	sshll.u32 s15, $0x7  }
0xfa: {  	[hbm4b:s26+s3] =	stream.linear.scatter [tilespmem:s25], [sflag:$0x1], $0x80, $0x38;
	[tilespmem:$0xC00] =	vst v63  }
0xfb: {  	s29 =	sadd.s32 $0x750, s13;
	s14 =	sshll.u32 s15, $0xA;
	s15 =	sand.u32 $0x80, s16  }
0xfc: {  	[hbm4b:s29+s3] =	stream.linear.scatter [tilespmem:s28], [sflag:$0x1], $0x80, $0x38;
	[tilespmem:$0xC00] =	vst v63  }
0xfd: {  	s31 =	sadd.s32 $0x7D0, s13;
	s14 =	sor.u32 s15, s14  }
0xfe: {  	[hbm4b:s31+s3] =	stream.linear.scatter [tilespmem:s30], [sflag:$0x1], $0x80, $0x38;
	[tilespmem:$0xC00] =	vst v63  }
0xff: {  	s17 =	sadd.s32 $0x460, s13;
	s15 =	sor.u32 $0x400, s14  }
0x100: {  	[hbm4b:s17+s3] =	stream.linear.scatter [tilespmem:s15], [sflag:$0x1], $0x80, $0x38;
	[tilespmem:$0xC00] =	vst v63  }
0x101: {  	s19 =	sadd.s32 $0x4E0, s13;
	s18 =	sor.u32 $0x500, s14  }
0x102: {  	[hbm4b:s19+s3] =	stream.linear.scatter [tilespmem:s18], [sflag:$0x1], $0x80, $0x38;
	[tilespmem:$0xC00] =	vst v63  }
0x103: {  	s21 =	sadd.s32 $0x560, s13;
	s20 =	sor.u32 $0x600, s14  }
0x104: {  	[hbm4b:s21+s3] =	stream.linear.scatter [tilespmem:s20], [sflag:$0x1], $0x80, $0x38;
	[tilespmem:$0xC00] =	vst v63  }
0x105: {  	s22 =	sadd.s32 $0x5E0, s13;
	s14 =	sor.u32 $0x700, s14  }
0x106: {  	[hbm4b:s22+s3] =	stream.linear.scatter [tilespmem:s14], [sflag:$0x1], $0x80, $0x38;
	[tilespmem:$0xC00] =	vst v63  }
0x107: {  	(v2sf) =	vpush v0, $0xF;
	_ =	sdelay $0x6  }
0x108: {  	s24 =	sadd.s32 $0x660, s13;
	s23 =	sadd.s32 $0x400, s15  }
0x109: {  	[hbm4b:s24+s3] =	stream.linear.scatter [tilespmem:s23], [sflag:$0x1], $0x80, $0x38;
	[tilespmem:$0xC00] =	vst v63  }
0x10a: {  	s25 =	sadd.s32 $0x500, s15;
	s26 =	sadd.s32 $0x6E0, s13  }
0x10b: {  	[hbm4b:s26+s3] =	stream.linear.scatter [tilespmem:s25], [sflag:$0x1], $0x80, $0x38;
	[tilespmem:$0xC00] =	vst v63  }
0x10c: {  	s28 =	sadd.s32 $0x600, s15;
	s29 =	sadd.s32 $0x760, s13  }
0x10d: {  	[hbm4b:s29+s3] =	stream.linear.scatter [tilespmem:s28], [sflag:$0x1], $0x80, $0x38;
	[tilespmem:$0xC00] =	vst v63  }
0x10e: {  	s30 =	sadd.s32 $0x700, s15;
	s31 =	sadd.s32 $0x7E0, s13  }
0x10f: {  	[hbm4b:s31+s3] =	stream.linear.scatter [tilespmem:s30], [sflag:$0x1], $0x80, $0x38;
	[tilespmem:$0xC00] =	vst v63  }
0x110: {  	s15 =	spop (v2sf)  }
0x111: {  	s16 =	sshll.u32 s15, $0x7  }
0x112: {  	s14 =	sshll.u32 s15, $0xA;
	s15 =	sand.u32 $0x80, s16  }
0x113: {  	s14 =	sor.u32 s15, s14  }
0x114: {  	s17 =	sadd.s32 $0x470, s13;
	s15 =	sor.u32 $0x400, s14  }
0x115: {  	[hbm4b:s17+s3] =	stream.linear.scatter [tilespmem:s15], [sflag:$0x1], $0x80, $0x38;
	[tilespmem:$0xC00] =	vst v63  }
0x116: {  	s19 =	sadd.s32 $0x4F0, s13;
	s18 =	sor.u32 $0x500, s14  }
0x117: {  	[hbm4b:s19+s3] =	stream.linear.scatter [tilespmem:s18], [sflag:$0x1], $0x80, $0x38;
	[tilespmem:$0xC00] =	vst v63  }
0x118: {  	s21 =	sadd.s32 $0x570, s13;
	s20 =	sor.u32 $0x600, s14  }
0x119: {  	[hbm4b:s21+s3] =	stream.linear.scatter [tilespmem:s20], [sflag:$0x1], $0x80, $0x38;
	[tilespmem:$0xC00] =	vst v63  }
0x11a: {  	s22 =	sadd.s32 $0x5F0, s13;
	s14 =	sor.u32 $0x700, s14  }
0x11b: {  	[hbm4b:s22+s3] =	stream.linear.scatter [tilespmem:s14], [sflag:$0x1], $0x80, $0x38;
	[tilespmem:$0xC00] =	vst v63  }
0x11c: {  	s24 =	sadd.s32 $0x670, s13;
	s23 =	sadd.s32 $0x400, s15  }
0x11d: {  	[hbm4b:s24+s3] =	stream.linear.scatter [tilespmem:s23], [sflag:$0x1], $0x80, $0x38;
	[tilespmem:$0xC00] =	vst v63  }
0x11e: {  	s26 =	sadd.s32 $0x6F0, s13;
	s25 =	sadd.s32 $0x500, s15  }
0x11f: {  	[hbm4b:s26+s3] =	stream.linear.scatter [tilespmem:s25], [sflag:$0x1], $0x80, $0x38;
	[tilespmem:$0xC00] =	vst v63  }
0x120: {  	s29 =	sadd.s32 $0x770, s13;
	s28 =	sadd.s32 $0x600, s15  }
0x121: {  	[hbm4b:s29+s3] =	stream.linear.scatter [tilespmem:s28], [sflag:$0x1], $0x80, $0x38;
	[tilespmem:$0xC00] =	vst v63  }
0x122: {  	s31 =	sadd.s32 $0x7F0, s13;
	s30 =	sadd.s32 $0x700, s15  }
0x123: {  	[hbm4b:s31+s3] =	stream.linear.scatter [tilespmem:s30], [sflag:$0x1], $0x80, $0x38;
	[tilespmem:$0xC00] =	vst v63  }
0x124: {  	v61 =	vld [tilespmem:s10+$0xFFFFFFF0];
	_ =	sdelay $0x4  }
0x125: {  	(v2sf) =	vpush v61, $0x0;
	_ =	sdelay $0xe  }
0x126: {  	s15 =	spop (v2sf)  }
0x127: {  	(v2sf) =	vpush v61, $0x1;
	s16 =	sshll.u32 s15, $0x7  }
0x128: {  	s14 =	sshll.u32 s15, $0xA;
	s15 =	sand.u32 $0x80, s16  }
0x129: {  	s14 =	sor.u32 s15, s14  }
0x12a: {  	s17 =	sadd.s32 $0x800, s13;
	s15 =	sor.u32 $0x400, s14  }
0x12b: {  	[hbm4b:s17+s3] =	stream.linear.scatter [tilespmem:s15], [sflag:$0x1], $0x80, $0x38;
	[tilespmem:$0xC00] =	vst v63  }
0x12c: {  	s19 =	sadd.s32 $0x880, s13;
	s18 =	sor.u32 $0x500, s14  }
0x12d: {  	[hbm4b:s19+s3] =	stream.linear.scatter [tilespmem:s18], [sflag:$0x1], $0x80, $0x38;
	[tilespmem:$0xC00] =	vst v63  }
0x12e: {  	s21 =	sadd.s32 $0x900, s13;
	s20 =	sor.u32 $0x600, s14  }
0x12f: {  	[hbm4b:s21+s3] =	stream.linear.scatter [tilespmem:s20], [sflag:$0x1], $0x80, $0x38;
	[tilespmem:$0xC00] =	vst v63  }
0x130: {  	s22 =	sadd.s32 $0x980, s13;
	s14 =	sor.u32 $0x700, s14  }
0x131: {  	[hbm4b:s22+s3] =	stream.linear.scatter [tilespmem:s14], [sflag:$0x1], $0x80, $0x38;
	[tilespmem:$0xC00] =	vst v63  }
0x132: {  	s24 =	sadd.s32 $0xA00, s13;
	s23 =	sadd.s32 $0x400, s15  }
0x133: {  	[hbm4b:s24+s3] =	stream.linear.scatter [tilespmem:s23], [sflag:$0x1], $0x80, $0x38;
	[tilespmem:$0xC00] =	vst v63  }
0x134: {  	s26 =	sadd.s32 $0xA80, s13;
	s25 =	sadd.s32 $0x500, s15  }
0x135: {  	[hbm4b:s26+s3] =	stream.linear.scatter [tilespmem:s25], [sflag:$0x1], $0x80, $0x38;
	[tilespmem:$0xC00] =	vst v63  }
0x136: {  	s28 =	sadd.s32 $0x600, s15;
	s30 =	sadd.s32 $0x700, s15;
	s15 =	spop (v2sf)  }
0x137: {  	s29 =	sadd.s32 $0xB00, s13;
	(v2sf) =	vpush v61, $0x2;
	s16 =	sshll.u32 s15, $0x7  }
0x138: {  	[hbm4b:s29+s3] =	stream.linear.scatter [tilespmem:s28], [sflag:$0x1], $0x80, $0x38;
	[tilespmem:$0xC00] =	vst v63  }
0x139: {  	s14 =	sshll.u32 s15, $0xA;
	s15 =	sand.u32 $0x80, s16  }
0x13a: {  	s31 =	sadd.s32 $0xB80, s13;
	s14 =	sor.u32 s15, s14  }
0x13b: {  	[hbm4b:s31+s3] =	stream.linear.scatter [tilespmem:s30], [sflag:$0x1], $0x80, $0x38;
	[tilespmem:$0xC00] =	vst v63  }
0x13c: {  	s17 =	sadd.s32 $0x810, s13;
	s15 =	sor.u32 $0x400, s14  }
0x13d: {  	[hbm4b:s17+s3] =	stream.linear.scatter [tilespmem:s15], [sflag:$0x1], $0x80, $0x38;
	[tilespmem:$0xC00] =	vst v63  }
0x13e: {  	s19 =	sadd.s32 $0x890, s13;
	s18 =	sor.u32 $0x500, s14  }
0x13f: {  	[hbm4b:s19+s3] =	stream.linear.scatter [tilespmem:s18], [sflag:$0x1], $0x80, $0x38;
	[tilespmem:$0xC00] =	vst v63  }
0x140: {  	s21 =	sadd.s32 $0x910, s13;
	s20 =	sor.u32 $0x600, s14  }
0x141: {  	[hbm4b:s21+s3] =	stream.linear.scatter [tilespmem:s20], [sflag:$0x1], $0x80, $0x38;
	[tilespmem:$0xC00] =	vst v63  }
0x142: {  	s22 =	sadd.s32 $0x990, s13;
	s24 =	sadd.s32 $0xA10, s13;
	s14 =	sor.u32 $0x700, s14  }
0x143: {  	[hbm4b:s22+s3] =	stream.linear.scatter [tilespmem:s14], [sflag:$0x1], $0x80, $0x38;
	[tilespmem:$0xC00] =	vst v63  }
0x144: {  	s26 =	sadd.s32 $0xA90, s13;
	s23 =	sadd.s32 $0x400, s15;
	s25 =	sadd.s32 $0x500, s15  }
0x145: {  	[hbm4b:s24+s3] =	stream.linear.scatter [tilespmem:s23], [sflag:$0x1], $0x80, $0x38;
	[tilespmem:$0xC00] =	vst v63  }
0x146: {  	s28 =	sadd.s32 $0x600, s15;
	s30 =	sadd.s32 $0x700, s15;
	s15 =	spop (v2sf)  }
0x147: {  	[hbm4b:s26+s3] =	stream.linear.scatter [tilespmem:s25], [sflag:$0x1], $0x80, $0x38;
	[tilespmem:$0xC00] =	vst v63  }
0x148: {  	(v2sf) =	vpush v61, $0x3;
	s16 =	sshll.u32 s15, $0x7  }
0x149: {  	s29 =	sadd.s32 $0xB10, s13;
	s14 =	sshll.u32 s15, $0xA;
	s15 =	sand.u32 $0x80, s16  }
0x14a: {  	[hbm4b:s29+s3] =	stream.linear.scatter [tilespmem:s28], [sflag:$0x1], $0x80, $0x38;
	[tilespmem:$0xC00] =	vst v63  }
0x14b: {  	s31 =	sadd.s32 $0xB90, s13;
	s14 =	sor.u32 s15, s14  }
0x14c: {  	[hbm4b:s31+s3] =	stream.linear.scatter [tilespmem:s30], [sflag:$0x1], $0x80, $0x38;
	[tilespmem:$0xC00] =	vst v63  }
0x14d: {  	s17 =	sadd.s32 $0x820, s13;
	s15 =	sor.u32 $0x400, s14  }
0x14e: {  	[hbm4b:s17+s3] =	stream.linear.scatter [tilespmem:s15], [sflag:$0x1], $0x80, $0x38;
	[tilespmem:$0xC00] =	vst v63  }
0x14f: {  	s19 =	sadd.s32 $0x8A0, s13;
	s18 =	sor.u32 $0x500, s14  }
0x150: {  	[hbm4b:s19+s3] =	stream.linear.scatter [tilespmem:s18], [sflag:$0x1], $0x80, $0x38;
	[tilespmem:$0xC00] =	vst v63  }
0x151: {  	s21 =	sadd.s32 $0x920, s13;
	s20 =	sor.u32 $0x600, s14  }
0x152: {  	[hbm4b:s21+s3] =	stream.linear.scatter [tilespmem:s20], [sflag:$0x1], $0x80, $0x38;
	[tilespmem:$0xC00] =	vst v63  }
0x153: {  	s22 =	sadd.s32 $0x9A0, s13;
	s14 =	sor.u32 $0x700, s14  }
0x154: {  	[hbm4b:s22+s3] =	stream.linear.scatter [tilespmem:s14], [sflag:$0x1], $0x80, $0x38;
	[tilespmem:$0xC00] =	vst v63  }
0x155: {  	s24 =	sadd.s32 $0xA20, s13;
	s23 =	sadd.s32 $0x400, s15;
	s25 =	sadd.s32 $0x500, s15  }
0x156: {  	[hbm4b:s24+s3] =	stream.linear.scatter [tilespmem:s23], [sflag:$0x1], $0x80, $0x38;
	[tilespmem:$0xC00] =	vst v63  }
0x157: {  	s28 =	sadd.s32 $0x600, s15;
	s30 =	sadd.s32 $0x700, s15;
	s15 =	spop (v2sf);
	(v2sf) =	vpush v61, $0x4  }
0x158: {  	s26 =	sadd.s32 $0xAA0, s13;
	s16 =	sshll.u32 s15, $0x7  }
0x159: {  	[hbm4b:s26+s3] =	stream.linear.scatter [tilespmem:s25], [sflag:$0x1], $0x80, $0x38;
	[tilespmem:$0xC00] =	vst v63  }
0x15a: {  	s29 =	sadd.s32 $0xB20, s13;
	s14 =	sshll.u32 s15, $0xA;
	s15 =	sand.u32 $0x80, s16  }
0x15b: {  	[hbm4b:s29+s3] =	stream.linear.scatter [tilespmem:s28], [sflag:$0x1], $0x80, $0x38;
	[tilespmem:$0xC00] =	vst v63  }
0x15c: {  	s31 =	sadd.s32 $0xBA0, s13;
	s14 =	sor.u32 s15, s14  }
0x15d: {  	[hbm4b:s31+s3] =	stream.linear.scatter [tilespmem:s30], [sflag:$0x1], $0x80, $0x38;
	[tilespmem:$0xC00] =	vst v63  }
0x15e: {  	s17 =	sadd.s32 $0x830, s13;
	s15 =	sor.u32 $0x400, s14  }
0x15f: {  	[hbm4b:s17+s3] =	stream.linear.scatter [tilespmem:s15], [sflag:$0x1], $0x80, $0x38;
	[tilespmem:$0xC00] =	vst v63  }
0x160: {  	s19 =	sadd.s32 $0x8B0, s13;
	s21 =	sadd.s32 $0x930, s13;
	s18 =	sor.u32 $0x500, s14  }
0x161: {  	[hbm4b:s19+s3] =	stream.linear.scatter [tilespmem:s18], [sflag:$0x1], $0x80, $0x38;
	[tilespmem:$0xC00] =	vst v63  }
0x162: {  	s22 =	sadd.s32 $0x9B0, s13;
	s24 =	sadd.s32 $0xA30, s13;
	s20 =	sor.u32 $0x600, s14  }
0x163: {  	[hbm4b:s21+s3] =	stream.linear.scatter [tilespmem:s20], [sflag:$0x1], $0x80, $0x38;
	[tilespmem:$0xC00] =	vst v63  }
0x164: {  	s14 =	sor.u32 $0x700, s14;
	s23 =	sadd.s32 $0x400, s15;
	s25 =	sadd.s32 $0x500, s15  }
0x165: {  	[hbm4b:s22+s3] =	stream.linear.scatter [tilespmem:s14], [sflag:$0x1], $0x80, $0x38;
	[tilespmem:$0xC00] =	vst v63  }
0x166: {  	s28 =	sadd.s32 $0x600, s15;
	s30 =	sadd.s32 $0x700, s15;
	s15 =	spop (v2sf)  }
0x167: {  	(v2sf) =	vpush v61, $0x5;
	[hbm4b:s24+s3] =	stream.linear.scatter [tilespmem:s23], [sflag:$0x1], $0x80, $0x38;
	[tilespmem:$0xC00] =	vst v63  }
0x168: {  	s26 =	sadd.s32 $0xAB0, s13;
	s16 =	sshll.u32 s15, $0x7  }
0x169: {  	[hbm4b:s26+s3] =	stream.linear.scatter [tilespmem:s25], [sflag:$0x1], $0x80, $0x38;
	[tilespmem:$0xC00] =	vst v63  }
0x16a: {  	s29 =	sadd.s32 $0xB30, s13;
	s14 =	sshll.u32 s15, $0xA;
	s15 =	sand.u32 $0x80, s16  }
0x16b: {  	[hbm4b:s29+s3] =	stream.linear.scatter [tilespmem:s28], [sflag:$0x1], $0x80, $0x38;
	[tilespmem:$0xC00] =	vst v63  }
0x16c: {  	s31 =	sadd.s32 $0xBB0, s13;
	s14 =	sor.u32 s15, s14  }
0x16d: {  	[hbm4b:s31+s3] =	stream.linear.scatter [tilespmem:s30], [sflag:$0x1], $0x80, $0x38;
	[tilespmem:$0xC00] =	vst v63  }
0x16e: {  	s17 =	sadd.s32 $0x840, s13;
	s15 =	sor.u32 $0x400, s14  }
0x16f: {  	[hbm4b:s17+s3] =	stream.linear.scatter [tilespmem:s15], [sflag:$0x1], $0x80, $0x38;
	[tilespmem:$0xC00] =	vst v63  }
0x170: {  	s19 =	sadd.s32 $0x8C0, s13;
	s21 =	sadd.s32 $0x940, s13;
	s18 =	sor.u32 $0x500, s14  }
0x171: {  	[hbm4b:s19+s3] =	stream.linear.scatter [tilespmem:s18], [sflag:$0x1], $0x80, $0x38;
	[tilespmem:$0xC00] =	vst v63  }
0x172: {  	s22 =	sadd.s32 $0x9C0, s13;
	s24 =	sadd.s32 $0xA40, s13;
	s20 =	sor.u32 $0x600, s14  }
0x173: {  	[hbm4b:s21+s3] =	stream.linear.scatter [tilespmem:s20], [sflag:$0x1], $0x80, $0x38;
	[tilespmem:$0xC00] =	vst v63  }
0x174: {  	s14 =	sor.u32 $0x700, s14;
	s23 =	sadd.s32 $0x400, s15;
	s25 =	sadd.s32 $0x500, s15  }
0x175: {  	[hbm4b:s22+s3] =	stream.linear.scatter [tilespmem:s14], [sflag:$0x1], $0x80, $0x38;
	[tilespmem:$0xC00] =	vst v63  }
0x176: {  	s28 =	sadd.s32 $0x600, s15;
	s30 =	sadd.s32 $0x700, s15;
	s15 =	spop (v2sf)  }
0x177: {  	(v2sf) =	vpush v61, $0x6;
	[hbm4b:s24+s3] =	stream.linear.scatter [tilespmem:s23], [sflag:$0x1], $0x80, $0x38;
	[tilespmem:$0xC00] =	vst v63  }
0x178: {  	s26 =	sadd.s32 $0xAC0, s13;
	s16 =	sshll.u32 s15, $0x7  }
0x179: {  	[hbm4b:s26+s3] =	stream.linear.scatter [tilespmem:s25], [sflag:$0x1], $0x80, $0x38;
	[tilespmem:$0xC00] =	vst v63  }
0x17a: {  	s29 =	sadd.s32 $0xB40, s13;
	s14 =	sshll.u32 s15, $0xA;
	s15 =	sand.u32 $0x80, s16  }
0x17b: {  	[hbm4b:s29+s3] =	stream.linear.scatter [tilespmem:s28], [sflag:$0x1], $0x80, $0x38;
	[tilespmem:$0xC00] =	vst v63  }
0x17c: {  	s31 =	sadd.s32 $0xBC0, s13;
	s14 =	sor.u32 s15, s14  }
0x17d: {  	[hbm4b:s31+s3] =	stream.linear.scatter [tilespmem:s30], [sflag:$0x1], $0x80, $0x38;
	[tilespmem:$0xC00] =	vst v63  }
0x17e: {  	s17 =	sadd.s32 $0x850, s13;
	s15 =	sor.u32 $0x400, s14  }
0x17f: {  	[hbm4b:s17+s3] =	stream.linear.scatter [tilespmem:s15], [sflag:$0x1], $0x80, $0x38;
	[tilespmem:$0xC00] =	vst v63  }
0x180: {  	s19 =	sadd.s32 $0x8D0, s13;
	s21 =	sadd.s32 $0x950, s13;
	s18 =	sor.u32 $0x500, s14  }
0x181: {  	[hbm4b:s19+s3] =	stream.linear.scatter [tilespmem:s18], [sflag:$0x1], $0x80, $0x38;
	[tilespmem:$0xC00] =	vst v63  }
0x182: {  	s22 =	sadd.s32 $0x9D0, s13;
	s24 =	sadd.s32 $0xA50, s13;
	s20 =	sor.u32 $0x600, s14  }
0x183: {  	[hbm4b:s21+s3] =	stream.linear.scatter [tilespmem:s20], [sflag:$0x1], $0x80, $0x38;
	[tilespmem:$0xC00] =	vst v63  }
0x184: {  	s14 =	sor.u32 $0x700, s14;
	s23 =	sadd.s32 $0x400, s15;
	s25 =	sadd.s32 $0x500, s15  }
0x185: {  	[hbm4b:s22+s3] =	stream.linear.scatter [tilespmem:s14], [sflag:$0x1], $0x80, $0x38;
	[tilespmem:$0xC00] =	vst v63  }
0x186: {  	s28 =	sadd.s32 $0x600, s15;
	s30 =	sadd.s32 $0x700, s15;
	s15 =	spop (v2sf)  }
0x187: {  	(v2sf) =	vpush v61, $0x7;
	[hbm4b:s24+s3] =	stream.linear.scatter [tilespmem:s23], [sflag:$0x1], $0x80, $0x38;
	[tilespmem:$0xC00] =	vst v63  }
0x188: {  	s26 =	sadd.s32 $0xAD0, s13;
	s16 =	sshll.u32 s15, $0x7  }
0x189: {  	[hbm4b:s26+s3] =	stream.linear.scatter [tilespmem:s25], [sflag:$0x1], $0x80, $0x38;
	[tilespmem:$0xC00] =	vst v63  }
0x18a: {  	s29 =	sadd.s32 $0xB50, s13;
	s14 =	sshll.u32 s15, $0xA;
	s15 =	sand.u32 $0x80, s16  }
0x18b: {  	[hbm4b:s29+s3] =	stream.linear.scatter [tilespmem:s28], [sflag:$0x1], $0x80, $0x38;
	[tilespmem:$0xC00] =	vst v63  }
0x18c: {  	s31 =	sadd.s32 $0xBD0, s13;
	s14 =	sor.u32 s15, s14  }
0x18d: {  	[hbm4b:s31+s3] =	stream.linear.scatter [tilespmem:s30], [sflag:$0x1], $0x80, $0x38;
	[tilespmem:$0xC00] =	vst v63  }
0x18e: {  	s17 =	sadd.s32 $0x860, s13;
	s15 =	sor.u32 $0x400, s14  }
0x18f: {  	[hbm4b:s17+s3] =	stream.linear.scatter [tilespmem:s15], [sflag:$0x1], $0x80, $0x38;
	[tilespmem:$0xC00] =	vst v63  }
0x190: {  	s19 =	sadd.s32 $0x8E0, s13;
	s21 =	sadd.s32 $0x960, s13;
	s18 =	sor.u32 $0x500, s14  }
0x191: {  	[hbm4b:s19+s3] =	stream.linear.scatter [tilespmem:s18], [sflag:$0x1], $0x80, $0x38;
	[tilespmem:$0xC00] =	vst v63  }
0x192: {  	s22 =	sadd.s32 $0x9E0, s13;
	s24 =	sadd.s32 $0xA60, s13;
	s20 =	sor.u32 $0x600, s14  }
0x193: {  	[hbm4b:s21+s3] =	stream.linear.scatter [tilespmem:s20], [sflag:$0x1], $0x80, $0x38;
	[tilespmem:$0xC00] =	vst v63  }
0x194: {  	s14 =	sor.u32 $0x700, s14;
	s23 =	sadd.s32 $0x400, s15;
	s25 =	sadd.s32 $0x500, s15  }
0x195: {  	[hbm4b:s22+s3] =	stream.linear.scatter [tilespmem:s14], [sflag:$0x1], $0x80, $0x38;
	[tilespmem:$0xC00] =	vst v63  }
0x196: {  	s28 =	sadd.s32 $0x600, s15;
	s30 =	sadd.s32 $0x700, s15;
	s15 =	spop (v2sf)  }
0x197: {  	(v2sf) =	vpush v61, $0x8;
	[hbm4b:s24+s3] =	stream.linear.scatter [tilespmem:s23], [sflag:$0x1], $0x80, $0x38;
	[tilespmem:$0xC00] =	vst v63  }
0x198: {  	s26 =	sadd.s32 $0xAE0, s13;
	s16 =	sshll.u32 s15, $0x7  }
0x199: {  	[hbm4b:s26+s3] =	stream.linear.scatter [tilespmem:s25], [sflag:$0x1], $0x80, $0x38;
	[tilespmem:$0xC00] =	vst v63  }
0x19a: {  	s29 =	sadd.s32 $0xB60, s13;
	s14 =	sshll.u32 s15, $0xA;
	s15 =	sand.u32 $0x80, s16  }
0x19b: {  	[hbm4b:s29+s3] =	stream.linear.scatter [tilespmem:s28], [sflag:$0x1], $0x80, $0x38;
	[tilespmem:$0xC00] =	vst v63  }
0x19c: {  	s31 =	sadd.s32 $0xBE0, s13;
	s14 =	sor.u32 s15, s14  }
0x19d: {  	[hbm4b:s31+s3] =	stream.linear.scatter [tilespmem:s30], [sflag:$0x1], $0x80, $0x38;
	[tilespmem:$0xC00] =	vst v63  }
0x19e: {  	s17 =	sadd.s32 $0x870, s13;
	s15 =	sor.u32 $0x400, s14  }
0x19f: {  	[hbm4b:s17+s3] =	stream.linear.scatter [tilespmem:s15], [sflag:$0x1], $0x80, $0x38;
	[tilespmem:$0xC00] =	vst v63  }
0x1a0: {  	s19 =	sadd.s32 $0x8F0, s13;
	s21 =	sadd.s32 $0x970, s13;
	s18 =	sor.u32 $0x500, s14  }
0x1a1: {  	[hbm4b:s19+s3] =	stream.linear.scatter [tilespmem:s18], [sflag:$0x1], $0x80, $0x38;
	[tilespmem:$0xC00] =	vst v63  }
0x1a2: {  	s22 =	sadd.s32 $0x9F0, s13;
	s20 =	sor.u32 $0x600, s14;
	s14 =	sor.u32 $0x700, s14  }
0x1a3: {  	[hbm4b:s21+s3] =	stream.linear.scatter [tilespmem:s20], [sflag:$0x1], $0x80, $0x38;
	[tilespmem:$0xC00] =	vst v63  }
0x1a4: {  	s24 =	sadd.s32 $0xA70, s13;
	s23 =	sadd.s32 $0x400, s15;
	s25 =	sadd.s32 $0x500, s15  }
0x1a5: {  	[hbm4b:s22+s3] =	stream.linear.scatter [tilespmem:s14], [sflag:$0x1], $0x80, $0x38;
	[tilespmem:$0xC00] =	vst v63  }
0x1a6: {  	s28 =	sadd.s32 $0x600, s15;
	s30 =	sadd.s32 $0x700, s15;
	s15 =	spop (v2sf)  }
0x1a7: {  	(v2sf) =	vpush v61, $0x9;
	[hbm4b:s24+s3] =	stream.linear.scatter [tilespmem:s23], [sflag:$0x1], $0x80, $0x38;
	[tilespmem:$0xC00] =	vst v63  }
0x1a8: {  	s26 =	sadd.s32 $0xAF0, s13;
	s16 =	sshll.u32 s15, $0x7  }
0x1a9: {  	[hbm4b:s26+s3] =	stream.linear.scatter [tilespmem:s25], [sflag:$0x1], $0x80, $0x38;
	[tilespmem:$0xC00] =	vst v63  }
0x1aa: {  	s29 =	sadd.s32 $0xB70, s13;
	s14 =	sshll.u32 s15, $0xA;
	s15 =	sand.u32 $0x80, s16  }
0x1ab: {  	[hbm4b:s29+s3] =	stream.linear.scatter [tilespmem:s28], [sflag:$0x1], $0x80, $0x38;
	[tilespmem:$0xC00] =	vst v63  }
0x1ac: {  	s31 =	sadd.s32 $0xBF0, s13;
	s14 =	sor.u32 s15, s14  }
0x1ad: {  	[hbm4b:s31+s3] =	stream.linear.scatter [tilespmem:s30], [sflag:$0x1], $0x80, $0x38;
	[tilespmem:$0xC00] =	vst v63  }
0x1ae: {  	s17 =	sadd.s32 $0xC00, s13;
	s15 =	sor.u32 $0x400, s14  }
0x1af: {  	[hbm4b:s17+s3] =	stream.linear.scatter [tilespmem:s15], [sflag:$0x1], $0x80, $0x38;
	[tilespmem:$0xC00] =	vst v63  }
0x1b0: {  	s19 =	sadd.s32 $0xC80, s13;
	s21 =	sadd.s32 $0xD00, s13;
	s18 =	sor.u32 $0x500, s14  }
0x1b1: {  	[hbm4b:s19+s3] =	stream.linear.scatter [tilespmem:s18], [sflag:$0x1], $0x80, $0x38;
	[tilespmem:$0xC00] =	vst v63  }
0x1b2: {  	s22 =	sadd.s32 $0xD80, s13;
	s20 =	sor.u32 $0x600, s14;
	s14 =	sor.u32 $0x700, s14  }
0x1b3: {  	[hbm4b:s21+s3] =	stream.linear.scatter [tilespmem:s20], [sflag:$0x1], $0x80, $0x38;
	[tilespmem:$0xC00] =	vst v63  }
0x1b4: {  	s24 =	sadd.s32 $0xE00, s13;
	s23 =	sadd.s32 $0x400, s15;
	s25 =	sadd.s32 $0x500, s15  }
0x1b5: {  	[hbm4b:s22+s3] =	stream.linear.scatter [tilespmem:s14], [sflag:$0x1], $0x80, $0x38;
	[tilespmem:$0xC00] =	vst v63  }
0x1b6: {  	s28 =	sadd.s32 $0x600, s15;
	s30 =	sadd.s32 $0x700, s15;
	s15 =	spop (v2sf)  }
0x1b7: {  	(v2sf) =	vpush v61, $0xA;
	[hbm4b:s24+s3] =	stream.linear.scatter [tilespmem:s23], [sflag:$0x1], $0x80, $0x38;
	[tilespmem:$0xC00] =	vst v63  }
0x1b8: {  	s26 =	sadd.s32 $0xE80, s13;
	s16 =	sshll.u32 s15, $0x7  }
0x1b9: {  	[hbm4b:s26+s3] =	stream.linear.scatter [tilespmem:s25], [sflag:$0x1], $0x80, $0x38;
	[tilespmem:$0xC00] =	vst v63  }
0x1ba: {  	s29 =	sadd.s32 $0xF00, s13;
	s14 =	sshll.u32 s15, $0xA;
	s15 =	sand.u32 $0x80, s16  }
0x1bb: {  	[hbm4b:s29+s3] =	stream.linear.scatter [tilespmem:s28], [sflag:$0x1], $0x80, $0x38;
	[tilespmem:$0xC00] =	vst v63  }
0x1bc: {  	s31 =	sadd.s32 $0xF80, s13;
	s14 =	sor.u32 s15, s14  }
0x1bd: {  	[hbm4b:s31+s3] =	stream.linear.scatter [tilespmem:s30], [sflag:$0x1], $0x80, $0x38;
	[tilespmem:$0xC00] =	vst v63  }
0x1be: {  	s17 =	sadd.s32 $0xC10, s13;
	s15 =	sor.u32 $0x400, s14  }
0x1bf: {  	[hbm4b:s17+s3] =	stream.linear.scatter [tilespmem:s15], [sflag:$0x1], $0x80, $0x38;
	[tilespmem:$0xC00] =	vst v63  }
0x1c0: {  	s19 =	sadd.s32 $0xC90, s13;
	s21 =	sadd.s32 $0xD10, s13;
	s18 =	sor.u32 $0x500, s14  }
0x1c1: {  	[hbm4b:s19+s3] =	stream.linear.scatter [tilespmem:s18], [sflag:$0x1], $0x80, $0x38;
	[tilespmem:$0xC00] =	vst v63  }
0x1c2: {  	s22 =	sadd.s32 $0xD90, s13;
	s20 =	sor.u32 $0x600, s14;
	s14 =	sor.u32 $0x700, s14  }
0x1c3: {  	[hbm4b:s21+s3] =	stream.linear.scatter [tilespmem:s20], [sflag:$0x1], $0x80, $0x38;
	[tilespmem:$0xC00] =	vst v63  }
0x1c4: {  	s24 =	sadd.s32 $0xE10, s13;
	s23 =	sadd.s32 $0x400, s15;
	s25 =	sadd.s32 $0x500, s15  }
0x1c5: {  	[hbm4b:s22+s3] =	stream.linear.scatter [tilespmem:s14], [sflag:$0x1], $0x80, $0x38;
	[tilespmem:$0xC00] =	vst v63  }
0x1c6: {  	s28 =	sadd.s32 $0x600, s15;
	s30 =	sadd.s32 $0x700, s15;
	s15 =	spop (v2sf)  }
0x1c7: {  	(v2sf) =	vpush v61, $0xB;
	[hbm4b:s24+s3] =	stream.linear.scatter [tilespmem:s23], [sflag:$0x1], $0x80, $0x38;
	[tilespmem:$0xC00] =	vst v63  }
0x1c8: {  	s26 =	sadd.s32 $0xE90, s13;
	s16 =	sshll.u32 s15, $0x7  }
0x1c9: {  	[hbm4b:s26+s3] =	stream.linear.scatter [tilespmem:s25], [sflag:$0x1], $0x80, $0x38;
	[tilespmem:$0xC00] =	vst v63  }
0x1ca: {  	s29 =	sadd.s32 $0xF10, s13;
	s14 =	sshll.u32 s15, $0xA;
	s15 =	sand.u32 $0x80, s16  }
0x1cb: {  	[hbm4b:s29+s3] =	stream.linear.scatter [tilespmem:s28], [sflag:$0x1], $0x80, $0x38;
	[tilespmem:$0xC00] =	vst v63  }
0x1cc: {  	s31 =	sadd.s32 $0xF90, s13;
	s14 =	sor.u32 s15, s14  }
0x1cd: {  	[hbm4b:s31+s3] =	stream.linear.scatter [tilespmem:s30], [sflag:$0x1], $0x80, $0x38;
	[tilespmem:$0xC00] =	vst v63  }
0x1ce: {  	s17 =	sadd.s32 $0xC20, s13;
	s15 =	sor.u32 $0x400, s14  }
0x1cf: {  	[hbm4b:s17+s3] =	stream.linear.scatter [tilespmem:s15], [sflag:$0x1], $0x80, $0x38;
	[tilespmem:$0xC00] =	vst v63  }
0x1d0: {  	s19 =	sadd.s32 $0xCA0, s13;
	s21 =	sadd.s32 $0xD20, s13;
	s18 =	sor.u32 $0x500, s14  }
0x1d1: {  	[hbm4b:s19+s3] =	stream.linear.scatter [tilespmem:s18], [sflag:$0x1], $0x80, $0x38;
	[tilespmem:$0xC00] =	vst v63  }
0x1d2: {  	s22 =	sadd.s32 $0xDA0, s13;
	s20 =	sor.u32 $0x600, s14;
	s14 =	sor.u32 $0x700, s14  }
0x1d3: {  	[hbm4b:s21+s3] =	stream.linear.scatter [tilespmem:s20], [sflag:$0x1], $0x80, $0x38;
	[tilespmem:$0xC00] =	vst v63  }
0x1d4: {  	s24 =	sadd.s32 $0xE20, s13;
	s23 =	sadd.s32 $0x400, s15;
	s25 =	sadd.s32 $0x500, s15  }
0x1d5: {  	[hbm4b:s22+s3] =	stream.linear.scatter [tilespmem:s14], [sflag:$0x1], $0x80, $0x38;
	[tilespmem:$0xC00] =	vst v63  }
0x1d6: {  	s28 =	sadd.s32 $0x600, s15;
	s30 =	sadd.s32 $0x700, s15;
	s15 =	spop (v2sf)  }
0x1d7: {  	(v2sf) =	vpush v61, $0xC;
	[hbm4b:s24+s3] =	stream.linear.scatter [tilespmem:s23], [sflag:$0x1], $0x80, $0x38;
	[tilespmem:$0xC00] =	vst v63  }
0x1d8: {  	s26 =	sadd.s32 $0xEA0, s13;
	s16 =	sshll.u32 s15, $0x7  }
0x1d9: {  	[hbm4b:s26+s3] =	stream.linear.scatter [tilespmem:s25], [sflag:$0x1], $0x80, $0x38;
	[tilespmem:$0xC00] =	vst v63  }
0x1da: {  	s29 =	sadd.s32 $0xF20, s13;
	s14 =	sshll.u32 s15, $0xA;
	s15 =	sand.u32 $0x80, s16  }
0x1db: {  	[hbm4b:s29+s3] =	stream.linear.scatter [tilespmem:s28], [sflag:$0x1], $0x80, $0x38;
	[tilespmem:$0xC00] =	vst v63  }
0x1dc: {  	s31 =	sadd.s32 $0xFA0, s13;
	s14 =	sor.u32 s15, s14  }
0x1dd: {  	[hbm4b:s31+s3] =	stream.linear.scatter [tilespmem:s30], [sflag:$0x1], $0x80, $0x38;
	[tilespmem:$0xC00] =	vst v63  }
0x1de: {  	s17 =	sadd.s32 $0xC30, s13;
	s15 =	sor.u32 $0x400, s14  }
0x1df: {  	[hbm4b:s17+s3] =	stream.linear.scatter [tilespmem:s15], [sflag:$0x1], $0x80, $0x38;
	[tilespmem:$0xC00] =	vst v63  }
0x1e0: {  	s19 =	sadd.s32 $0xCB0, s13;
	s21 =	sadd.s32 $0xD30, s13;
	s18 =	sor.u32 $0x500, s14  }
0x1e1: {  	[hbm4b:s19+s3] =	stream.linear.scatter [tilespmem:s18], [sflag:$0x1], $0x80, $0x38;
	[tilespmem:$0xC00] =	vst v63  }
0x1e2: {  	s22 =	sadd.s32 $0xDB0, s13;
	s20 =	sor.u32 $0x600, s14;
	s14 =	sor.u32 $0x700, s14  }
0x1e3: {  	[hbm4b:s21+s3] =	stream.linear.scatter [tilespmem:s20], [sflag:$0x1], $0x80, $0x38;
	[tilespmem:$0xC00] =	vst v63  }
0x1e4: {  	s24 =	sadd.s32 $0xE30, s13;
	s23 =	sadd.s32 $0x400, s15;
	s25 =	sadd.s32 $0x500, s15  }
0x1e5: {  	[hbm4b:s22+s3] =	stream.linear.scatter [tilespmem:s14], [sflag:$0x1], $0x80, $0x38;
	[tilespmem:$0xC00] =	vst v63  }
0x1e6: {  	s28 =	sadd.s32 $0x600, s15;
	s30 =	sadd.s32 $0x700, s15;
	s15 =	spop (v2sf)  }
0x1e7: {  	(v2sf) =	vpush v61, $0xD;
	[hbm4b:s24+s3] =	stream.linear.scatter [tilespmem:s23], [sflag:$0x1], $0x80, $0x38;
	[tilespmem:$0xC00] =	vst v63  }
0x1e8: {  	s26 =	sadd.s32 $0xEB0, s13;
	s16 =	sshll.u32 s15, $0x7  }
0x1e9: {  	[hbm4b:s26+s3] =	stream.linear.scatter [tilespmem:s25], [sflag:$0x1], $0x80, $0x38;
	[tilespmem:$0xC00] =	vst v63  }
0x1ea: {  	s29 =	sadd.s32 $0xF30, s13;
	s14 =	sshll.u32 s15, $0xA;
	s15 =	sand.u32 $0x80, s16  }
0x1eb: {  	[hbm4b:s29+s3] =	stream.linear.scatter [tilespmem:s28], [sflag:$0x1], $0x80, $0x38;
	[tilespmem:$0xC00] =	vst v63  }
0x1ec: {  	s31 =	sadd.s32 $0xFB0, s13;
	s14 =	sor.u32 s15, s14  }
0x1ed: {  	[hbm4b:s31+s3] =	stream.linear.scatter [tilespmem:s30], [sflag:$0x1], $0x80, $0x38;
	[tilespmem:$0xC00] =	vst v63  }
0x1ee: {  	s17 =	sadd.s32 $0xC40, s13;
	s15 =	sor.u32 $0x400, s14  }
0x1ef: {  	[hbm4b:s17+s3] =	stream.linear.scatter [tilespmem:s15], [sflag:$0x1], $0x80, $0x38;
	[tilespmem:$0xC00] =	vst v63  }
0x1f0: {  	s19 =	sadd.s32 $0xCC0, s13;
	s21 =	sadd.s32 $0xD40, s13;
	s18 =	sor.u32 $0x500, s14  }
0x1f1: {  	[hbm4b:s19+s3] =	stream.linear.scatter [tilespmem:s18], [sflag:$0x1], $0x80, $0x38;
	[tilespmem:$0xC00] =	vst v63  }
0x1f2: {  	s22 =	sadd.s32 $0xDC0, s13;
	s20 =	sor.u32 $0x600, s14;
	s14 =	sor.u32 $0x700, s14  }
0x1f3: {  	[hbm4b:s21+s3] =	stream.linear.scatter [tilespmem:s20], [sflag:$0x1], $0x80, $0x38;
	[tilespmem:$0xC00] =	vst v63  }
0x1f4: {  	s24 =	sadd.s32 $0xE40, s13;
	s23 =	sadd.s32 $0x400, s15;
	s25 =	sadd.s32 $0x500, s15  }
0x1f5: {  	[hbm4b:s22+s3] =	stream.linear.scatter [tilespmem:s14], [sflag:$0x1], $0x80, $0x38;
	[tilespmem:$0xC00] =	vst v63  }
0x1f6: {  	s28 =	sadd.s32 $0x600, s15;
	s30 =	sadd.s32 $0x700, s15;
	s15 =	spop (v2sf)  }
0x1f7: {  	(v2sf) =	vpush v61, $0xE;
	[hbm4b:s24+s3] =	stream.linear.scatter [tilespmem:s23], [sflag:$0x1], $0x80, $0x38;
	[tilespmem:$0xC00] =	vst v63  }
0x1f8: {  	s26 =	sadd.s32 $0xEC0, s13;
	s16 =	sshll.u32 s15, $0x7  }
0x1f9: {  	[hbm4b:s26+s3] =	stream.linear.scatter [tilespmem:s25], [sflag:$0x1], $0x80, $0x38;
	[tilespmem:$0xC00] =	vst v63  }
0x1fa: {  	s29 =	sadd.s32 $0xF40, s13;
	s14 =	sshll.u32 s15, $0xA;
	s15 =	sand.u32 $0x80, s16  }
0x1fb: {  	[hbm4b:s29+s3] =	stream.linear.scatter [tilespmem:s28], [sflag:$0x1], $0x80, $0x38;
	[tilespmem:$0xC00] =	vst v63  }
0x1fc: {  	s31 =	sadd.s32 $0xFC0, s13;
	s14 =	sor.u32 s15, s14  }
0x1fd: {  	[hbm4b:s31+s3] =	stream.linear.scatter [tilespmem:s30], [sflag:$0x1], $0x80, $0x38;
	[tilespmem:$0xC00] =	vst v63  }
0x1fe: {  	s17 =	sadd.s32 $0xC50, s13;
	s15 =	sor.u32 $0x400, s14  }
0x1ff: {  	[hbm4b:s17+s3] =	stream.linear.scatter [tilespmem:s15], [sflag:$0x1], $0x80, $0x38;
	[tilespmem:$0xC00] =	vst v63  }
0x200: {  	s19 =	sadd.s32 $0xCD0, s13;
	s21 =	sadd.s32 $0xD50, s13;
	s18 =	sor.u32 $0x500, s14  }
0x201: {  	[hbm4b:s19+s3] =	stream.linear.scatter [tilespmem:s18], [sflag:$0x1], $0x80, $0x38;
	[tilespmem:$0xC00] =	vst v63  }
0x202: {  	s22 =	sadd.s32 $0xDD0, s13;
	s20 =	sor.u32 $0x600, s14;
	s14 =	sor.u32 $0x700, s14  }
0x203: {  	[hbm4b:s21+s3] =	stream.linear.scatter [tilespmem:s20], [sflag:$0x1], $0x80, $0x38;
	[tilespmem:$0xC00] =	vst v63  }
0x204: {  	s24 =	sadd.s32 $0xE50, s13;
	s23 =	sadd.s32 $0x400, s15;
	s25 =	sadd.s32 $0x500, s15  }
0x205: {  	[hbm4b:s22+s3] =	stream.linear.scatter [tilespmem:s14], [sflag:$0x1], $0x80, $0x38;
	[tilespmem:$0xC00] =	vst v63  }
0x206: {  	s28 =	sadd.s32 $0x600, s15;
	s30 =	sadd.s32 $0x700, s15;
	s15 =	spop (v2sf)  }
0x207: {  	(v2sf) =	vpush v61, $0xF;
	[hbm4b:s24+s3] =	stream.linear.scatter [tilespmem:s23], [sflag:$0x1], $0x80, $0x38;
	[tilespmem:$0xC00] =	vst v63  }
0x208: {  	s26 =	sadd.s32 $0xED0, s13;
	s16 =	sshll.u32 s15, $0x7  }
0x209: {  	[hbm4b:s26+s3] =	stream.linear.scatter [tilespmem:s25], [sflag:$0x1], $0x80, $0x38;
	[tilespmem:$0xC00] =	vst v63  }
0x20a: {  	s29 =	sadd.s32 $0xF50, s13;
	s14 =	sshll.u32 s15, $0xA;
	s15 =	sand.u32 $0x80, s16  }
0x20b: {  	[hbm4b:s29+s3] =	stream.linear.scatter [tilespmem:s28], [sflag:$0x1], $0x80, $0x38;
	[tilespmem:$0xC00] =	vst v63  }
0x20c: {  	s31 =	sadd.s32 $0xFD0, s13;
	s14 =	sor.u32 s15, s14  }
0x20d: {  	[hbm4b:s31+s3] =	stream.linear.scatter [tilespmem:s30], [sflag:$0x1], $0x80, $0x38;
	[tilespmem:$0xC00] =	vst v63  }
0x20e: {  	s17 =	sadd.s32 $0xC60, s13;
	s15 =	sor.u32 $0x400, s14  }
0x20f: {  	[hbm4b:s17+s3] =	stream.linear.scatter [tilespmem:s15], [sflag:$0x1], $0x80, $0x38;
	[tilespmem:$0xC00] =	vst v63  }
0x210: {  	s19 =	sadd.s32 $0xCE0, s13;
	s21 =	sadd.s32 $0xD60, s13;
	s18 =	sor.u32 $0x500, s14  }
0x211: {  	[hbm4b:s19+s3] =	stream.linear.scatter [tilespmem:s18], [sflag:$0x1], $0x80, $0x38;
	[tilespmem:$0xC00] =	vst v63  }
0x212: {  	s22 =	sadd.s32 $0xDE0, s13;
	s20 =	sor.u32 $0x600, s14;
	s14 =	sor.u32 $0x700, s14  }
0x213: {  	[hbm4b:s21+s3] =	stream.linear.scatter [tilespmem:s20], [sflag:$0x1], $0x80, $0x38;
	[tilespmem:$0xC00] =	vst v63  }
0x214: {  	s24 =	sadd.s32 $0xE60, s13;
	s23 =	sadd.s32 $0x400, s15;
	s25 =	sadd.s32 $0x500, s15  }
0x215: {  	[hbm4b:s22+s3] =	stream.linear.scatter [tilespmem:s14], [sflag:$0x1], $0x80, $0x38;
	[tilespmem:$0xC00] =	vst v63  }
0x216: {  	s28 =	sadd.s32 $0x600, s15;
	s30 =	sadd.s32 $0x700, s15;
	s15 =	spop (v2sf)  }
0x217: {  	[hbm4b:s24+s3] =	stream.linear.scatter [tilespmem:s23], [sflag:$0x1], $0x80, $0x38;
	[tilespmem:$0xC00] =	vst v63  }
0x218: {  	s26 =	sadd.s32 $0xEE0, s13;
	s16 =	sshll.u32 s15, $0x7  }
0x219: {  	[hbm4b:s26+s3] =	stream.linear.scatter [tilespmem:s25], [sflag:$0x1], $0x80, $0x38;
	[tilespmem:$0xC00] =	vst v63  }
0x21a: {  	s29 =	sadd.s32 $0xF60, s13;
	s14 =	sshll.u32 s15, $0xA;
	s15 =	sand.u32 $0x80, s16  }
0x21b: {  	[hbm4b:s29+s3] =	stream.linear.scatter [tilespmem:s28], [sflag:$0x1], $0x80, $0x38;
	[tilespmem:$0xC00] =	vst v63  }
0x21c: {  	s31 =	sadd.s32 $0xFE0, s13;
	s14 =	sor.u32 s15, s14  }
0x21d: {  	[hbm4b:s31+s3] =	stream.linear.scatter [tilespmem:s30], [sflag:$0x1], $0x80, $0x38;
	[tilespmem:$0xC00] =	vst v63  }
0x21e: {  	s17 =	sadd.s32 $0xC70, s13;
	s15 =	sor.u32 $0x400, s14  }
0x21f: {  	[hbm4b:s17+s3] =	stream.linear.scatter [tilespmem:s15], [sflag:$0x1], $0x80, $0x38;
	[tilespmem:$0xC00] =	vst v63  }
0x220: {  	s19 =	sadd.s32 $0xCF0, s13;
	s18 =	sor.u32 $0x500, s14  }
0x221: {  	[hbm4b:s19+s3] =	stream.linear.scatter [tilespmem:s18], [sflag:$0x1], $0x80, $0x38;
	[tilespmem:$0xC00] =	vst v63  }
0x222: {  	s21 =	sadd.s32 $0xD70, s13;
	s20 =	sor.u32 $0x600, s14  }
0x223: {  	[hbm4b:s21+s3] =	stream.linear.scatter [tilespmem:s20], [sflag:$0x1], $0x80, $0x38;
	[tilespmem:$0xC00] =	vst v63  }
0x224: {  	s22 =	sadd.s32 $0xDF0, s13;
	s14 =	sor.u32 $0x700, s14  }
0x225: {  	[hbm4b:s22+s3] =	stream.linear.scatter [tilespmem:s14], [sflag:$0x1], $0x80, $0x38;
	[tilespmem:$0xC00] =	vst v63  }
0x226: {  	s24 =	sadd.s32 $0xE70, s13;
	s23 =	sadd.s32 $0x400, s15  }
0x227: {  	[hbm4b:s24+s3] =	stream.linear.scatter [tilespmem:s23], [sflag:$0x1], $0x80, $0x38;
	[tilespmem:$0xC00] =	vst v63  }
0x228: {  	s25 =	sadd.s32 $0x500, s15;
	s26 =	sadd.s32 $0xEF0, s13  }
0x229: {  	[hbm4b:s26+s3] =	stream.linear.scatter [tilespmem:s25], [sflag:$0x1], $0x80, $0x38;
	[tilespmem:$0xC00] =	vst v63  }
0x22a: {  	s28 =	sadd.s32 $0x600, s15;
	s29 =	sadd.s32 $0xF70, s13  }
0x22b: {  	[hbm4b:s29+s3] =	stream.linear.scatter [tilespmem:s28], [sflag:$0x1], $0x80, $0x38;
	[tilespmem:$0xC00] =	vst v63  }
0x22c: {  	s30 =	sadd.s32 $0x700, s15;
	s31 =	sadd.s32 $0xFF0, s13  }
0x22d: {  	[hbm4b:s31+s3] =	stream.linear.scatter [tilespmem:s30], [sflag:$0x1], $0x80, $0x38;
	[tilespmem:$0xC00] =	vst v63  }
0x22e: {  	v62 =	vld [tilespmem:s10+$0x0];
	_ =	sdelay $0x4  }
0x22f: {  	(v2sf) =	vpush v62, $0x0;
	_ =	sdelay $0xe  }
0x230: {  	s15 =	spop (v2sf)  }
0x231: {  	(v2sf) =	vpush v62, $0x1;
	s16 =	sshll.u32 s15, $0x7  }
0x232: {  	s14 =	sshll.u32 s15, $0xA;
	s15 =	sand.u32 $0x80, s16  }
0x233: {  	s14 =	sor.u32 s15, s14  }
0x234: {  	s17 =	sadd.s32 $0x1000, s13;
	s15 =	sor.u32 $0x400, s14  }
0x235: {  	[hbm4b:s17+s3] =	stream.linear.scatter [tilespmem:s15], [sflag:$0x1], $0x80, $0x38;
	[tilespmem:$0xC00] =	vst v63  }
0x236: {  	s19 =	sadd.s32 $0x1080, s13;
	s18 =	sor.u32 $0x500, s14  }
0x237: {  	[hbm4b:s19+s3] =	stream.linear.scatter [tilespmem:s18], [sflag:$0x1], $0x80, $0x38;
	[tilespmem:$0xC00] =	vst v63  }
0x238: {  	s21 =	sadd.s32 $0x1100, s13;
	s20 =	sor.u32 $0x600, s14  }
0x239: {  	[hbm4b:s21+s3] =	stream.linear.scatter [tilespmem:s20], [sflag:$0x1], $0x80, $0x38;
	[tilespmem:$0xC00] =	vst v63  }
0x23a: {  	s22 =	sadd.s32 $0x1180, s13;
	s14 =	sor.u32 $0x700, s14  }
0x23b: {  	[hbm4b:s22+s3] =	stream.linear.scatter [tilespmem:s14], [sflag:$0x1], $0x80, $0x38;
	[tilespmem:$0xC00] =	vst v63  }
0x23c: {  	s24 =	sadd.s32 $0x1200, s13;
	s23 =	sadd.s32 $0x400, s15  }
0x23d: {  	[hbm4b:s24+s3] =	stream.linear.scatter [tilespmem:s23], [sflag:$0x1], $0x80, $0x38;
	[tilespmem:$0xC00] =	vst v63  }
0x23e: {  	s26 =	sadd.s32 $0x1280, s13;
	s25 =	sadd.s32 $0x500, s15  }
0x23f: {  	[hbm4b:s26+s3] =	stream.linear.scatter [tilespmem:s25], [sflag:$0x1], $0x80, $0x38;
	[tilespmem:$0xC00] =	vst v63  }
0x240: {  	s28 =	sadd.s32 $0x600, s15;
	s30 =	sadd.s32 $0x700, s15;
	s15 =	spop (v2sf)  }
0x241: {  	s29 =	sadd.s32 $0x1300, s13;
	(v2sf) =	vpush v62, $0x2;
	s16 =	sshll.u32 s15, $0x7  }
0x242: {  	[hbm4b:s29+s3] =	stream.linear.scatter [tilespmem:s28], [sflag:$0x1], $0x80, $0x38;
	[tilespmem:$0xC00] =	vst v63  }
0x243: {  	s14 =	sshll.u32 s15, $0xA;
	s15 =	sand.u32 $0x80, s16  }
0x244: {  	s31 =	sadd.s32 $0x1380, s13;
	s14 =	sor.u32 s15, s14  }
0x245: {  	[hbm4b:s31+s3] =	stream.linear.scatter [tilespmem:s30], [sflag:$0x1], $0x80, $0x38;
	[tilespmem:$0xC00] =	vst v63  }
0x246: {  	s17 =	sadd.s32 $0x1010, s13;
	s15 =	sor.u32 $0x400, s14  }
0x247: {  	[hbm4b:s17+s3] =	stream.linear.scatter [tilespmem:s15], [sflag:$0x1], $0x80, $0x38;
	[tilespmem:$0xC00] =	vst v63  }
0x248: {  	s19 =	sadd.s32 $0x1090, s13;
	s18 =	sor.u32 $0x500, s14  }
0x249: {  	[hbm4b:s19+s3] =	stream.linear.scatter [tilespmem:s18], [sflag:$0x1], $0x80, $0x38;
	[tilespmem:$0xC00] =	vst v63  }
0x24a: {  	s21 =	sadd.s32 $0x1110, s13;
	s20 =	sor.u32 $0x600, s14  }
0x24b: {  	[hbm4b:s21+s3] =	stream.linear.scatter [tilespmem:s20], [sflag:$0x1], $0x80, $0x38;
	[tilespmem:$0xC00] =	vst v63  }
0x24c: {  	s22 =	sadd.s32 $0x1190, s13;
	s24 =	sadd.s32 $0x1210, s13;
	s14 =	sor.u32 $0x700, s14  }
0x24d: {  	[hbm4b:s22+s3] =	stream.linear.scatter [tilespmem:s14], [sflag:$0x1], $0x80, $0x38;
	[tilespmem:$0xC00] =	vst v63  }
0x24e: {  	s26 =	sadd.s32 $0x1290, s13;
	s23 =	sadd.s32 $0x400, s15;
	s25 =	sadd.s32 $0x500, s15  }
0x24f: {  	[hbm4b:s24+s3] =	stream.linear.scatter [tilespmem:s23], [sflag:$0x1], $0x80, $0x38;
	[tilespmem:$0xC00] =	vst v63  }
0x250: {  	s28 =	sadd.s32 $0x600, s15;
	s30 =	sadd.s32 $0x700, s15;
	s15 =	spop (v2sf)  }
0x251: {  	[hbm4b:s26+s3] =	stream.linear.scatter [tilespmem:s25], [sflag:$0x1], $0x80, $0x38;
	[tilespmem:$0xC00] =	vst v63  }
0x252: {  	(v2sf) =	vpush v62, $0x3;
	s16 =	sshll.u32 s15, $0x7  }
0x253: {  	s29 =	sadd.s32 $0x1310, s13;
	s14 =	sshll.u32 s15, $0xA;
	s15 =	sand.u32 $0x80, s16  }
0x254: {  	[hbm4b:s29+s3] =	stream.linear.scatter [tilespmem:s28], [sflag:$0x1], $0x80, $0x38;
	[tilespmem:$0xC00] =	vst v63  }
0x255: {  	s31 =	sadd.s32 $0x1390, s13;
	s14 =	sor.u32 s15, s14  }
0x256: {  	[hbm4b:s31+s3] =	stream.linear.scatter [tilespmem:s30], [sflag:$0x1], $0x80, $0x38;
	[tilespmem:$0xC00] =	vst v63  }
0x257: {  	s17 =	sadd.s32 $0x1020, s13;
	s15 =	sor.u32 $0x400, s14  }
0x258: {  	[hbm4b:s17+s3] =	stream.linear.scatter [tilespmem:s15], [sflag:$0x1], $0x80, $0x38;
	[tilespmem:$0xC00] =	vst v63  }
0x259: {  	s19 =	sadd.s32 $0x10A0, s13;
	s18 =	sor.u32 $0x500, s14  }
0x25a: {  	[hbm4b:s19+s3] =	stream.linear.scatter [tilespmem:s18], [sflag:$0x1], $0x80, $0x38;
	[tilespmem:$0xC00] =	vst v63  }
0x25b: {  	s21 =	sadd.s32 $0x1120, s13;
	s20 =	sor.u32 $0x600, s14  }
0x25c: {  	[hbm4b:s21+s3] =	stream.linear.scatter [tilespmem:s20], [sflag:$0x1], $0x80, $0x38;
	[tilespmem:$0xC00] =	vst v63  }
0x25d: {  	s22 =	sadd.s32 $0x11A0, s13;
	s14 =	sor.u32 $0x700, s14  }
0x25e: {  	[hbm4b:s22+s3] =	stream.linear.scatter [tilespmem:s14], [sflag:$0x1], $0x80, $0x38;
	[tilespmem:$0xC00] =	vst v63  }
0x25f: {  	s24 =	sadd.s32 $0x1220, s13;
	s23 =	sadd.s32 $0x400, s15;
	s25 =	sadd.s32 $0x500, s15  }
0x260: {  	[hbm4b:s24+s3] =	stream.linear.scatter [tilespmem:s23], [sflag:$0x1], $0x80, $0x38;
	[tilespmem:$0xC00] =	vst v63  }
0x261: {  	s28 =	sadd.s32 $0x600, s15;
	s30 =	sadd.s32 $0x700, s15;
	s15 =	spop (v2sf);
	(v2sf) =	vpush v62, $0x4  }
0x262: {  	s26 =	sadd.s32 $0x12A0, s13;
	s16 =	sshll.u32 s15, $0x7  }
0x263: {  	[hbm4b:s26+s3] =	stream.linear.scatter [tilespmem:s25], [sflag:$0x1], $0x80, $0x38;
	[tilespmem:$0xC00] =	vst v63  }
0x264: {  	s29 =	sadd.s32 $0x1320, s13;
	s14 =	sshll.u32 s15, $0xA;
	s15 =	sand.u32 $0x80, s16  }
0x265: {  	[hbm4b:s29+s3] =	stream.linear.scatter [tilespmem:s28], [sflag:$0x1], $0x80, $0x38;
	[tilespmem:$0xC00] =	vst v63  }
0x266: {  	s31 =	sadd.s32 $0x13A0, s13;
	s14 =	sor.u32 s15, s14  }
0x267: {  	[hbm4b:s31+s3] =	stream.linear.scatter [tilespmem:s30], [sflag:$0x1], $0x80, $0x38;
	[tilespmem:$0xC00] =	vst v63  }
0x268: {  	s17 =	sadd.s32 $0x1030, s13;
	s15 =	sor.u32 $0x400, s14  }
0x269: {  	[hbm4b:s17+s3] =	stream.linear.scatter [tilespmem:s15], [sflag:$0x1], $0x80, $0x38;
	[tilespmem:$0xC00] =	vst v63  }
0x26a: {  	s19 =	sadd.s32 $0x10B0, s13;
	s21 =	sadd.s32 $0x1130, s13;
	s18 =	sor.u32 $0x500, s14  }
0x26b: {  	[hbm4b:s19+s3] =	stream.linear.scatter [tilespmem:s18], [sflag:$0x1], $0x80, $0x38;
	[tilespmem:$0xC00] =	vst v63  }
0x26c: {  	s22 =	sadd.s32 $0x11B0, s13;
	s24 =	sadd.s32 $0x1230, s13;
	s20 =	sor.u32 $0x600, s14  }
0x26d: {  	[hbm4b:s21+s3] =	stream.linear.scatter [tilespmem:s20], [sflag:$0x1], $0x80, $0x38;
	[tilespmem:$0xC00] =	vst v63  }
0x26e: {  	s14 =	sor.u32 $0x700, s14;
	s23 =	sadd.s32 $0x400, s15;
	s25 =	sadd.s32 $0x500, s15  }
0x26f: {  	[hbm4b:s22+s3] =	stream.linear.scatter [tilespmem:s14], [sflag:$0x1], $0x80, $0x38;
	[tilespmem:$0xC00] =	vst v63  }
0x270: {  	s28 =	sadd.s32 $0x600, s15;
	s30 =	sadd.s32 $0x700, s15;
	s15 =	spop (v2sf)  }
0x271: {  	(v2sf) =	vpush v62, $0x5;
	[hbm4b:s24+s3] =	stream.linear.scatter [tilespmem:s23], [sflag:$0x1], $0x80, $0x38;
	[tilespmem:$0xC00] =	vst v63  }
0x272: {  	s26 =	sadd.s32 $0x12B0, s13;
	s16 =	sshll.u32 s15, $0x7  }
0x273: {  	[hbm4b:s26+s3] =	stream.linear.scatter [tilespmem:s25], [sflag:$0x1], $0x80, $0x38;
	[tilespmem:$0xC00] =	vst v63  }
0x274: {  	s29 =	sadd.s32 $0x1330, s13;
	s14 =	sshll.u32 s15, $0xA;
	s15 =	sand.u32 $0x80, s16  }
0x275: {  	[hbm4b:s29+s3] =	stream.linear.scatter [tilespmem:s28], [sflag:$0x1], $0x80, $0x38;
	[tilespmem:$0xC00] =	vst v63  }
0x276: {  	s31 =	sadd.s32 $0x13B0, s13;
	s14 =	sor.u32 s15, s14  }
0x277: {  	[hbm4b:s31+s3] =	stream.linear.scatter [tilespmem:s30], [sflag:$0x1], $0x80, $0x38;
	[tilespmem:$0xC00] =	vst v63  }
0x278: {  	s17 =	sadd.s32 $0x1040, s13;
	s15 =	sor.u32 $0x400, s14  }
0x279: {  	[hbm4b:s17+s3] =	stream.linear.scatter [tilespmem:s15], [sflag:$0x1], $0x80, $0x38;
	[tilespmem:$0xC00] =	vst v63  }
0x27a: {  	s19 =	sadd.s32 $0x10C0, s13;
	s21 =	sadd.s32 $0x1140, s13;
	s18 =	sor.u32 $0x500, s14  }
0x27b: {  	[hbm4b:s19+s3] =	stream.linear.scatter [tilespmem:s18], [sflag:$0x1], $0x80, $0x38;
	[tilespmem:$0xC00] =	vst v63  }
0x27c: {  	s22 =	sadd.s32 $0x11C0, s13;
	s24 =	sadd.s32 $0x1240, s13;
	s20 =	sor.u32 $0x600, s14  }
0x27d: {  	[hbm4b:s21+s3] =	stream.linear.scatter [tilespmem:s20], [sflag:$0x1], $0x80, $0x38;
	[tilespmem:$0xC00] =	vst v63  }
0x27e: {  	s14 =	sor.u32 $0x700, s14;
	s23 =	sadd.s32 $0x400, s15;
	s25 =	sadd.s32 $0x500, s15  }
0x27f: {  	[hbm4b:s22+s3] =	stream.linear.scatter [tilespmem:s14], [sflag:$0x1], $0x80, $0x38;
	[tilespmem:$0xC00] =	vst v63  }
0x280: {  	s28 =	sadd.s32 $0x600, s15;
	s30 =	sadd.s32 $0x700, s15;
	s15 =	spop (v2sf)  }
0x281: {  	(v2sf) =	vpush v62, $0x6;
	[hbm4b:s24+s3] =	stream.linear.scatter [tilespmem:s23], [sflag:$0x1], $0x80, $0x38;
	[tilespmem:$0xC00] =	vst v63  }
0x282: {  	s26 =	sadd.s32 $0x12C0, s13;
	s16 =	sshll.u32 s15, $0x7  }
0x283: {  	[hbm4b:s26+s3] =	stream.linear.scatter [tilespmem:s25], [sflag:$0x1], $0x80, $0x38;
	[tilespmem:$0xC00] =	vst v63  }
0x284: {  	s29 =	sadd.s32 $0x1340, s13;
	s14 =	sshll.u32 s15, $0xA;
	s15 =	sand.u32 $0x80, s16  }
0x285: {  	[hbm4b:s29+s3] =	stream.linear.scatter [tilespmem:s28], [sflag:$0x1], $0x80, $0x38;
	[tilespmem:$0xC00] =	vst v63  }
0x286: {  	s31 =	sadd.s32 $0x13C0, s13;
	s14 =	sor.u32 s15, s14  }
0x287: {  	[hbm4b:s31+s3] =	stream.linear.scatter [tilespmem:s30], [sflag:$0x1], $0x80, $0x38;
	[tilespmem:$0xC00] =	vst v63  }
0x288: {  	s17 =	sadd.s32 $0x1050, s13;
	s15 =	sor.u32 $0x400, s14  }
0x289: {  	[hbm4b:s17+s3] =	stream.linear.scatter [tilespmem:s15], [sflag:$0x1], $0x80, $0x38;
	[tilespmem:$0xC00] =	vst v63  }
0x28a: {  	s19 =	sadd.s32 $0x10D0, s13;
	s21 =	sadd.s32 $0x1150, s13;
	s18 =	sor.u32 $0x500, s14  }
0x28b: {  	[hbm4b:s19+s3] =	stream.linear.scatter [tilespmem:s18], [sflag:$0x1], $0x80, $0x38;
	[tilespmem:$0xC00] =	vst v63  }
0x28c: {  	s22 =	sadd.s32 $0x11D0, s13;
	s24 =	sadd.s32 $0x1250, s13;
	s20 =	sor.u32 $0x600, s14  }
0x28d: {  	[hbm4b:s21+s3] =	stream.linear.scatter [tilespmem:s20], [sflag:$0x1], $0x80, $0x38;
	[tilespmem:$0xC00] =	vst v63  }
0x28e: {  	s14 =	sor.u32 $0x700, s14;
	s23 =	sadd.s32 $0x400, s15;
	s25 =	sadd.s32 $0x500, s15  }
0x28f: {  	[hbm4b:s22+s3] =	stream.linear.scatter [tilespmem:s14], [sflag:$0x1], $0x80, $0x38;
	[tilespmem:$0xC00] =	vst v63  }
0x290: {  	s28 =	sadd.s32 $0x600, s15;
	s30 =	sadd.s32 $0x700, s15;
	s15 =	spop (v2sf)  }
0x291: {  	(v2sf) =	vpush v62, $0x7;
	[hbm4b:s24+s3] =	stream.linear.scatter [tilespmem:s23], [sflag:$0x1], $0x80, $0x38;
	[tilespmem:$0xC00] =	vst v63  }
0x292: {  	s26 =	sadd.s32 $0x12D0, s13;
	s16 =	sshll.u32 s15, $0x7  }
0x293: {  	[hbm4b:s26+s3] =	stream.linear.scatter [tilespmem:s25], [sflag:$0x1], $0x80, $0x38;
	[tilespmem:$0xC00] =	vst v63  }
0x294: {  	s29 =	sadd.s32 $0x1350, s13;
	s14 =	sshll.u32 s15, $0xA;
	s15 =	sand.u32 $0x80, s16  }
0x295: {  	[hbm4b:s29+s3] =	stream.linear.scatter [tilespmem:s28], [sflag:$0x1], $0x80, $0x38;
	[tilespmem:$0xC00] =	vst v63  }
0x296: {  	s31 =	sadd.s32 $0x13D0, s13;
	s14 =	sor.u32 s15, s14  }
0x297: {  	[hbm4b:s31+s3] =	stream.linear.scatter [tilespmem:s30], [sflag:$0x1], $0x80, $0x38;
	[tilespmem:$0xC00] =	vst v63  }
0x298: {  	s17 =	sadd.s32 $0x1060, s13;
	s15 =	sor.u32 $0x400, s14  }
0x299: {  	[hbm4b:s17+s3] =	stream.linear.scatter [tilespmem:s15], [sflag:$0x1], $0x80, $0x38;
	[tilespmem:$0xC00] =	vst v63  }
0x29a: {  	s19 =	sadd.s32 $0x10E0, s13;
	s21 =	sadd.s32 $0x1160, s13;
	s18 =	sor.u32 $0x500, s14  }
0x29b: {  	[hbm4b:s19+s3] =	stream.linear.scatter [tilespmem:s18], [sflag:$0x1], $0x80, $0x38;
	[tilespmem:$0xC00] =	vst v63  }
0x29c: {  	s22 =	sadd.s32 $0x11E0, s13;
	s24 =	sadd.s32 $0x1260, s13;
	s20 =	sor.u32 $0x600, s14  }
0x29d: {  	[hbm4b:s21+s3] =	stream.linear.scatter [tilespmem:s20], [sflag:$0x1], $0x80, $0x38;
	[tilespmem:$0xC00] =	vst v63  }
0x29e: {  	s14 =	sor.u32 $0x700, s14;
	s23 =	sadd.s32 $0x400, s15;
	s25 =	sadd.s32 $0x500, s15  }
0x29f: {  	[hbm4b:s22+s3] =	stream.linear.scatter [tilespmem:s14], [sflag:$0x1], $0x80, $0x38;
	[tilespmem:$0xC00] =	vst v63  }
0x2a0: {  	s28 =	sadd.s32 $0x600, s15;
	s30 =	sadd.s32 $0x700, s15;
	s15 =	spop (v2sf)  }
0x2a1: {  	(v2sf) =	vpush v62, $0x8;
	[hbm4b:s24+s3] =	stream.linear.scatter [tilespmem:s23], [sflag:$0x1], $0x80, $0x38;
	[tilespmem:$0xC00] =	vst v63  }
0x2a2: {  	s26 =	sadd.s32 $0x12E0, s13;
	s16 =	sshll.u32 s15, $0x7  }
0x2a3: {  	[hbm4b:s26+s3] =	stream.linear.scatter [tilespmem:s25], [sflag:$0x1], $0x80, $0x38;
	[tilespmem:$0xC00] =	vst v63  }
0x2a4: {  	s29 =	sadd.s32 $0x1360, s13;
	s14 =	sshll.u32 s15, $0xA;
	s15 =	sand.u32 $0x80, s16  }
0x2a5: {  	[hbm4b:s29+s3] =	stream.linear.scatter [tilespmem:s28], [sflag:$0x1], $0x80, $0x38;
	[tilespmem:$0xC00] =	vst v63  }
0x2a6: {  	s31 =	sadd.s32 $0x13E0, s13;
	s14 =	sor.u32 s15, s14  }
0x2a7: {  	[hbm4b:s31+s3] =	stream.linear.scatter [tilespmem:s30], [sflag:$0x1], $0x80, $0x38;
	[tilespmem:$0xC00] =	vst v63  }
0x2a8: {  	s17 =	sadd.s32 $0x1070, s13;
	s15 =	sor.u32 $0x400, s14  }
0x2a9: {  	[hbm4b:s17+s3] =	stream.linear.scatter [tilespmem:s15], [sflag:$0x1], $0x80, $0x38;
	[tilespmem:$0xC00] =	vst v63  }
0x2aa: {  	s19 =	sadd.s32 $0x10F0, s13;
	s21 =	sadd.s32 $0x1170, s13;
	s18 =	sor.u32 $0x500, s14  }
0x2ab: {  	[hbm4b:s19+s3] =	stream.linear.scatter [tilespmem:s18], [sflag:$0x1], $0x80, $0x38;
	[tilespmem:$0xC00] =	vst v63  }
0x2ac: {  	s22 =	sadd.s32 $0x11F0, s13;
	s20 =	sor.u32 $0x600, s14;
	s14 =	sor.u32 $0x700, s14  }
0x2ad: {  	[hbm4b:s21+s3] =	stream.linear.scatter [tilespmem:s20], [sflag:$0x1], $0x80, $0x38;
	[tilespmem:$0xC00] =	vst v63  }
0x2ae: {  	s24 =	sadd.s32 $0x1270, s13;
	s23 =	sadd.s32 $0x400, s15;
	s25 =	sadd.s32 $0x500, s15  }
0x2af: {  	[hbm4b:s22+s3] =	stream.linear.scatter [tilespmem:s14], [sflag:$0x1], $0x80, $0x38;
	[tilespmem:$0xC00] =	vst v63  }
0x2b0: {  	s28 =	sadd.s32 $0x600, s15;
	s30 =	sadd.s32 $0x700, s15;
	s15 =	spop (v2sf)  }
0x2b1: {  	(v2sf) =	vpush v62, $0x9;
	[hbm4b:s24+s3] =	stream.linear.scatter [tilespmem:s23], [sflag:$0x1], $0x80, $0x38;
	[tilespmem:$0xC00] =	vst v63  }
0x2b2: {  	s26 =	sadd.s32 $0x12F0, s13;
	s16 =	sshll.u32 s15, $0x7  }
0x2b3: {  	[hbm4b:s26+s3] =	stream.linear.scatter [tilespmem:s25], [sflag:$0x1], $0x80, $0x38;
	[tilespmem:$0xC00] =	vst v63  }
0x2b4: {  	s29 =	sadd.s32 $0x1370, s13;
	s14 =	sshll.u32 s15, $0xA;
	s15 =	sand.u32 $0x80, s16  }
0x2b5: {  	[hbm4b:s29+s3] =	stream.linear.scatter [tilespmem:s28], [sflag:$0x1], $0x80, $0x38;
	[tilespmem:$0xC00] =	vst v63  }
0x2b6: {  	s31 =	sadd.s32 $0x13F0, s13;
	s14 =	sor.u32 s15, s14  }
0x2b7: {  	[hbm4b:s31+s3] =	stream.linear.scatter [tilespmem:s30], [sflag:$0x1], $0x80, $0x38;
	[tilespmem:$0xC00] =	vst v63  }
0x2b8: {  	s17 =	sadd.s32 $0x1400, s13;
	s15 =	sor.u32 $0x400, s14  }
0x2b9: {  	[hbm4b:s17+s3] =	stream.linear.scatter [tilespmem:s15], [sflag:$0x1], $0x80, $0x38;
	[tilespmem:$0xC00] =	vst v63  }
0x2ba: {  	s19 =	sadd.s32 $0x1480, s13;
	s21 =	sadd.s32 $0x1500, s13;
	s18 =	sor.u32 $0x500, s14  }
0x2bb: {  	[hbm4b:s19+s3] =	stream.linear.scatter [tilespmem:s18], [sflag:$0x1], $0x80, $0x38;
	[tilespmem:$0xC00] =	vst v63  }
0x2bc: {  	s22 =	sadd.s32 $0x1580, s13;
	s20 =	sor.u32 $0x600, s14;
	s14 =	sor.u32 $0x700, s14  }
0x2bd: {  	[hbm4b:s21+s3] =	stream.linear.scatter [tilespmem:s20], [sflag:$0x1], $0x80, $0x38;
	[tilespmem:$0xC00] =	vst v63  }
0x2be: {  	s24 =	sadd.s32 $0x1600, s13;
	s23 =	sadd.s32 $0x400, s15;
	s25 =	sadd.s32 $0x500, s15  }
0x2bf: {  	[hbm4b:s22+s3] =	stream.linear.scatter [tilespmem:s14], [sflag:$0x1], $0x80, $0x38;
	[tilespmem:$0xC00] =	vst v63  }
0x2c0: {  	s28 =	sadd.s32 $0x600, s15;
	s30 =	sadd.s32 $0x700, s15;
	s15 =	spop (v2sf)  }
0x2c1: {  	(v2sf) =	vpush v62, $0xA;
	[hbm4b:s24+s3] =	stream.linear.scatter [tilespmem:s23], [sflag:$0x1], $0x80, $0x38;
	[tilespmem:$0xC00] =	vst v63  }
0x2c2: {  	s26 =	sadd.s32 $0x1680, s13;
	s16 =	sshll.u32 s15, $0x7  }
0x2c3: {  	[hbm4b:s26+s3] =	stream.linear.scatter [tilespmem:s25], [sflag:$0x1], $0x80, $0x38;
	[tilespmem:$0xC00] =	vst v63  }
0x2c4: {  	s29 =	sadd.s32 $0x1700, s13;
	s14 =	sshll.u32 s15, $0xA;
	s15 =	sand.u32 $0x80, s16  }
0x2c5: {  	[hbm4b:s29+s3] =	stream.linear.scatter [tilespmem:s28], [sflag:$0x1], $0x80, $0x38;
	[tilespmem:$0xC00] =	vst v63  }
0x2c6: {  	s31 =	sadd.s32 $0x1780, s13;
	s14 =	sor.u32 s15, s14  }
0x2c7: {  	[hbm4b:s31+s3] =	stream.linear.scatter [tilespmem:s30], [sflag:$0x1], $0x80, $0x38;
	[tilespmem:$0xC00] =	vst v63  }
0x2c8: {  	s17 =	sadd.s32 $0x1410, s13;
	s15 =	sor.u32 $0x400, s14  }
0x2c9: {  	[hbm4b:s17+s3] =	stream.linear.scatter [tilespmem:s15], [sflag:$0x1], $0x80, $0x38;
	[tilespmem:$0xC00] =	vst v63  }
0x2ca: {  	s19 =	sadd.s32 $0x1490, s13;
	s21 =	sadd.s32 $0x1510, s13;
	s18 =	sor.u32 $0x500, s14  }
0x2cb: {  	[hbm4b:s19+s3] =	stream.linear.scatter [tilespmem:s18], [sflag:$0x1], $0x80, $0x38;
	[tilespmem:$0xC00] =	vst v63  }
0x2cc: {  	s22 =	sadd.s32 $0x1590, s13;
	s20 =	sor.u32 $0x600, s14;
	s14 =	sor.u32 $0x700, s14  }
0x2cd: {  	[hbm4b:s21+s3] =	stream.linear.scatter [tilespmem:s20], [sflag:$0x1], $0x80, $0x38;
	[tilespmem:$0xC00] =	vst v63  }
0x2ce: {  	s24 =	sadd.s32 $0x1610, s13;
	s23 =	sadd.s32 $0x400, s15;
	s25 =	sadd.s32 $0x500, s15  }
0x2cf: {  	[hbm4b:s22+s3] =	stream.linear.scatter [tilespmem:s14], [sflag:$0x1], $0x80, $0x38;
	[tilespmem:$0xC00] =	vst v63  }
0x2d0: {  	s28 =	sadd.s32 $0x600, s15;
	s30 =	sadd.s32 $0x700, s15;
	s15 =	spop (v2sf)  }
0x2d1: {  	(v2sf) =	vpush v62, $0xB;
	[hbm4b:s24+s3] =	stream.linear.scatter [tilespmem:s23], [sflag:$0x1], $0x80, $0x38;
	[tilespmem:$0xC00] =	vst v63  }
0x2d2: {  	s26 =	sadd.s32 $0x1690, s13;
	s16 =	sshll.u32 s15, $0x7  }
0x2d3: {  	[hbm4b:s26+s3] =	stream.linear.scatter [tilespmem:s25], [sflag:$0x1], $0x80, $0x38;
	[tilespmem:$0xC00] =	vst v63  }
0x2d4: {  	s29 =	sadd.s32 $0x1710, s13;
	s14 =	sshll.u32 s15, $0xA;
	s15 =	sand.u32 $0x80, s16  }
0x2d5: {  	[hbm4b:s29+s3] =	stream.linear.scatter [tilespmem:s28], [sflag:$0x1], $0x80, $0x38;
	[tilespmem:$0xC00] =	vst v63  }
0x2d6: {  	s31 =	sadd.s32 $0x1790, s13;
	s14 =	sor.u32 s15, s14  }
0x2d7: {  	[hbm4b:s31+s3] =	stream.linear.scatter [tilespmem:s30], [sflag:$0x1], $0x80, $0x38;
	[tilespmem:$0xC00] =	vst v63  }
0x2d8: {  	s17 =	sadd.s32 $0x1420, s13;
	s15 =	sor.u32 $0x400, s14  }
0x2d9: {  	[hbm4b:s17+s3] =	stream.linear.scatter [tilespmem:s15], [sflag:$0x1], $0x80, $0x38;
	[tilespmem:$0xC00] =	vst v63  }
0x2da: {  	s19 =	sadd.s32 $0x14A0, s13;
	s21 =	sadd.s32 $0x1520, s13;
	s18 =	sor.u32 $0x500, s14  }
0x2db: {  	[hbm4b:s19+s3] =	stream.linear.scatter [tilespmem:s18], [sflag:$0x1], $0x80, $0x38;
	[tilespmem:$0xC00] =	vst v63  }
0x2dc: {  	s22 =	sadd.s32 $0x15A0, s13;
	s20 =	sor.u32 $0x600, s14;
	s14 =	sor.u32 $0x700, s14  }
0x2dd: {  	[hbm4b:s21+s3] =	stream.linear.scatter [tilespmem:s20], [sflag:$0x1], $0x80, $0x38;
	[tilespmem:$0xC00] =	vst v63  }
0x2de: {  	s24 =	sadd.s32 $0x1620, s13;
	s23 =	sadd.s32 $0x400, s15;
	s25 =	sadd.s32 $0x500, s15  }
0x2df: {  	[hbm4b:s22+s3] =	stream.linear.scatter [tilespmem:s14], [sflag:$0x1], $0x80, $0x38;
	[tilespmem:$0xC00] =	vst v63  }
0x2e0: {  	s28 =	sadd.s32 $0x600, s15;
	s30 =	sadd.s32 $0x700, s15;
	s15 =	spop (v2sf)  }
0x2e1: {  	(v2sf) =	vpush v62, $0xC;
	[hbm4b:s24+s3] =	stream.linear.scatter [tilespmem:s23], [sflag:$0x1], $0x80, $0x38;
	[tilespmem:$0xC00] =	vst v63  }
0x2e2: {  	s26 =	sadd.s32 $0x16A0, s13;
	s16 =	sshll.u32 s15, $0x7  }
0x2e3: {  	[hbm4b:s26+s3] =	stream.linear.scatter [tilespmem:s25], [sflag:$0x1], $0x80, $0x38;
	[tilespmem:$0xC00] =	vst v63  }
0x2e4: {  	s29 =	sadd.s32 $0x1720, s13;
	s14 =	sshll.u32 s15, $0xA;
	s15 =	sand.u32 $0x80, s16  }
0x2e5: {  	[hbm4b:s29+s3] =	stream.linear.scatter [tilespmem:s28], [sflag:$0x1], $0x80, $0x38;
	[tilespmem:$0xC00] =	vst v63  }
0x2e6: {  	s31 =	sadd.s32 $0x17A0, s13;
	s14 =	sor.u32 s15, s14  }
0x2e7: {  	[hbm4b:s31+s3] =	stream.linear.scatter [tilespmem:s30], [sflag:$0x1], $0x80, $0x38;
	[tilespmem:$0xC00] =	vst v63  }
0x2e8: {  	s17 =	sadd.s32 $0x1430, s13;
	s15 =	sor.u32 $0x400, s14  }
0x2e9: {  	[hbm4b:s17+s3] =	stream.linear.scatter [tilespmem:s15], [sflag:$0x1], $0x80, $0x38;
	[tilespmem:$0xC00] =	vst v63  }
0x2ea: {  	s19 =	sadd.s32 $0x14B0, s13;
	s21 =	sadd.s32 $0x1530, s13;
	s18 =	sor.u32 $0x500, s14  }
0x2eb: {  	[hbm4b:s19+s3] =	stream.linear.scatter [tilespmem:s18], [sflag:$0x1], $0x80, $0x38;
	[tilespmem:$0xC00] =	vst v63  }
0x2ec: {  	s22 =	sadd.s32 $0x15B0, s13;
	s20 =	sor.u32 $0x600, s14;
	s14 =	sor.u32 $0x700, s14  }
0x2ed: {  	[hbm4b:s21+s3] =	stream.linear.scatter [tilespmem:s20], [sflag:$0x1], $0x80, $0x38;
	[tilespmem:$0xC00] =	vst v63  }
0x2ee: {  	s24 =	sadd.s32 $0x1630, s13;
	s23 =	sadd.s32 $0x400, s15;
	s25 =	sadd.s32 $0x500, s15  }
0x2ef: {  	[hbm4b:s22+s3] =	stream.linear.scatter [tilespmem:s14], [sflag:$0x1], $0x80, $0x38;
	[tilespmem:$0xC00] =	vst v63  }
0x2f0: {  	s28 =	sadd.s32 $0x600, s15;
	s30 =	sadd.s32 $0x700, s15;
	s15 =	spop (v2sf)  }
0x2f1: {  	(v2sf) =	vpush v62, $0xD;
	[hbm4b:s24+s3] =	stream.linear.scatter [tilespmem:s23], [sflag:$0x1], $0x80, $0x38;
	[tilespmem:$0xC00] =	vst v63  }
0x2f2: {  	s26 =	sadd.s32 $0x16B0, s13;
	s16 =	sshll.u32 s15, $0x7  }
0x2f3: {  	[hbm4b:s26+s3] =	stream.linear.scatter [tilespmem:s25], [sflag:$0x1], $0x80, $0x38;
	[tilespmem:$0xC00] =	vst v63  }
0x2f4: {  	s29 =	sadd.s32 $0x1730, s13;
	s14 =	sshll.u32 s15, $0xA;
	s15 =	sand.u32 $0x80, s16  }
0x2f5: {  	[hbm4b:s29+s3] =	stream.linear.scatter [tilespmem:s28], [sflag:$0x1], $0x80, $0x38;
	[tilespmem:$0xC00] =	vst v63  }
0x2f6: {  	s31 =	sadd.s32 $0x17B0, s13;
	s14 =	sor.u32 s15, s14  }
0x2f7: {  	[hbm4b:s31+s3] =	stream.linear.scatter [tilespmem:s30], [sflag:$0x1], $0x80, $0x38;
	[tilespmem:$0xC00] =	vst v63  }
0x2f8: {  	s17 =	sadd.s32 $0x1440, s13;
	s15 =	sor.u32 $0x400, s14  }
0x2f9: {  	[hbm4b:s17+s3] =	stream.linear.scatter [tilespmem:s15], [sflag:$0x1], $0x80, $0x38;
	[tilespmem:$0xC00] =	vst v63  }
0x2fa: {  	s19 =	sadd.s32 $0x14C0, s13;
	s21 =	sadd.s32 $0x1540, s13;
	s18 =	sor.u32 $0x500, s14  }
0x2fb: {  	[hbm4b:s19+s3] =	stream.linear.scatter [tilespmem:s18], [sflag:$0x1], $0x80, $0x38;
	[tilespmem:$0xC00] =	vst v63  }
0x2fc: {  	s22 =	sadd.s32 $0x15C0, s13;
	s20 =	sor.u32 $0x600, s14;
	s14 =	sor.u32 $0x700, s14  }
0x2fd: {  	[hbm4b:s21+s3] =	stream.linear.scatter [tilespmem:s20], [sflag:$0x1], $0x80, $0x38;
	[tilespmem:$0xC00] =	vst v63  }
0x2fe: {  	s24 =	sadd.s32 $0x1640, s13;
	s23 =	sadd.s32 $0x400, s15;
	s25 =	sadd.s32 $0x500, s15  }
0x2ff: {  	[hbm4b:s22+s3] =	stream.linear.scatter [tilespmem:s14], [sflag:$0x1], $0x80, $0x38;
	[tilespmem:$0xC00] =	vst v63  }
0x300: {  	s28 =	sadd.s32 $0x600, s15;
	s30 =	sadd.s32 $0x700, s15;
	s15 =	spop (v2sf)  }
0x301: {  	(v2sf) =	vpush v62, $0xE;
	[hbm4b:s24+s3] =	stream.linear.scatter [tilespmem:s23], [sflag:$0x1], $0x80, $0x38;
	[tilespmem:$0xC00] =	vst v63  }
0x302: {  	s26 =	sadd.s32 $0x16C0, s13;
	s16 =	sshll.u32 s15, $0x7  }
0x303: {  	[hbm4b:s26+s3] =	stream.linear.scatter [tilespmem:s25], [sflag:$0x1], $0x80, $0x38;
	[tilespmem:$0xC00] =	vst v63  }
0x304: {  	s29 =	sadd.s32 $0x1740, s13;
	s14 =	sshll.u32 s15, $0xA;
	s15 =	sand.u32 $0x80, s16  }
0x305: {  	[hbm4b:s29+s3] =	stream.linear.scatter [tilespmem:s28], [sflag:$0x1], $0x80, $0x38;
	[tilespmem:$0xC00] =	vst v63  }
0x306: {  	s31 =	sadd.s32 $0x17C0, s13;
	s14 =	sor.u32 s15, s14  }
0x307: {  	[hbm4b:s31+s3] =	stream.linear.scatter [tilespmem:s30], [sflag:$0x1], $0x80, $0x38;
	[tilespmem:$0xC00] =	vst v63  }
0x308: {  	s17 =	sadd.s32 $0x1450, s13;
	s15 =	sor.u32 $0x400, s14  }
0x309: {  	[hbm4b:s17+s3] =	stream.linear.scatter [tilespmem:s15], [sflag:$0x1], $0x80, $0x38;
	[tilespmem:$0xC00] =	vst v63  }
0x30a: {  	s19 =	sadd.s32 $0x14D0, s13;
	s21 =	sadd.s32 $0x1550, s13;
	s18 =	sor.u32 $0x500, s14  }
0x30b: {  	[hbm4b:s19+s3] =	stream.linear.scatter [tilespmem:s18], [sflag:$0x1], $0x80, $0x38;
	[tilespmem:$0xC00] =	vst v63  }
0x30c: {  	s22 =	sadd.s32 $0x15D0, s13;
	s20 =	sor.u32 $0x600, s14;
	s14 =	sor.u32 $0x700, s14  }
0x30d: {  	[hbm4b:s21+s3] =	stream.linear.scatter [tilespmem:s20], [sflag:$0x1], $0x80, $0x38;
	[tilespmem:$0xC00] =	vst v63  }
0x30e: {  	s24 =	sadd.s32 $0x1650, s13;
	s23 =	sadd.s32 $0x400, s15;
	s25 =	sadd.s32 $0x500, s15  }
0x30f: {  	[hbm4b:s22+s3] =	stream.linear.scatter [tilespmem:s14], [sflag:$0x1], $0x80, $0x38;
	[tilespmem:$0xC00] =	vst v63  }
0x310: {  	s28 =	sadd.s32 $0x600, s15;
	s30 =	sadd.s32 $0x700, s15;
	s15 =	spop (v2sf)  }
0x311: {  	(v2sf) =	vpush v62, $0xF;
	[hbm4b:s24+s3] =	stream.linear.scatter [tilespmem:s23], [sflag:$0x1], $0x80, $0x38;
	[tilespmem:$0xC00] =	vst v63  }
0x312: {  	s26 =	sadd.s32 $0x16D0, s13;
	s16 =	sshll.u32 s15, $0x7  }
0x313: {  	[hbm4b:s26+s3] =	stream.linear.scatter [tilespmem:s25], [sflag:$0x1], $0x80, $0x38;
	[tilespmem:$0xC00] =	vst v63  }
0x314: {  	s29 =	sadd.s32 $0x1750, s13;
	s14 =	sshll.u32 s15, $0xA;
	s15 =	sand.u32 $0x80, s16  }
0x315: {  	[hbm4b:s29+s3] =	stream.linear.scatter [tilespmem:s28], [sflag:$0x1], $0x80, $0x38;
	[tilespmem:$0xC00] =	vst v63  }
0x316: {  	s31 =	sadd.s32 $0x17D0, s13;
	s14 =	sor.u32 s15, s14  }
0x317: {  	[hbm4b:s31+s3] =	stream.linear.scatter [tilespmem:s30], [sflag:$0x1], $0x80, $0x38;
	[tilespmem:$0xC00] =	vst v63  }
0x318: {  	s17 =	sadd.s32 $0x1460, s13;
	s15 =	sor.u32 $0x400, s14  }
0x319: {  	[hbm4b:s17+s3] =	stream.linear.scatter [tilespmem:s15], [sflag:$0x1], $0x80, $0x38;
	[tilespmem:$0xC00] =	vst v63  }
0x31a: {  	s19 =	sadd.s32 $0x14E0, s13;
	s21 =	sadd.s32 $0x1560, s13;
	s18 =	sor.u32 $0x500, s14  }
0x31b: {  	[hbm4b:s19+s3] =	stream.linear.scatter [tilespmem:s18], [sflag:$0x1], $0x80, $0x38;
	[tilespmem:$0xC00] =	vst v63  }
0x31c: {  	s22 =	sadd.s32 $0x15E0, s13;
	s20 =	sor.u32 $0x600, s14;
	s14 =	sor.u32 $0x700, s14  }
0x31d: {  	[hbm4b:s21+s3] =	stream.linear.scatter [tilespmem:s20], [sflag:$0x1], $0x80, $0x38;
	[tilespmem:$0xC00] =	vst v63  }
0x31e: {  	s24 =	sadd.s32 $0x1660, s13;
	s23 =	sadd.s32 $0x400, s15;
	s25 =	sadd.s32 $0x500, s15  }
0x31f: {  	[hbm4b:s22+s3] =	stream.linear.scatter [tilespmem:s14], [sflag:$0x1], $0x80, $0x38;
	[tilespmem:$0xC00] =	vst v63  }
0x320: {  	s28 =	sadd.s32 $0x600, s15;
	s30 =	sadd.s32 $0x700, s15;
	s15 =	spop (v2sf)  }
0x321: {  	[hbm4b:s24+s3] =	stream.linear.scatter [tilespmem:s23], [sflag:$0x1], $0x80, $0x38;
	[tilespmem:$0xC00] =	vst v63  }
0x322: {  	s26 =	sadd.s32 $0x16E0, s13;
	s16 =	sshll.u32 s15, $0x7  }
0x323: {  	[hbm4b:s26+s3] =	stream.linear.scatter [tilespmem:s25], [sflag:$0x1], $0x80, $0x38;
	[tilespmem:$0xC00] =	vst v63  }
0x324: {  	s29 =	sadd.s32 $0x1760, s13;
	s14 =	sshll.u32 s15, $0xA;
	s15 =	sand.u32 $0x80, s16  }
0x325: {  	[hbm4b:s29+s3] =	stream.linear.scatter [tilespmem:s28], [sflag:$0x1], $0x80, $0x38;
	[tilespmem:$0xC00] =	vst v63  }
0x326: {  	s31 =	sadd.s32 $0x17E0, s13;
	s14 =	sor.u32 s15, s14  }
0x327: {  	[hbm4b:s31+s3] =	stream.linear.scatter [tilespmem:s30], [sflag:$0x1], $0x80, $0x38;
	[tilespmem:$0xC00] =	vst v63  }
0x328: {  	s17 =	sadd.s32 $0x1470, s13;
	s15 =	sor.u32 $0x400, s14  }
0x329: {  	[hbm4b:s17+s3] =	stream.linear.scatter [tilespmem:s15], [sflag:$0x1], $0x80, $0x38;
	[tilespmem:$0xC00] =	vst v63  }
0x32a: {  	s19 =	sadd.s32 $0x14F0, s13;
	s18 =	sor.u32 $0x500, s14  }
0x32b: {  	[hbm4b:s19+s3] =	stream.linear.scatter [tilespmem:s18], [sflag:$0x1], $0x80, $0x38;
	[tilespmem:$0xC00] =	vst v63  }
0x32c: {  	s21 =	sadd.s32 $0x1570, s13;
	s20 =	sor.u32 $0x600, s14  }
0x32d: {  	[hbm4b:s21+s3] =	stream.linear.scatter [tilespmem:s20], [sflag:$0x1], $0x80, $0x38;
	[tilespmem:$0xC00] =	vst v63  }
0x32e: {  	s22 =	sadd.s32 $0x15F0, s13;
	s14 =	sor.u32 $0x700, s14  }
0x32f: {  	[hbm4b:s22+s3] =	stream.linear.scatter [tilespmem:s14], [sflag:$0x1], $0x80, $0x38;
	[tilespmem:$0xC00] =	vst v63  }
0x330: {  	s24 =	sadd.s32 $0x1670, s13;
	s23 =	sadd.s32 $0x400, s15  }
0x331: {  	[hbm4b:s24+s3] =	stream.linear.scatter [tilespmem:s23], [sflag:$0x1], $0x80, $0x38;
	[tilespmem:$0xC00] =	vst v63  }
0x332: {  	s25 =	sadd.s32 $0x500, s15;
	s26 =	sadd.s32 $0x16F0, s13  }
0x333: {  	[hbm4b:s26+s3] =	stream.linear.scatter [tilespmem:s25], [sflag:$0x1], $0x80, $0x38;
	[tilespmem:$0xC00] =	vst v63  }
0x334: {  	s28 =	sadd.s32 $0x600, s15;
	s29 =	sadd.s32 $0x1770, s13  }
0x335: {  	[hbm4b:s29+s3] =	stream.linear.scatter [tilespmem:s28], [sflag:$0x1], $0x80, $0x38;
	[tilespmem:$0xC00] =	vst v63  }
0x336: {  	s30 =	sadd.s32 $0x700, s15;
	s31 =	sadd.s32 $0x17F0, s13  }
0x337: {  	[hbm4b:s31+s3] =	stream.linear.scatter [tilespmem:s30], [sflag:$0x1], $0x80, $0x38;
	[tilespmem:$0xC00] =	vst v63  }
0x338: {  	v63 =	vld [tilespmem:s10+$0x10];
	_ =	sdelay $0x4  }
0x339: {  	(v2sf) =	vpush v63, $0x0;
	_ =	sdelay $0xe  }
0x33a: {  	s15 =	spop (v2sf)  }
0x33b: {  	(v2sf) =	vpush v63, $0x1;
	s16 =	sshll.u32 s15, $0x7  }
0x33c: {  	s14 =	sshll.u32 s15, $0xA;
	s15 =	sand.u32 $0x80, s16  }
0x33d: {  	s14 =	sor.u32 s15, s14  }
0x33e: {  	s17 =	sadd.s32 $0x1800, s13;
	s15 =	sor.u32 $0x400, s14  }
0x33f: {  	[hbm4b:s17+s3] =	stream.linear.scatter [tilespmem:s15], [sflag:$0x1], $0x80, $0x38;
	[tilespmem:$0xC00] =	vst v63  }
0x340: {  	s19 =	sadd.s32 $0x1880, s13;
	s18 =	sor.u32 $0x500, s14  }
0x341: {  	[hbm4b:s19+s3] =	stream.linear.scatter [tilespmem:s18], [sflag:$0x1], $0x80, $0x38;
	[tilespmem:$0xC00] =	vst v63  }
0x342: {  	s21 =	sadd.s32 $0x1900, s13;
	s20 =	sor.u32 $0x600, s14  }
0x343: {  	[hbm4b:s21+s3] =	stream.linear.scatter [tilespmem:s20], [sflag:$0x1], $0x80, $0x38;
	[tilespmem:$0xC00] =	vst v63  }
0x344: {  	s22 =	sadd.s32 $0x1980, s13;
	s14 =	sor.u32 $0x700, s14  }
0x345: {  	[hbm4b:s22+s3] =	stream.linear.scatter [tilespmem:s14], [sflag:$0x1], $0x80, $0x38;
	[tilespmem:$0xC00] =	vst v63  }
0x346: {  	s24 =	sadd.s32 $0x1A00, s13;
	s23 =	sadd.s32 $0x400, s15  }
0x347: {  	[hbm4b:s24+s3] =	stream.linear.scatter [tilespmem:s23], [sflag:$0x1], $0x80, $0x38;
	[tilespmem:$0xC00] =	vst v63  }
0x348: {  	s26 =	sadd.s32 $0x1A80, s13;
	s25 =	sadd.s32 $0x500, s15  }
0x349: {  	[hbm4b:s26+s3] =	stream.linear.scatter [tilespmem:s25], [sflag:$0x1], $0x80, $0x38;
	[tilespmem:$0xC00] =	vst v63  }
0x34a: {  	s28 =	sadd.s32 $0x600, s15;
	s30 =	sadd.s32 $0x700, s15;
	s15 =	spop (v2sf)  }
0x34b: {  	s29 =	sadd.s32 $0x1B00, s13;
	(v2sf) =	vpush v63, $0x2;
	s16 =	sshll.u32 s15, $0x7  }
0x34c: {  	[hbm4b:s29+s3] =	stream.linear.scatter [tilespmem:s28], [sflag:$0x1], $0x80, $0x38;
	[tilespmem:$0xC00] =	vst v63  }
0x34d: {  	s14 =	sshll.u32 s15, $0xA;
	s15 =	sand.u32 $0x80, s16  }
0x34e: {  	s31 =	sadd.s32 $0x1B80, s13;
	s14 =	sor.u32 s15, s14  }
0x34f: {  	[hbm4b:s31+s3] =	stream.linear.scatter [tilespmem:s30], [sflag:$0x1], $0x80, $0x38;
	[tilespmem:$0xC00] =	vst v63  }
0x350: {  	s17 =	sadd.s32 $0x1810, s13;
	s15 =	sor.u32 $0x400, s14  }
0x351: {  	[hbm4b:s17+s3] =	stream.linear.scatter [tilespmem:s15], [sflag:$0x1], $0x80, $0x38;
	[tilespmem:$0xC00] =	vst v63  }
0x352: {  	s19 =	sadd.s32 $0x1890, s13;
	s18 =	sor.u32 $0x500, s14  }
0x353: {  	[hbm4b:s19+s3] =	stream.linear.scatter [tilespmem:s18], [sflag:$0x1], $0x80, $0x38;
	[tilespmem:$0xC00] =	vst v63  }
0x354: {  	s21 =	sadd.s32 $0x1910, s13;
	s20 =	sor.u32 $0x600, s14  }
0x355: {  	[hbm4b:s21+s3] =	stream.linear.scatter [tilespmem:s20], [sflag:$0x1], $0x80, $0x38;
	[tilespmem:$0xC00] =	vst v63  }
0x356: {  	s22 =	sadd.s32 $0x1990, s13;
	s24 =	sadd.s32 $0x1A10, s13;
	s14 =	sor.u32 $0x700, s14  }
0x357: {  	[hbm4b:s22+s3] =	stream.linear.scatter [tilespmem:s14], [sflag:$0x1], $0x80, $0x38;
	[tilespmem:$0xC00] =	vst v63  }
0x358: {  	s26 =	sadd.s32 $0x1A90, s13;
	s23 =	sadd.s32 $0x400, s15;
	s25 =	sadd.s32 $0x500, s15  }
0x359: {  	[hbm4b:s24+s3] =	stream.linear.scatter [tilespmem:s23], [sflag:$0x1], $0x80, $0x38;
	[tilespmem:$0xC00] =	vst v63  }
0x35a: {  	s28 =	sadd.s32 $0x600, s15;
	s30 =	sadd.s32 $0x700, s15;
	s15 =	spop (v2sf)  }
0x35b: {  	[hbm4b:s26+s3] =	stream.linear.scatter [tilespmem:s25], [sflag:$0x1], $0x80, $0x38;
	[tilespmem:$0xC00] =	vst v63  }
0x35c: {  	(v2sf) =	vpush v63, $0x3;
	s16 =	sshll.u32 s15, $0x7  }
0x35d: {  	s29 =	sadd.s32 $0x1B10, s13;
	s14 =	sshll.u32 s15, $0xA;
	s15 =	sand.u32 $0x80, s16  }
0x35e: {  	[hbm4b:s29+s3] =	stream.linear.scatter [tilespmem:s28], [sflag:$0x1], $0x80, $0x38;
	[tilespmem:$0xC00] =	vst v63  }
0x35f: {  	s31 =	sadd.s32 $0x1B90, s13;
	s14 =	sor.u32 s15, s14  }
0x360: {  	[hbm4b:s31+s3] =	stream.linear.scatter [tilespmem:s30], [sflag:$0x1], $0x80, $0x38;
	[tilespmem:$0xC00] =	vst v63  }
0x361: {  	s17 =	sadd.s32 $0x1820, s13;
	s15 =	sor.u32 $0x400, s14  }
0x362: {  	[hbm4b:s17+s3] =	stream.linear.scatter [tilespmem:s15], [sflag:$0x1], $0x80, $0x38;
	[tilespmem:$0xC00] =	vst v63  }
0x363: {  	s19 =	sadd.s32 $0x18A0, s13;
	s18 =	sor.u32 $0x500, s14  }
0x364: {  	[hbm4b:s19+s3] =	stream.linear.scatter [tilespmem:s18], [sflag:$0x1], $0x80, $0x38;
	[tilespmem:$0xC00] =	vst v63  }
0x365: {  	s21 =	sadd.s32 $0x1920, s13;
	s20 =	sor.u32 $0x600, s14  }
0x366: {  	[hbm4b:s21+s3] =	stream.linear.scatter [tilespmem:s20], [sflag:$0x1], $0x80, $0x38;
	[tilespmem:$0xC00] =	vst v63  }
0x367: {  	s22 =	sadd.s32 $0x19A0, s13;
	s14 =	sor.u32 $0x700, s14  }
0x368: {  	[hbm4b:s22+s3] =	stream.linear.scatter [tilespmem:s14], [sflag:$0x1], $0x80, $0x38;
	[tilespmem:$0xC00] =	vst v63  }
0x369: {  	s24 =	sadd.s32 $0x1A20, s13;
	s23 =	sadd.s32 $0x400, s15;
	s25 =	sadd.s32 $0x500, s15  }
0x36a: {  	[hbm4b:s24+s3] =	stream.linear.scatter [tilespmem:s23], [sflag:$0x1], $0x80, $0x38;
	[tilespmem:$0xC00] =	vst v63  }
0x36b: {  	s28 =	sadd.s32 $0x600, s15;
	s30 =	sadd.s32 $0x700, s15;
	s15 =	spop (v2sf);
	(v2sf) =	vpush v63, $0x4  }
0x36c: {  	s26 =	sadd.s32 $0x1AA0, s13;
	s16 =	sshll.u32 s15, $0x7  }
0x36d: {  	[hbm4b:s26+s3] =	stream.linear.scatter [tilespmem:s25], [sflag:$0x1], $0x80, $0x38;
	[tilespmem:$0xC00] =	vst v63  }
0x36e: {  	s29 =	sadd.s32 $0x1B20, s13;
	s14 =	sshll.u32 s15, $0xA;
	s15 =	sand.u32 $0x80, s16  }
0x36f: {  	[hbm4b:s29+s3] =	stream.linear.scatter [tilespmem:s28], [sflag:$0x1], $0x80, $0x38;
	[tilespmem:$0xC00] =	vst v63  }
0x370: {  	s31 =	sadd.s32 $0x1BA0, s13;
	s14 =	sor.u32 s15, s14  }
0x371: {  	[hbm4b:s31+s3] =	stream.linear.scatter [tilespmem:s30], [sflag:$0x1], $0x80, $0x38;
	[tilespmem:$0xC00] =	vst v63  }
0x372: {  	s17 =	sadd.s32 $0x1830, s13;
	s15 =	sor.u32 $0x400, s14  }
0x373: {  	[hbm4b:s17+s3] =	stream.linear.scatter [tilespmem:s15], [sflag:$0x1], $0x80, $0x38;
	[tilespmem:$0xC00] =	vst v63  }
0x374: {  	s19 =	sadd.s32 $0x18B0, s13;
	s21 =	sadd.s32 $0x1930, s13;
	s18 =	sor.u32 $0x500, s14  }
0x375: {  	[hbm4b:s19+s3] =	stream.linear.scatter [tilespmem:s18], [sflag:$0x1], $0x80, $0x38;
	[tilespmem:$0xC00] =	vst v63  }
0x376: {  	s22 =	sadd.s32 $0x19B0, s13;
	s24 =	sadd.s32 $0x1A30, s13;
	s20 =	sor.u32 $0x600, s14  }
0x377: {  	[hbm4b:s21+s3] =	stream.linear.scatter [tilespmem:s20], [sflag:$0x1], $0x80, $0x38;
	[tilespmem:$0xC00] =	vst v63  }
0x378: {  	s14 =	sor.u32 $0x700, s14;
	s23 =	sadd.s32 $0x400, s15;
	s25 =	sadd.s32 $0x500, s15  }
0x379: {  	[hbm4b:s22+s3] =	stream.linear.scatter [tilespmem:s14], [sflag:$0x1], $0x80, $0x38;
	[tilespmem:$0xC00] =	vst v63  }
0x37a: {  	s28 =	sadd.s32 $0x600, s15;
	s30 =	sadd.s32 $0x700, s15;
	s15 =	spop (v2sf)  }
0x37b: {  	(v2sf) =	vpush v63, $0x5;
	[hbm4b:s24+s3] =	stream.linear.scatter [tilespmem:s23], [sflag:$0x1], $0x80, $0x38;
	[tilespmem:$0xC00] =	vst v63  }
0x37c: {  	s26 =	sadd.s32 $0x1AB0, s13;
	s16 =	sshll.u32 s15, $0x7  }
0x37d: {  	[hbm4b:s26+s3] =	stream.linear.scatter [tilespmem:s25], [sflag:$0x1], $0x80, $0x38;
	[tilespmem:$0xC00] =	vst v63  }
0x37e: {  	s29 =	sadd.s32 $0x1B30, s13;
	s14 =	sshll.u32 s15, $0xA;
	s15 =	sand.u32 $0x80, s16  }
0x37f: {  	[hbm4b:s29+s3] =	stream.linear.scatter [tilespmem:s28], [sflag:$0x1], $0x80, $0x38;
	[tilespmem:$0xC00] =	vst v63  }
0x380: {  	s31 =	sadd.s32 $0x1BB0, s13;
	s14 =	sor.u32 s15, s14  }
0x381: {  	[hbm4b:s31+s3] =	stream.linear.scatter [tilespmem:s30], [sflag:$0x1], $0x80, $0x38;
	[tilespmem:$0xC00] =	vst v63  }
0x382: {  	s17 =	sadd.s32 $0x1840, s13;
	s15 =	sor.u32 $0x400, s14  }
0x383: {  	[hbm4b:s17+s3] =	stream.linear.scatter [tilespmem:s15], [sflag:$0x1], $0x80, $0x38;
	[tilespmem:$0xC00] =	vst v63  }
0x384: {  	s19 =	sadd.s32 $0x18C0, s13;
	s21 =	sadd.s32 $0x1940, s13;
	s18 =	sor.u32 $0x500, s14  }
0x385: {  	[hbm4b:s19+s3] =	stream.linear.scatter [tilespmem:s18], [sflag:$0x1], $0x80, $0x38;
	[tilespmem:$0xC00] =	vst v63  }
0x386: {  	s22 =	sadd.s32 $0x19C0, s13;
	s24 =	sadd.s32 $0x1A40, s13;
	s20 =	sor.u32 $0x600, s14  }
0x387: {  	[hbm4b:s21+s3] =	stream.linear.scatter [tilespmem:s20], [sflag:$0x1], $0x80, $0x38;
	[tilespmem:$0xC00] =	vst v63  }
0x388: {  	s14 =	sor.u32 $0x700, s14;
	s23 =	sadd.s32 $0x400, s15;
	s25 =	sadd.s32 $0x500, s15  }
0x389: {  	[hbm4b:s22+s3] =	stream.linear.scatter [tilespmem:s14], [sflag:$0x1], $0x80, $0x38;
	[tilespmem:$0xC00] =	vst v63  }
0x38a: {  	s28 =	sadd.s32 $0x600, s15;
	s30 =	sadd.s32 $0x700, s15;
	s15 =	spop (v2sf)  }
0x38b: {  	(v2sf) =	vpush v63, $0x6;
	[hbm4b:s24+s3] =	stream.linear.scatter [tilespmem:s23], [sflag:$0x1], $0x80, $0x38;
	[tilespmem:$0xC00] =	vst v63  }
0x38c: {  	s26 =	sadd.s32 $0x1AC0, s13;
	s16 =	sshll.u32 s15, $0x7  }
0x38d: {  	[hbm4b:s26+s3] =	stream.linear.scatter [tilespmem:s25], [sflag:$0x1], $0x80, $0x38;
	[tilespmem:$0xC00] =	vst v63  }
0x38e: {  	s29 =	sadd.s32 $0x1B40, s13;
	s14 =	sshll.u32 s15, $0xA;
	s15 =	sand.u32 $0x80, s16  }
0x38f: {  	[hbm4b:s29+s3] =	stream.linear.scatter [tilespmem:s28], [sflag:$0x1], $0x80, $0x38;
	[tilespmem:$0xC00] =	vst v63  }
0x390: {  	s31 =	sadd.s32 $0x1BC0, s13;
	s14 =	sor.u32 s15, s14  }
0x391: {  	[hbm4b:s31+s3] =	stream.linear.scatter [tilespmem:s30], [sflag:$0x1], $0x80, $0x38;
	[tilespmem:$0xC00] =	vst v63  }
0x392: {  	s17 =	sadd.s32 $0x1850, s13;
	s15 =	sor.u32 $0x400, s14  }
0x393: {  	[hbm4b:s17+s3] =	stream.linear.scatter [tilespmem:s15], [sflag:$0x1], $0x80, $0x38;
	[tilespmem:$0xC00] =	vst v63  }
0x394: {  	s19 =	sadd.s32 $0x18D0, s13;
	s21 =	sadd.s32 $0x1950, s13;
	s18 =	sor.u32 $0x500, s14  }
0x395: {  	[hbm4b:s19+s3] =	stream.linear.scatter [tilespmem:s18], [sflag:$0x1], $0x80, $0x38;
	[tilespmem:$0xC00] =	vst v63  }
0x396: {  	s22 =	sadd.s32 $0x19D0, s13;
	s24 =	sadd.s32 $0x1A50, s13;
	s20 =	sor.u32 $0x600, s14  }
0x397: {  	[hbm4b:s21+s3] =	stream.linear.scatter [tilespmem:s20], [sflag:$0x1], $0x80, $0x38;
	[tilespmem:$0xC00] =	vst v63  }
0x398: {  	s14 =	sor.u32 $0x700, s14;
	s23 =	sadd.s32 $0x400, s15;
	s25 =	sadd.s32 $0x500, s15  }
0x399: {  	[hbm4b:s22+s3] =	stream.linear.scatter [tilespmem:s14], [sflag:$0x1], $0x80, $0x38;
	[tilespmem:$0xC00] =	vst v63  }
0x39a: {  	s28 =	sadd.s32 $0x600, s15;
	s30 =	sadd.s32 $0x700, s15;
	s15 =	spop (v2sf)  }
0x39b: {  	(v2sf) =	vpush v63, $0x7;
	[hbm4b:s24+s3] =	stream.linear.scatter [tilespmem:s23], [sflag:$0x1], $0x80, $0x38;
	[tilespmem:$0xC00] =	vst v63  }
0x39c: {  	s26 =	sadd.s32 $0x1AD0, s13;
	s16 =	sshll.u32 s15, $0x7  }
0x39d: {  	[hbm4b:s26+s3] =	stream.linear.scatter [tilespmem:s25], [sflag:$0x1], $0x80, $0x38;
	[tilespmem:$0xC00] =	vst v63  }
0x39e: {  	s29 =	sadd.s32 $0x1B50, s13;
	s14 =	sshll.u32 s15, $0xA;
	s15 =	sand.u32 $0x80, s16  }
0x39f: {  	[hbm4b:s29+s3] =	stream.linear.scatter [tilespmem:s28], [sflag:$0x1], $0x80, $0x38;
	[tilespmem:$0xC00] =	vst v63  }
0x3a0: {  	s31 =	sadd.s32 $0x1BD0, s13;
	s14 =	sor.u32 s15, s14  }
0x3a1: {  	[hbm4b:s31+s3] =	stream.linear.scatter [tilespmem:s30], [sflag:$0x1], $0x80, $0x38;
	[tilespmem:$0xC00] =	vst v63  }
0x3a2: {  	s17 =	sadd.s32 $0x1860, s13;
	s15 =	sor.u32 $0x400, s14  }
0x3a3: {  	[hbm4b:s17+s3] =	stream.linear.scatter [tilespmem:s15], [sflag:$0x1], $0x80, $0x38;
	[tilespmem:$0xC00] =	vst v63  }
0x3a4: {  	s19 =	sadd.s32 $0x18E0, s13;
	s21 =	sadd.s32 $0x1960, s13;
	s18 =	sor.u32 $0x500, s14  }
0x3a5: {  	[hbm4b:s19+s3] =	stream.linear.scatter [tilespmem:s18], [sflag:$0x1], $0x80, $0x38;
	[tilespmem:$0xC00] =	vst v63  }
0x3a6: {  	s22 =	sadd.s32 $0x19E0, s13;
	s24 =	sadd.s32 $0x1A60, s13;
	s20 =	sor.u32 $0x600, s14  }
0x3a7: {  	[hbm4b:s21+s3] =	stream.linear.scatter [tilespmem:s20], [sflag:$0x1], $0x80, $0x38;
	[tilespmem:$0xC00] =	vst v63  }
0x3a8: {  	s14 =	sor.u32 $0x700, s14;
	s23 =	sadd.s32 $0x400, s15;
	s25 =	sadd.s32 $0x500, s15  }
0x3a9: {  	[hbm4b:s22+s3] =	stream.linear.scatter [tilespmem:s14], [sflag:$0x1], $0x80, $0x38;
	[tilespmem:$0xC00] =	vst v63  }
0x3aa: {  	s28 =	sadd.s32 $0x600, s15;
	s30 =	sadd.s32 $0x700, s15;
	s15 =	spop (v2sf)  }
0x3ab: {  	(v2sf) =	vpush v63, $0x8;
	[hbm4b:s24+s3] =	stream.linear.scatter [tilespmem:s23], [sflag:$0x1], $0x80, $0x38;
	[tilespmem:$0xC00] =	vst v63  }
0x3ac: {  	s26 =	sadd.s32 $0x1AE0, s13;
	s16 =	sshll.u32 s15, $0x7  }
0x3ad: {  	[hbm4b:s26+s3] =	stream.linear.scatter [tilespmem:s25], [sflag:$0x1], $0x80, $0x38;
	[tilespmem:$0xC00] =	vst v63  }
0x3ae: {  	s29 =	sadd.s32 $0x1B60, s13;
	s14 =	sshll.u32 s15, $0xA;
	s15 =	sand.u32 $0x80, s16  }
0x3af: {  	[hbm4b:s29+s3] =	stream.linear.scatter [tilespmem:s28], [sflag:$0x1], $0x80, $0x38;
	[tilespmem:$0xC00] =	vst v63  }
0x3b0: {  	s31 =	sadd.s32 $0x1BE0, s13;
	s14 =	sor.u32 s15, s14  }
0x3b1: {  	[hbm4b:s31+s3] =	stream.linear.scatter [tilespmem:s30], [sflag:$0x1], $0x80, $0x38;
	[tilespmem:$0xC00] =	vst v63  }
0x3b2: {  	s17 =	sadd.s32 $0x1870, s13;
	s15 =	sor.u32 $0x400, s14  }
0x3b3: {  	[hbm4b:s17+s3] =	stream.linear.scatter [tilespmem:s15], [sflag:$0x1], $0x80, $0x38;
	[tilespmem:$0xC00] =	vst v63  }
0x3b4: {  	s19 =	sadd.s32 $0x18F0, s13;
	s21 =	sadd.s32 $0x1970, s13;
	s18 =	sor.u32 $0x500, s14  }
0x3b5: {  	[hbm4b:s19+s3] =	stream.linear.scatter [tilespmem:s18], [sflag:$0x1], $0x80, $0x38;
	[tilespmem:$0xC00] =	vst v63  }
0x3b6: {  	s22 =	sadd.s32 $0x19F0, s13;
	s20 =	sor.u32 $0x600, s14;
	s14 =	sor.u32 $0x700, s14  }
0x3b7: {  	[hbm4b:s21+s3] =	stream.linear.scatter [tilespmem:s20], [sflag:$0x1], $0x80, $0x38;
	[tilespmem:$0xC00] =	vst v63  }
0x3b8: {  	s24 =	sadd.s32 $0x1A70, s13;
	s23 =	sadd.s32 $0x400, s15;
	s25 =	sadd.s32 $0x500, s15  }
0x3b9: {  	[hbm4b:s22+s3] =	stream.linear.scatter [tilespmem:s14], [sflag:$0x1], $0x80, $0x38;
	[tilespmem:$0xC00] =	vst v63  }
0x3ba: {  	s28 =	sadd.s32 $0x600, s15;
	s30 =	sadd.s32 $0x700, s15;
	s15 =	spop (v2sf)  }
0x3bb: {  	(v2sf) =	vpush v63, $0x9;
	[hbm4b:s24+s3] =	stream.linear.scatter [tilespmem:s23], [sflag:$0x1], $0x80, $0x38;
	[tilespmem:$0xC00] =	vst v63  }
0x3bc: {  	s26 =	sadd.s32 $0x1AF0, s13;
	s16 =	sshll.u32 s15, $0x7  }
0x3bd: {  	[hbm4b:s26+s3] =	stream.linear.scatter [tilespmem:s25], [sflag:$0x1], $0x80, $0x38;
	[tilespmem:$0xC00] =	vst v63  }
0x3be: {  	s29 =	sadd.s32 $0x1B70, s13;
	s14 =	sshll.u32 s15, $0xA;
	s15 =	sand.u32 $0x80, s16  }
0x3bf: {  	[hbm4b:s29+s3] =	stream.linear.scatter [tilespmem:s28], [sflag:$0x1], $0x80, $0x38;
	[tilespmem:$0xC00] =	vst v63  }
0x3c0: {  	s31 =	sadd.s32 $0x1BF0, s13;
	s14 =	sor.u32 s15, s14  }
0x3c1: {  	[hbm4b:s31+s3] =	stream.linear.scatter [tilespmem:s30], [sflag:$0x1], $0x80, $0x38;
	[tilespmem:$0xC00] =	vst v63  }
0x3c2: {  	s17 =	sadd.s32 $0x1C00, s13;
	s15 =	sor.u32 $0x400, s14  }
0x3c3: {  	[hbm4b:s17+s3] =	stream.linear.scatter [tilespmem:s15], [sflag:$0x1], $0x80, $0x38;
	[tilespmem:$0xC00] =	vst v63  }
0x3c4: {  	s19 =	sadd.s32 $0x1C80, s13;
	s21 =	sadd.s32 $0x1D00, s13;
	s18 =	sor.u32 $0x500, s14  }
0x3c5: {  	[hbm4b:s19+s3] =	stream.linear.scatter [tilespmem:s18], [sflag:$0x1], $0x80, $0x38;
	[tilespmem:$0xC00] =	vst v63  }
0x3c6: {  	s22 =	sadd.s32 $0x1D80, s13;
	s20 =	sor.u32 $0x600, s14;
	s14 =	sor.u32 $0x700, s14  }
0x3c7: {  	[hbm4b:s21+s3] =	stream.linear.scatter [tilespmem:s20], [sflag:$0x1], $0x80, $0x38;
	[tilespmem:$0xC00] =	vst v63  }
0x3c8: {  	s24 =	sadd.s32 $0x1E00, s13;
	s23 =	sadd.s32 $0x400, s15;
	s25 =	sadd.s32 $0x500, s15  }
0x3c9: {  	[hbm4b:s22+s3] =	stream.linear.scatter [tilespmem:s14], [sflag:$0x1], $0x80, $0x38;
	[tilespmem:$0xC00] =	vst v63  }
0x3ca: {  	s28 =	sadd.s32 $0x600, s15;
	s30 =	sadd.s32 $0x700, s15;
	s15 =	spop (v2sf)  }
0x3cb: {  	(v2sf) =	vpush v63, $0xA;
	[hbm4b:s24+s3] =	stream.linear.scatter [tilespmem:s23], [sflag:$0x1], $0x80, $0x38;
	[tilespmem:$0xC00] =	vst v63  }
0x3cc: {  	s26 =	sadd.s32 $0x1E80, s13;
	s16 =	sshll.u32 s15, $0x7  }
0x3cd: {  	[hbm4b:s26+s3] =	stream.linear.scatter [tilespmem:s25], [sflag:$0x1], $0x80, $0x38;
	[tilespmem:$0xC00] =	vst v63  }
0x3ce: {  	s29 =	sadd.s32 $0x1F00, s13;
	s14 =	sshll.u32 s15, $0xA;
	s15 =	sand.u32 $0x80, s16  }
0x3cf: {  	[hbm4b:s29+s3] =	stream.linear.scatter [tilespmem:s28], [sflag:$0x1], $0x80, $0x38;
	[tilespmem:$0xC00] =	vst v63  }
0x3d0: {  	s31 =	sadd.s32 $0x1F80, s13;
	s14 =	sor.u32 s15, s14  }
0x3d1: {  	[hbm4b:s31+s3] =	stream.linear.scatter [tilespmem:s30], [sflag:$0x1], $0x80, $0x38;
	[tilespmem:$0xC00] =	vst v63  }
0x3d2: {  	s17 =	sadd.s32 $0x1C10, s13;
	s15 =	sor.u32 $0x400, s14  }
0x3d3: {  	[hbm4b:s17+s3] =	stream.linear.scatter [tilespmem:s15], [sflag:$0x1], $0x80, $0x38;
	[tilespmem:$0xC00] =	vst v63  }
0x3d4: {  	s19 =	sadd.s32 $0x1C90, s13;
	s21 =	sadd.s32 $0x1D10, s13;
	s18 =	sor.u32 $0x500, s14  }
0x3d5: {  	[hbm4b:s19+s3] =	stream.linear.scatter [tilespmem:s18], [sflag:$0x1], $0x80, $0x38;
	[tilespmem:$0xC00] =	vst v63  }
0x3d6: {  	s22 =	sadd.s32 $0x1D90, s13;
	s20 =	sor.u32 $0x600, s14;
	s14 =	sor.u32 $0x700, s14  }
0x3d7: {  	[hbm4b:s21+s3] =	stream.linear.scatter [tilespmem:s20], [sflag:$0x1], $0x80, $0x38;
	[tilespmem:$0xC00] =	vst v63  }
0x3d8: {  	s24 =	sadd.s32 $0x1E10, s13;
	s23 =	sadd.s32 $0x400, s15;
	s25 =	sadd.s32 $0x500, s15  }
0x3d9: {  	[hbm4b:s22+s3] =	stream.linear.scatter [tilespmem:s14], [sflag:$0x1], $0x80, $0x38;
	[tilespmem:$0xC00] =	vst v63  }
0x3da: {  	s28 =	sadd.s32 $0x600, s15;
	s30 =	sadd.s32 $0x700, s15;
	s15 =	spop (v2sf)  }
0x3db: {  	(v2sf) =	vpush v63, $0xB;
	[hbm4b:s24+s3] =	stream.linear.scatter [tilespmem:s23], [sflag:$0x1], $0x80, $0x38;
	[tilespmem:$0xC00] =	vst v63  }
0x3dc: {  	s26 =	sadd.s32 $0x1E90, s13;
	s16 =	sshll.u32 s15, $0x7  }
0x3dd: {  	[hbm4b:s26+s3] =	stream.linear.scatter [tilespmem:s25], [sflag:$0x1], $0x80, $0x38;
	[tilespmem:$0xC00] =	vst v63  }
0x3de: {  	s29 =	sadd.s32 $0x1F10, s13;
	s14 =	sshll.u32 s15, $0xA;
	s15 =	sand.u32 $0x80, s16  }
0x3df: {  	[hbm4b:s29+s3] =	stream.linear.scatter [tilespmem:s28], [sflag:$0x1], $0x80, $0x38;
	[tilespmem:$0xC00] =	vst v63  }
0x3e0: {  	s31 =	sadd.s32 $0x1F90, s13;
	s14 =	sor.u32 s15, s14  }
0x3e1: {  	[hbm4b:s31+s3] =	stream.linear.scatter [tilespmem:s30], [sflag:$0x1], $0x80, $0x38;
	[tilespmem:$0xC00] =	vst v63  }
0x3e2: {  	s17 =	sadd.s32 $0x1C20, s13;
	s15 =	sor.u32 $0x400, s14  }
0x3e3: {  	[hbm4b:s17+s3] =	stream.linear.scatter [tilespmem:s15], [sflag:$0x1], $0x80, $0x38;
	[tilespmem:$0xC00] =	vst v63  }
0x3e4: {  	s19 =	sadd.s32 $0x1CA0, s13;
	s21 =	sadd.s32 $0x1D20, s13;
	s18 =	sor.u32 $0x500, s14  }
0x3e5: {  	[hbm4b:s19+s3] =	stream.linear.scatter [tilespmem:s18], [sflag:$0x1], $0x80, $0x38;
	[tilespmem:$0xC00] =	vst v63  }
0x3e6: {  	s22 =	sadd.s32 $0x1DA0, s13;
	s20 =	sor.u32 $0x600, s14;
	s14 =	sor.u32 $0x700, s14  }
0x3e7: {  	[hbm4b:s21+s3] =	stream.linear.scatter [tilespmem:s20], [sflag:$0x1], $0x80, $0x38;
	[tilespmem:$0xC00] =	vst v63  }
0x3e8: {  	s24 =	sadd.s32 $0x1E20, s13;
	s23 =	sadd.s32 $0x400, s15;
	s25 =	sadd.s32 $0x500, s15  }
0x3e9: {  	[hbm4b:s22+s3] =	stream.linear.scatter [tilespmem:s14], [sflag:$0x1], $0x80, $0x38;
	[tilespmem:$0xC00] =	vst v63  }
0x3ea: {  	s28 =	sadd.s32 $0x600, s15;
	s30 =	sadd.s32 $0x700, s15;
	s15 =	spop (v2sf)  }
0x3eb: {  	(v2sf) =	vpush v63, $0xC;
	[hbm4b:s24+s3] =	stream.linear.scatter [tilespmem:s23], [sflag:$0x1], $0x80, $0x38;
	[tilespmem:$0xC00] =	vst v63  }
0x3ec: {  	s26 =	sadd.s32 $0x1EA0, s13;
	s16 =	sshll.u32 s15, $0x7  }
0x3ed: {  	[hbm4b:s26+s3] =	stream.linear.scatter [tilespmem:s25], [sflag:$0x1], $0x80, $0x38;
	[tilespmem:$0xC00] =	vst v63  }
0x3ee: {  	s29 =	sadd.s32 $0x1F20, s13;
	s14 =	sshll.u32 s15, $0xA;
	s15 =	sand.u32 $0x80, s16  }
0x3ef: {  	[hbm4b:s29+s3] =	stream.linear.scatter [tilespmem:s28], [sflag:$0x1], $0x80, $0x38;
	[tilespmem:$0xC00] =	vst v63  }
0x3f0: {  	s31 =	sadd.s32 $0x1FA0, s13;
	s14 =	sor.u32 s15, s14  }
0x3f1: {  	[hbm4b:s31+s3] =	stream.linear.scatter [tilespmem:s30], [sflag:$0x1], $0x80, $0x38;
	[tilespmem:$0xC00] =	vst v63  }
0x3f2: {  	s17 =	sadd.s32 $0x1C30, s13;
	s15 =	sor.u32 $0x400, s14  }
0x3f3: {  	[hbm4b:s17+s3] =	stream.linear.scatter [tilespmem:s15], [sflag:$0x1], $0x80, $0x38;
	[tilespmem:$0xC00] =	vst v63  }
0x3f4: {  	s19 =	sadd.s32 $0x1CB0, s13;
	s21 =	sadd.s32 $0x1D30, s13;
	s18 =	sor.u32 $0x500, s14  }
0x3f5: {  	[hbm4b:s19+s3] =	stream.linear.scatter [tilespmem:s18], [sflag:$0x1], $0x80, $0x38;
	[tilespmem:$0xC00] =	vst v63  }
0x3f6: {  	s22 =	sadd.s32 $0x1DB0, s13;
	s20 =	sor.u32 $0x600, s14;
	s14 =	sor.u32 $0x700, s14  }
0x3f7: {  	[hbm4b:s21+s3] =	stream.linear.scatter [tilespmem:s20], [sflag:$0x1], $0x80, $0x38;
	[tilespmem:$0xC00] =	vst v63  }
0x3f8: {  	s24 =	sadd.s32 $0x1E30, s13;
	s23 =	sadd.s32 $0x400, s15;
	s25 =	sadd.s32 $0x500, s15  }
0x3f9: {  	[hbm4b:s22+s3] =	stream.linear.scatter [tilespmem:s14], [sflag:$0x1], $0x80, $0x38;
	[tilespmem:$0xC00] =	vst v63  }
0x3fa: {  	s28 =	sadd.s32 $0x600, s15;
	s30 =	sadd.s32 $0x700, s15;
	s15 =	spop (v2sf)  }
0x3fb: {  	(v2sf) =	vpush v63, $0xD;
	[hbm4b:s24+s3] =	stream.linear.scatter [tilespmem:s23], [sflag:$0x1], $0x80, $0x38;
	[tilespmem:$0xC00] =	vst v63  }
0x3fc: {  	s26 =	sadd.s32 $0x1EB0, s13;
	s16 =	sshll.u32 s15, $0x7  }
0x3fd: {  	[hbm4b:s26+s3] =	stream.linear.scatter [tilespmem:s25], [sflag:$0x1], $0x80, $0x38;
	[tilespmem:$0xC00] =	vst v63  }
0x3fe: {  	s29 =	sadd.s32 $0x1F30, s13;
	s14 =	sshll.u32 s15, $0xA;
	s15 =	sand.u32 $0x80, s16  }
0x3ff: {  	[hbm4b:s29+s3] =	stream.linear.scatter [tilespmem:s28], [sflag:$0x1], $0x80, $0x38;
	[tilespmem:$0xC00] =	vst v63  }
0x400: {  	s31 =	sadd.s32 $0x1FB0, s13;
	s14 =	sor.u32 s15, s14  }
0x401: {  	[hbm4b:s31+s3] =	stream.linear.scatter [tilespmem:s30], [sflag:$0x1], $0x80, $0x38;
	[tilespmem:$0xC00] =	vst v63  }
0x402: {  	s17 =	sadd.s32 $0x1C40, s13;
	s15 =	sor.u32 $0x400, s14  }
0x403: {  	[hbm4b:s17+s3] =	stream.linear.scatter [tilespmem:s15], [sflag:$0x1], $0x80, $0x38;
	[tilespmem:$0xC00] =	vst v63  }
0x404: {  	s19 =	sadd.s32 $0x1CC0, s13;
	s21 =	sadd.s32 $0x1D40, s13;
	s18 =	sor.u32 $0x500, s14  }
0x405: {  	[hbm4b:s19+s3] =	stream.linear.scatter [tilespmem:s18], [sflag:$0x1], $0x80, $0x38;
	[tilespmem:$0xC00] =	vst v63  }
0x406: {  	s22 =	sadd.s32 $0x1DC0, s13;
	s20 =	sor.u32 $0x600, s14;
	s14 =	sor.u32 $0x700, s14  }
0x407: {  	[hbm4b:s21+s3] =	stream.linear.scatter [tilespmem:s20], [sflag:$0x1], $0x80, $0x38;
	[tilespmem:$0xC00] =	vst v63  }
0x408: {  	s24 =	sadd.s32 $0x1E40, s13;
	s23 =	sadd.s32 $0x400, s15;
	s25 =	sadd.s32 $0x500, s15  }
0x409: {  	[hbm4b:s22+s3] =	stream.linear.scatter [tilespmem:s14], [sflag:$0x1], $0x80, $0x38;
	[tilespmem:$0xC00] =	vst v63  }
0x40a: {  	s28 =	sadd.s32 $0x600, s15;
	s30 =	sadd.s32 $0x700, s15;
	s15 =	spop (v2sf)  }
0x40b: {  	(v2sf) =	vpush v63, $0xE;
	[hbm4b:s24+s3] =	stream.linear.scatter [tilespmem:s23], [sflag:$0x1], $0x80, $0x38;
	[tilespmem:$0xC00] =	vst v63  }
0x40c: {  	s26 =	sadd.s32 $0x1EC0, s13;
	s16 =	sshll.u32 s15, $0x7  }
0x40d: {  	[hbm4b:s26+s3] =	stream.linear.scatter [tilespmem:s25], [sflag:$0x1], $0x80, $0x38;
	[tilespmem:$0xC00] =	vst v63  }
0x40e: {  	s29 =	sadd.s32 $0x1F40, s13;
	s14 =	sshll.u32 s15, $0xA;
	s15 =	sand.u32 $0x80, s16  }
0x40f: {  	[hbm4b:s29+s3] =	stream.linear.scatter [tilespmem:s28], [sflag:$0x1], $0x80, $0x38;
	[tilespmem:$0xC00] =	vst v63  }
0x410: {  	s31 =	sadd.s32 $0x1FC0, s13;
	s14 =	sor.u32 s15, s14  }
0x411: {  	[hbm4b:s31+s3] =	stream.linear.scatter [tilespmem:s30], [sflag:$0x1], $0x80, $0x38;
	[tilespmem:$0xC00] =	vst v63  }
0x412: {  	s17 =	sadd.s32 $0x1C50, s13;
	s15 =	sor.u32 $0x400, s14  }
0x413: {  	[hbm4b:s17+s3] =	stream.linear.scatter [tilespmem:s15], [sflag:$0x1], $0x80, $0x38;
	[tilespmem:$0xC00] =	vst v63  }
0x414: {  	s19 =	sadd.s32 $0x1CD0, s13;
	s21 =	sadd.s32 $0x1D50, s13;
	s18 =	sor.u32 $0x500, s14  }
0x415: {  	[hbm4b:s19+s3] =	stream.linear.scatter [tilespmem:s18], [sflag:$0x1], $0x80, $0x38;
	[tilespmem:$0xC00] =	vst v63  }
0x416: {  	s22 =	sadd.s32 $0x1DD0, s13;
	s20 =	sor.u32 $0x600, s14;
	s14 =	sor.u32 $0x700, s14  }
0x417: {  	[hbm4b:s21+s3] =	stream.linear.scatter [tilespmem:s20], [sflag:$0x1], $0x80, $0x38;
	[tilespmem:$0xC00] =	vst v63  }
0x418: {  	s24 =	sadd.s32 $0x1E50, s13;
	s23 =	sadd.s32 $0x400, s15;
	s25 =	sadd.s32 $0x500, s15  }
0x419: {  	[hbm4b:s22+s3] =	stream.linear.scatter [tilespmem:s14], [sflag:$0x1], $0x80, $0x38;
	[tilespmem:$0xC00] =	vst v63  }
0x41a: {  	s28 =	sadd.s32 $0x600, s15;
	s30 =	sadd.s32 $0x700, s15;
	s15 =	spop (v2sf)  }
0x41b: {  	(v2sf) =	vpush v63, $0xF;
	[hbm4b:s24+s3] =	stream.linear.scatter [tilespmem:s23], [sflag:$0x1], $0x80, $0x38;
	[tilespmem:$0xC00] =	vst v63  }
0x41c: {  	s26 =	sadd.s32 $0x1ED0, s13;
	s16 =	sshll.u32 s15, $0x7  }
0x41d: {  	[hbm4b:s26+s3] =	stream.linear.scatter [tilespmem:s25], [sflag:$0x1], $0x80, $0x38;
	[tilespmem:$0xC00] =	vst v63  }
0x41e: {  	s29 =	sadd.s32 $0x1F50, s13;
	s14 =	sshll.u32 s15, $0xA;
	s15 =	sand.u32 $0x80, s16  }
0x41f: {  	[hbm4b:s29+s3] =	stream.linear.scatter [tilespmem:s28], [sflag:$0x1], $0x80, $0x38;
	[tilespmem:$0xC00] =	vst v63  }
0x420: {  	s31 =	sadd.s32 $0x1FD0, s13;
	s14 =	sor.u32 s15, s14  }
0x421: {  	[hbm4b:s31+s3] =	stream.linear.scatter [tilespmem:s30], [sflag:$0x1], $0x80, $0x38;
	[tilespmem:$0xC00] =	vst v63  }
0x422: {  	s17 =	sadd.s32 $0x1C60, s13;
	s15 =	sor.u32 $0x400, s14  }
0x423: {  	[hbm4b:s17+s3] =	stream.linear.scatter [tilespmem:s15], [sflag:$0x1], $0x80, $0x38;
	[tilespmem:$0xC00] =	vst v63  }
0x424: {  	s19 =	sadd.s32 $0x1CE0, s13;
	s18 =	sor.u32 $0x500, s14  }
0x425: {  	[hbm4b:s19+s3] =	stream.linear.scatter [tilespmem:s18], [sflag:$0x1], $0x80, $0x38;
	[tilespmem:$0xC00] =	vst v63  }
0x426: {  	s21 =	sadd.s32 $0x1D60, s13;
	s22 =	sadd.s32 $0x1DE0, s13;
	s20 =	sor.u32 $0x600, s14  }
0x427: {  	[hbm4b:s21+s3] =	stream.linear.scatter [tilespmem:s20], [sflag:$0x1], $0x80, $0x38;
	[tilespmem:$0xC00] =	vst v63  }
0x428: {  	s14 =	sor.u32 $0x700, s14;
	s24 =	sadd.s32 $0x1E60, s13;
	s23 =	sadd.s32 $0x400, s15  }
0x429: {  	[hbm4b:s22+s3] =	stream.linear.scatter [tilespmem:s14], [sflag:$0x1], $0x80, $0x38;
	[tilespmem:$0xC00] =	vst v63  }
0x42a: {  	s25 =	sadd.s32 $0x500, s15;
	s26 =	sadd.s32 $0x1EE0, s13;
	s16 =	spop (v2sf)  }
0x42b: {  	[hbm4b:s24+s3] =	stream.linear.scatter [tilespmem:s23], [sflag:$0x1], $0x80, $0x38;
	[tilespmem:$0xC00] =	vst v63  }
0x42c: {  	s28 =	sadd.s32 $0x600, s15;
	s29 =	sadd.s32 $0x1F60, s13;
	s17 =	sshll.u32 s16, $0x7  }
0x42d: {  	[hbm4b:s26+s3] =	stream.linear.scatter [tilespmem:s25], [sflag:$0x1], $0x80, $0x38;
	[tilespmem:$0xC00] =	vst v63  }
0x42e: {  	s30 =	sadd.s32 $0x700, s15;
	s15 =	sand.u32 $0x80, s17;
	s14 =	sshll.u32 s16, $0xA  }
0x42f: {  	[hbm4b:s29+s3] =	stream.linear.scatter [tilespmem:s28], [sflag:$0x1], $0x80, $0x38;
	[tilespmem:$0xC00] =	vst v63  }
0x430: {  	s31 =	sadd.s32 $0x1FE0, s13;
	s14 =	sor.u32 s15, s14  }
0x431: {  	[hbm4b:s31+s3] =	stream.linear.scatter [tilespmem:s30], [sflag:$0x1], $0x80, $0x38;
	[tilespmem:$0xC00] =	vst v63  }
0x432: {  	s18 =	sadd.s32 $0x1C70, s13;
	s15 =	sor.u32 $0x400, s14  }
0x433: {  	[hbm4b:s18+s3] =	stream.linear.scatter [tilespmem:s15], [sflag:$0x1], $0x80, $0x38;
	[tilespmem:$0xC00] =	vst v63  }
0x434: {  	s20 =	sadd.s32 $0x1CF0, s13;
	s19 =	sor.u32 $0x500, s14  }
0x435: {  	[hbm4b:s20+s3] =	stream.linear.scatter [tilespmem:s19], [sflag:$0x1], $0x80, $0x38;
	[tilespmem:$0xC00] =	vst v63  }
0x436: {  	s22 =	sadd.s32 $0x1D70, s13;
	s21 =	sor.u32 $0x600, s14  }
0x437: {  	[hbm4b:s22+s3] =	stream.linear.scatter [tilespmem:s21], [sflag:$0x1], $0x80, $0x38;
	[tilespmem:$0xC00] =	vst v63  }
0x438: {  	s14 =	sor.u32 $0x700, s14;
	s23 =	sadd.s32 $0x1DF0, s13  }
0x439: {  	[hbm4b:s23+s3] =	stream.linear.scatter [tilespmem:s14], [sflag:$0x1], $0x80, $0x38;
	[tilespmem:$0xC00] =	vst v63  }
0x43a: {  	s24 =	sadd.s32 $0x400, s15;
	s25 =	sadd.s32 $0x1E70, s13  }
0x43b: {  	[hbm4b:s25+s3] =	stream.linear.scatter [tilespmem:s24], [sflag:$0x1], $0x80, $0x38;
	[tilespmem:$0xC00] =	vst v63  }
0x43c: {  	s26 =	sadd.s32 $0x500, s15;
	s28 =	sadd.s32 $0x1EF0, s13  }
0x43d: {  	[hbm4b:s28+s3] =	stream.linear.scatter [tilespmem:s26], [sflag:$0x1], $0x80, $0x38;
	[tilespmem:$0xC00] =	vst v63  }
0x43e: {  	s11 =	sadd.s32 $0x2000, s11;
	s29 =	sadd.s32 $0x600, s15;
	s30 =	sadd.s32 $0x1F70, s13  }
0x43f: {  	[hbm4b:s30+s3] =	stream.linear.scatter [tilespmem:s29], [sflag:$0x1], $0x80, $0x38;
	[tilespmem:$0xC00] =	vst v63  }
0x440: {  	p1 =	sne.s32 s11, $0x20000;
	s31 =	sadd.s32 $0x700, s15;
	s13 =	sadd.s32 $0x1FF0, s13  }
0x441: {  	[hbm4b:s13+s3] =	stream.linear.scatter [tilespmem:s31], [sflag:$0x1], $0x80, $0x38;
	[tilespmem:$0xC00] =	vst v63  }
.Ltmp0:
0x442: {  	p0 =	slt.u32 s12, $0x3;
	(pc) =	sbr.rel @p1 .LBB2_2-.Ltmp0, $4  }
0x443: {  	s13 =	simm.s32 @!p0 $0x1  }
0x444: {  	_ =	swait.ge @!p0 [sflag:s13], $0x10000  }
0x445: {  	[sflag:s13] =	ssyncset.done @!p0 $0x0  }
0x446: {  	s12 =	sadd.s32 $0x1, s12;
	s10 =	sadd.s32 $0x40, s10;
	[sflag:s13] =	ssyncadd.s32 @!p0 $0xFFFF0000  }
0x447: {  	_ =	swait.ge [sflag:s8], $0x10000  }
0x448: {  	[sflag:s8] =	ssyncset.done $0x0  }
0x449: {  	s9 =	sadd.s32 $0x1, s9;
	[sflag:s8] =	ssyncadd.s32 $0xFFFF0000  }
0x44a: {  	p0 =	sne.s32 s9, s5;
	_ =	swait.ge [sflag:s8], $0x10000  }
.Ltmp1:
0x44b: {  	[sflag:s8] =	ssyncset.done $0x0;
	(pc) =	sbr.rel @p0 .LBB2_1-.Ltmp1, $4  }
0x44c: {  	[sflag:s8] =	ssyncadd.s32 $0xFFFF0000  }
0x44d: {  	_ =	swait.ge [sflag:s8], $0x10000  }
0x44e: {  	[sflag:s8] =	ssyncset.done $0x0  }
0x44f: {  	[sflag:s8] =	ssyncadd.s32 $0xFFFF0000  }
0x450: {  	_ =	sfence.sel $0x180000  }
0x451: {  	[bflag:$0x0] =	sbarrier.arrive $0xFFFF  }
0x452: {  	p0 =	sne.s32 s2, $0x0;
	_ =	strace $0x90000047  }
0x453: {  	s0 =	sadd.s32 @!p0 $0x100000, s0;
	[bflag:$0x2] =	sbarrier.arrive $0xFFFF  }
0x454: {  	[sflag:s0] =	ssyncadd.tile.s32 @!p0 $0x1;
	_ =	shalt  }
.Lfunc_end2:
_tile_overlayer_lowered:
.L_overlay_start_2:
0x455: {  	(tag) =	ssettag $0x2  }
0x456: {  	s0 =	rddreg [dreg:$0x0];
	s2 =	stileid.u32  }
0x457: {  	s1 =	rddreg [dreg:$0x1];
	p0 =	sne.s32 s2, $0x0  }
0x458: {  	s3 =	rddreg [dreg:$0x2];
	[bflag:$0x3] =	sbarrier.arrive $0xFFFF;
	s2 =	simm.s32 @!p0 $0x1C02  }
0x459: {  	[timem:s3], [sflag:s2] =	dma.local @!p0 [hbm:s0], s1  }
0x45a: {  	s0 =	simm.s32 @!p0 $0x2  }
0x45b: {  	_ =	swait.ge @!p0 [sflag:s0], s1  }
0x45c: {  	s1 =	ssub.s32 @!p0 $0x0, s1;
	[sflag:s0] =	ssyncset.done @!p0 $0x0  }
0x45d: {  	[sflag:s0] =	ssyncadd.s32 @!p0 s1  }
0x45e: {  	[bflag:$0x3] =	sbarrier.arrive $0xFFFF  }
0x45f: {  	_ =	shalt  }

</sc_bundles>
